<compile_context>
chip_gen: v7x
topology: tpu7x:2x2x1
jax: 0.10.2.dev20260603
libtpu: 0.0.44.dev20260713+nightly
codegen_flags: <defaults>
</compile_context>

<pallas_src>
import functools

import numpy as np
import jax
import jax.numpy as jnp
from jax import lax
from jax.experimental import pallas as pl
from jax.experimental.pallas import tpu as pltpu
from jax.experimental.pallas import tpu_sc as plsc

D_MODEL = 128
GLYPH_RES = 128
FIRST_SYSTEM_TOKEN = 16384
VOCAB_SIZE = 16448
SLABS = 130
VOCAB_PAD = SLABS * GLYPH_RES
FUSE_GRID = 5
SLABS_PER_BLK = SLABS // FUSE_GRID
NUM_CORES = 2
NUM_SUBCORES = 16
NUM_WORKERS = NUM_CORES * NUM_SUBCORES
CHUNK = 256
GCH = 128
NBUF = 3
LOOKAHEAD = 2


def _sine_pe(seq_len, d_model):
    pos = np.arange(seq_len)[:, None].astype(np.float32)
    div = np.exp(np.arange(0, d_model, 2).astype(np.float32)
                 * (-np.log(10000.0) / d_model))
    pe = np.zeros((seq_len, d_model), dtype=np.float32)
    pe[:, 0::2] = np.sin(pos * div)
    pe[:, 1::2] = np.cos(pos * div)
    return pe


def _fuse_body(tok_ref, cxs_ref, cys_ref, o_ref):
    k = pl.program_id(0)
    for j in range(SLABS_PER_BLK):
        slab = k * SLABS_PER_BLK + j
        regular = slab < GLYPH_RES
        yidx = jnp.where(regular, slab, 0)
        yrow = cys_ref[pl.ds(yidx, 1), :]
        xrows = jnp.where(regular, cxs_ref[...], cxs_ref[pl.ds(0, 1), :])
        lo = j * GLYPH_RES
        o_ref[lo:lo + GLYPH_RES, :] = (
            tok_ref[lo:lo + GLYPH_RES, :] + xrows + yrow)


def _build_fused(token_table, cxs, cys):
    blk = SLABS_PER_BLK * GLYPH_RES
    return pl.pallas_call(
        _fuse_body,
        grid=(FUSE_GRID,),
        in_specs=[
            pl.BlockSpec((blk, D_MODEL), lambda k: (k, 0)),
            pl.BlockSpec((GLYPH_RES, D_MODEL), lambda k: (0, 0)),
            pl.BlockSpec((GLYPH_RES, D_MODEL), lambda k: (0, 0)),
        ],
        out_specs=pl.BlockSpec((blk, D_MODEL), lambda k: (k, 0)),
        out_shape=jax.ShapeDtypeStruct((VOCAB_PAD, D_MODEL), jnp.float32),
    )(token_table, cxs, cys)


def _make_sc_gather(batch, seq_len):
    s_per_w = seq_len // NUM_WORKERS
    bchunks = batch // CHUNK
    nchunks = s_per_w * bchunks
    per_w = s_per_w * batch
    mesh = plsc.VectorSubcoreMesh(
        core_axis_name="c", subcore_axis_name="s",
        num_cores=NUM_CORES, num_subcores=NUM_SUBCORES)

    @functools.partial(
        pl.kernel,
        out_type=jax.ShapeDtypeStruct((batch, seq_len, D_MODEL), jnp.float32),
        mesh=mesh,
        scratch_types=(
            [pltpu.VMEM((per_w,), jnp.int32)]
            + [pltpu.VMEM((CHUNK, D_MODEL), jnp.float32)] * NBUF
            + [pltpu.VMEM((s_per_w, D_MODEL), jnp.float32)]
            + [pltpu.SemaphoreType.DMA] * (2 * NBUF)
        ),
    )
    def sc_gather(tokt_hbm, fused_hbm, pe_hbm, out_hbm,
                  idx_all, rows0, rows1, rows2, pe_v,
                  gsem0, gsem1, gsem2, osem0, osem1, osem2):
        rows = (rows0, rows1, rows2)
        gsem = (gsem0, gsem1, gsem2)
        osem = (osem0, osem1, osem2)
        wid = lax.axis_index("s") * NUM_CORES + lax.axis_index("c")
        s_base = wid * s_per_w
        pltpu.sync_copy(pe_hbm.at[pl.ds(s_base, s_per_w)], pe_v)
        pltpu.sync_copy(tokt_hbm.at[pl.ds(s_base * batch, per_w)], idx_all)

        def gather_wait(p):
            for h in range(CHUNK // GCH):
                pltpu.make_async_copy(
                    fused_hbm.at[idx_all.at[pl.ds(0, GCH)]],
                    rows[p].at[pl.ds(h * GCH, GCH)], gsem[p]).wait()

        def out_wait(p):
            pltpu.make_async_copy(
                rows[p], out_hbm.at[pl.ds(0, CHUNK), 0], osem[p]).wait()

        def start(m, p):
            for h in range(CHUNK // GCH):
                pltpu.async_copy(
                    fused_hbm.at[idx_all.at[pl.ds(m * CHUNK + h * GCH, GCH)]],
                    rows[p].at[pl.ds(h * GCH, GCH)], gsem[p])

        def add_and_out(m, p):
            s_off = m // bchunks
            b0 = lax.rem(m, bchunks) * CHUNK
            pe_regs = [pe_v[s_off, pl.ds(16 * c, 16)]
                       for c in range(D_MODEL // 16)]

            @plsc.parallel_loop(0, CHUNK, unroll=8)
            def _add_pe(r):
                for c in range(D_MODEL // 16):
                    sl = pl.ds(16 * c, 16)
                    rows[p][r, sl] = rows[p][r, sl] + pe_regs[c]

            pltpu.async_copy(rows[p],
                             out_hbm.at[pl.ds(b0, CHUNK), s_base + s_off],
                             osem[p])

        for m0 in range(LOOKAHEAD):
            start(m0, m0)

        def step(m, b):
            p = b % NBUF
            rb = (b + LOOKAHEAD) % NBUF

            @pl.when(m + LOOKAHEAD < nchunks)
            def _refill():
                @pl.when(m >= NBUF - LOOKAHEAD)
                def _():
                    out_wait(rb)
                start(m + LOOKAHEAD, rb)

            gather_wait(p)
            add_and_out(m, p)

        def body(i, carry):
            for b in range(NBUF):
                step(NBUF * i + b, b)
            return carry

        whole = (nchunks // NBUF) * NBUF
        lax.fori_loop(0, nchunks // NBUF, body, 0)
        for m in range(whole, nchunks):
            gather_wait(m % NBUF)
            add_and_out(m, m % NBUF)
        for p in range(NBUF):
            out_wait(p)

    return sc_gather


def kernel(font_tokens, token_table, coord_x_table, coord_y_table):
    batch, seq_len = font_tokens.shape

    cxs = coord_x_table[1:GLYPH_RES + 1]
    cys = coord_y_table[1:GLYPH_RES + 1]
    fused = _build_fused(token_table, cxs, cys)

    pe = jnp.asarray(_sine_pe(seq_len, D_MODEL))
    tokt = font_tokens.T.reshape(-1)
    sc_gather = _make_sc_gather(batch, seq_len)
    return sc_gather(tokt, fused, pe)

# --- scband reference (transcript-rebuilt; emitter-appended) ---
"""Pipeline reference for scband-font-embeddings-64046552318463 (READ-ONLY COPY).

The authoritative reference and input builder live on the scoring server;
editing this copy changes nothing except your own understanding.
"""

import jax, jax.numpy as jnp
import numpy as np

D_MODEL = 128
GLYPH_RES = 128
MAX_SEQ_LEN = 512
VOCAB_SIZE = 16448
PAD_TOKEN = 16385
FIRST_SYSTEM_TOKEN = 16384
COORD_PAD = 0
BATCH = 1024
SEQ = 512


def _sine_positional_encoding(seq_len, d_model):
    pos = np.arange(seq_len)[:, None].astype(np.float32)
    div = np.exp(np.arange(0, d_model, 2).astype(np.float32) * (-np.log(10000.0) / d_model))
    pe = np.zeros((seq_len, d_model), dtype=np.float32)
    pe[:, 0::2] = np.sin(pos * div)
    pe[:, 1::2] = np.cos(pos * div)
    return jnp.asarray(pe)


def setup_inputs(seed: int = 0):
    key = jax.random.key(seed)
    k1, k2, k3, k4 = jax.random.split(key, 4)
    font_tokens = jax.random.randint(k1, (BATCH, SEQ), 0, VOCAB_SIZE, dtype=jnp.int32)
    token_table = jax.random.normal(k2, (VOCAB_SIZE, D_MODEL), dtype=jnp.float32) * 0.02
    token_table = token_table.at[PAD_TOKEN].set(0.0)  # padding_idx row is zero
    coord_x_table = jax.random.normal(k3, (GLYPH_RES + 1, D_MODEL), dtype=jnp.float32) * 0.02
    coord_x_table = coord_x_table.at[COORD_PAD].set(0.0)
    coord_y_table = jax.random.normal(k4, (GLYPH_RES + 1, D_MODEL), dtype=jnp.float32) * 0.02
    coord_y_table = coord_y_table.at[COORD_PAD].set(0.0)
    return {
        "font_tokens": font_tokens,
        "token_table": token_table,
        "coord_x_table": coord_x_table,
        "coord_y_table": coord_y_table,
    }


def reference(font_tokens, token_table, coord_x_table, coord_y_table):
    # font_to_vec: system tokens map to point 0
    token_inds = font_tokens < FIRST_SYSTEM_TOKEN
    points = jnp.where(token_inds, font_tokens, 0)
    x_coords = points % GLYPH_RES + 1
    y_coords = points // GLYPH_RES + 1
    token_embedding = jnp.take(token_table, font_tokens, axis=0)
    coord_embedding_x = jnp.take(coord_x_table, x_coords, axis=0)
    coord_embedding_y = jnp.take(coord_y_table, y_coords, axis=0)
    embedding = token_embedding + coord_embedding_x + coord_embedding_y
    pe = _sine_positional_encoding(font_tokens.shape[1], D_MODEL)
    return embedding + pe[None, :, :]

if __name__ == "__main__":
    import jax
    _d = setup_inputs()
    print(jax.jit(kernel)(*tuple(_d.values())))

</pallas_src>

<mosaic_0001>
#map = affine_map<(d0, d1) -> (0)>
#map1 = affine_map<(d0, d1) -> (0, 0)>
#map2 = affine_map<(d0, d1) -> (0, 0, 0)>
module attributes {stable_mosaic.version = 14 : i64} {
  func.func @sc_gather(%arg0: i32, %arg1: i32, %arg2: memref<524288xi32, #tpu.memory_space<hbm>>, %arg3: memref<16640x128xf32, #tpu.memory_space<hbm>>, %arg4: memref<512x128xf32, #tpu.memory_space<hbm>>, %arg5: memref<1024x512x128xf32, #tpu.memory_space<hbm>>, %arg6: memref<16384xi32, #tpu.memory_space<vmem>>, %arg7: memref<256x128xf32, #tpu.memory_space<vmem>>, %arg8: memref<256x128xf32, #tpu.memory_space<vmem>>, %arg9: memref<256x128xf32, #tpu.memory_space<vmem>>, %arg10: memref<16x128xf32, #tpu.memory_space<vmem>>, %arg11: memref<!tpu.dma_semaphore, #tpu.memory_space<semaphore_mem>>, %arg12: memref<!tpu.dma_semaphore, #tpu.memory_space<semaphore_mem>>, %arg13: memref<!tpu.dma_semaphore, #tpu.memory_space<semaphore_mem>>, %arg14: memref<!tpu.dma_semaphore, #tpu.memory_space<semaphore_mem>>, %arg15: memref<!tpu.dma_semaphore, #tpu.memory_space<semaphore_mem>>, %arg16: memref<!tpu.dma_semaphore, #tpu.memory_space<semaphore_mem>>) attributes {dimension_semantics = [#tpu.dimension_semantics<core_parallel>, #tpu.dimension_semantics<subcore_parallel>], iteration_bounds = array<i64: 2, 16>, scalar_prefetch = 0 : i64, scratch_operands = 11 : i64, tpu.core_type = #tpu.core_type<sc_vector_subcore>, window_params = [{transform_indices = #map}, {transform_indices = #map1}, {transform_indices = #map1}, {transform_indices = #map2}]} {
    %mul3A = arith.constant 2 : i32
    %mul3A_0 = arith.muli %arg1, %mul3A : i32
    %add3A = arith.addi %mul3A_0, %arg0 : i32
    %mul3A_1 = arith.constant 16 : i32
    %mul3A_2 = arith.muli %add3A, %mul3A_1 : i32
    "tpu.region"() ({
      %run_scoped3A = tpu.sem_alloc : memref<!tpu.dma_semaphore, #tpu.memory_space<semaphore_mem>>
      %dma_start3A_136 = arith.constant 0 : i32
      %dma_start3A_137 = tpu.memref_slice %arg4[%mul3A_2, %dma_start3A_136] : memref<512x128xf32, #tpu.memory_space<hbm>> -> memref<16x128xf32, #tpu.memory_space<hbm>>
      %dma_start3A_138 = arith.constant 0 : i32
      %dma_start3A_139 = tpu.memref_slice %arg4[%mul3A_2, %dma_start3A_138] : memref<512x128xf32, #tpu.memory_space<hbm>> -> memref<16x128xf32, #tpu.memory_space<hbm>>
      tpu.enqueue_dma source(%dma_start3A_139 : memref<16x128xf32, #tpu.memory_space<hbm>>) target(%arg10 : memref<16x128xf32, #tpu.memory_space<vmem>>) target_semaphore(%run_scoped3A : memref<!tpu.dma_semaphore, #tpu.memory_space<semaphore_mem>>)
      %dma_wait3A_140 = arith.constant 0 : i32
      %dma_wait3A_141 = tpu.memref_slice %arg4[%mul3A_2, %dma_wait3A_140] : memref<512x128xf32, #tpu.memory_space<hbm>> -> memref<16x128xf32, #tpu.memory_space<hbm>>
      %dma_wait3A_142 = arith.constant 0 : i32
      %dma_wait3A_143 = tpu.memref_slice %arg4[%mul3A_2, %dma_wait3A_142] : memref<512x128xf32, #tpu.memory_space<hbm>> -> memref<16x128xf32, #tpu.memory_space<hbm>>
      tpu.wait_dma2 semaphore(%run_scoped3A : memref<!tpu.dma_semaphore, #tpu.memory_space<semaphore_mem>>) src(%dma_wait3A_143 : memref<16x128xf32, #tpu.memory_space<hbm>>) dst(%arg10 : memref<16x128xf32, #tpu.memory_space<vmem>>)
      tpu.yield
    }) : () -> ()
    %mul3A_3 = arith.constant 1024 : i32
    %mul3A_4 = arith.muli %mul3A_2, %mul3A_3 : i32
    "tpu.region"() ({
      %run_scoped3A = tpu.sem_alloc : memref<!tpu.dma_semaphore, #tpu.memory_space<semaphore_mem>>
      %dma_start3A_136 = tpu.memref_slice %arg2[%mul3A_4] : memref<524288xi32, #tpu.memory_space<hbm>> -> memref<16384xi32, #tpu.memory_space<hbm>>
      %dma_start3A_137 = tpu.memref_slice %arg2[%mul3A_4] : memref<524288xi32, #tpu.memory_space<hbm>> -> memref<16384xi32, #tpu.memory_space<hbm>>
      tpu.enqueue_dma source(%dma_start3A_137 : memref<16384xi32, #tpu.memory_space<hbm>>) target(%arg6 : memref<16384xi32, #tpu.memory_space<vmem>>) target_semaphore(%run_scoped3A : memref<!tpu.dma_semaphore, #tpu.memory_space<semaphore_mem>>)
      %dma_wait3A_138 = tpu.memref_slice %arg2[%mul3A_4] : memref<524288xi32, #tpu.memory_space<hbm>> -> memref<16384xi32, #tpu.memory_space<hbm>>
      %dma_wait3A_139 = tpu.memref_slice %arg2[%mul3A_4] : memref<524288xi32, #tpu.memory_space<hbm>> -> memref<16384xi32, #tpu.memory_space<hbm>>
      tpu.wait_dma2 semaphore(%run_scoped3A : memref<!tpu.dma_semaphore, #tpu.memory_space<semaphore_mem>>) src(%dma_wait3A_139 : memref<16384xi32, #tpu.memory_space<hbm>>) dst(%arg6 : memref<16384xi32, #tpu.memory_space<vmem>>)
      tpu.yield
    }) : () -> ()
    %dma_start3A = arith.constant 0 : i32
    %dma_start3A_5 = arith.constant 0 : i32
    %dma_start3A_6 = tpu.memref_slice %arg7[%dma_start3A, %dma_start3A_5] : memref<256x128xf32, #tpu.memory_space<vmem>> -> memref<128x128xf32, #tpu.memory_space<vmem>>
    %dma_start3A_7 = arith.constant 0 : i32
    %dma_start3A_8 = tpu.memref_slice %arg6[%dma_start3A_7] : memref<16384xi32, #tpu.memory_space<vmem>> -> memref<128xi32, #tpu.memory_space<vmem>>
    %dma_start3A_9 = arith.constant 0 : i32
    %dma_start3A_10 = arith.constant 0 : i32
    %dma_start3A_11 = tpu.memref_slice %arg3[%dma_start3A_9, %dma_start3A_10] : memref<16640x128xf32, #tpu.memory_space<hbm>> -> memref<16640x128xf32, #tpu.memory_space<hbm>>
    tpu.enqueue_indirect_dma source(%dma_start3A_11 : memref<16640x128xf32, #tpu.memory_space<hbm>>) target(%dma_start3A_6 : memref<128x128xf32, #tpu.memory_space<vmem>>) offsets(%dma_start3A_8 : memref<128xi32, #tpu.memory_space<vmem>>) semaphore(%arg11 : memref<!tpu.dma_semaphore, #tpu.memory_space<semaphore_mem>>)
    %dma_start3A_12 = arith.constant 128 : i32
    %dma_start3A_13 = arith.constant 0 : i32
    %dma_start3A_14 = tpu.memref_slice %arg7[%dma_start3A_12, %dma_start3A_13] : memref<256x128xf32, #tpu.memory_space<vmem>> -> memref<128x128xf32, #tpu.memory_space<vmem>>
    %dma_start3A_15 = arith.constant 128 : i32
    %dma_start3A_16 = tpu.memref_slice %arg6[%dma_start3A_15] : memref<16384xi32, #tpu.memory_space<vmem>> -> memref<128xi32, #tpu.memory_space<vmem>>
    %dma_start3A_17 = arith.constant 0 : i32
    %dma_start3A_18 = arith.constant 0 : i32
    %dma_start3A_19 = tpu.memref_slice %arg3[%dma_start3A_17, %dma_start3A_18] : memref<16640x128xf32, #tpu.memory_space<hbm>> -> memref<16640x128xf32, #tpu.memory_space<hbm>>
    tpu.enqueue_indirect_dma source(%dma_start3A_19 : memref<16640x128xf32, #tpu.memory_space<hbm>>) target(%dma_start3A_14 : memref<128x128xf32, #tpu.memory_space<vmem>>) offsets(%dma_start3A_16 : memref<128xi32, #tpu.memory_space<vmem>>) semaphore(%arg11 : memref<!tpu.dma_semaphore, #tpu.memory_space<semaphore_mem>>)
    %dma_start3A_20 = arith.constant 0 : i32
    %dma_start3A_21 = arith.constant 0 : i32
    %dma_start3A_22 = tpu.memref_slice %arg8[%dma_start3A_20, %dma_start3A_21] : memref<256x128xf32, #tpu.memory_space<vmem>> -> memref<128x128xf32, #tpu.memory_space<vmem>>
    %dma_start3A_23 = arith.constant 256 : i32
    %dma_start3A_24 = tpu.memref_slice %arg6[%dma_start3A_23] : memref<16384xi32, #tpu.memory_space<vmem>> -> memref<128xi32, #tpu.memory_space<vmem>>
    %dma_start3A_25 = arith.constant 0 : i32
    %dma_start3A_26 = arith.constant 0 : i32
    %dma_start3A_27 = tpu.memref_slice %arg3[%dma_start3A_25, %dma_start3A_26] : memref<16640x128xf32, #tpu.memory_space<hbm>> -> memref<16640x128xf32, #tpu.memory_space<hbm>>
    tpu.enqueue_indirect_dma source(%dma_start3A_27 : memref<16640x128xf32, #tpu.memory_space<hbm>>) target(%dma_start3A_22 : memref<128x128xf32, #tpu.memory_space<vmem>>) offsets(%dma_start3A_24 : memref<128xi32, #tpu.memory_space<vmem>>) semaphore(%arg12 : memref<!tpu.dma_semaphore, #tpu.memory_space<semaphore_mem>>)
    %dma_start3A_28 = arith.constant 128 : i32
    %dma_start3A_29 = arith.constant 0 : i32
    %dma_start3A_30 = tpu.memref_slice %arg8[%dma_start3A_28, %dma_start3A_29] : memref<256x128xf32, #tpu.memory_space<vmem>> -> memref<128x128xf32, #tpu.memory_space<vmem>>
    %dma_start3A_31 = arith.constant 384 : i32
    %dma_start3A_32 = tpu.memref_slice %arg6[%dma_start3A_31] : memref<16384xi32, #tpu.memory_space<vmem>> -> memref<128xi32, #tpu.memory_space<vmem>>
    %dma_start3A_33 = arith.constant 0 : i32
    %dma_start3A_34 = arith.constant 0 : i32
    %dma_start3A_35 = tpu.memref_slice %arg3[%dma_start3A_33, %dma_start3A_34] : memref<16640x128xf32, #tpu.memory_space<hbm>> -> memref<16640x128xf32, #tpu.memory_space<hbm>>
    tpu.enqueue_indirect_dma source(%dma_start3A_35 : memref<16640x128xf32, #tpu.memory_space<hbm>>) target(%dma_start3A_30 : memref<128x128xf32, #tpu.memory_space<vmem>>) offsets(%dma_start3A_32 : memref<128xi32, #tpu.memory_space<vmem>>) semaphore(%arg12 : memref<!tpu.dma_semaphore, #tpu.memory_space<semaphore_mem>>)
    %scan3A = arith.constant 0 : i32
    %scan3A_36 = arith.constant 0 : i32
    %scan3A_37 = arith.constant 21 : i32
    %scan3A_38 = arith.addi %scan3A_36, %scan3A_37 : i32
    %scan3A_39 = arith.constant 1 : i32
    scf.for %scan3A_136 = %scan3A_36 to %scan3A_38 step %scan3A_39  : i32 {
      %mul3A_137 = arith.constant 3 : i32
      %mul3A_138 = arith.muli %mul3A_137, %scan3A_136 : i32
      %add3A_139 = arith.constant 0 : i32
      %add3A_140 = arith.addi %mul3A_138, %add3A_139 : i32
      %add3A_141 = arith.constant 2 : i32
      %add3A_142 = arith.addi %add3A_140, %add3A_141 : i32
      %lt3A = arith.constant 64 : i32
      %lt3A_143 = arith.cmpi slt, %add3A_142, %lt3A : i32
      %convert_element_type3A = arith.extui %lt3A_143 : i1 to i32
      %cond3A = arith.constant 0 : i32
      %cond3A_144 = arith.cmpi ne, %convert_element_type3A, %cond3A : i32
      scf.if %cond3A_144 {
        %ge3A = arith.constant 1 : i32
        %ge3A_418 = arith.cmpi sge, %add3A_140, %ge3A : i32
        %convert_element_type3A_419 = arith.extui %ge3A_418 : i1 to i32
        %cond3A_420 = arith.constant 0 : i32
        %cond3A_421 = arith.cmpi ne, %convert_element_type3A_419, %cond3A_420 : i32
        scf.if %cond3A_421 {
          %dma_wait3A_446 = arith.constant 0 : i32
          %dma_wait3A_447 = arith.constant 0 : i32
          %dma_wait3A_448 = arith.constant 0 : i32
          %dma_wait3A_449 = tpu.memref_slice %arg5[%dma_wait3A_447, %dma_wait3A_446, %dma_wait3A_448] : memref<1024x512x128xf32, #tpu.memory_space<hbm>> -> memref<256x1x128xf32, #tpu.memory_space<hbm>>
          %dma_wait3A_450 = tpu.memref_squeeze %dma_wait3A_449 : memref<256x1x128xf32, #tpu.memory_space<hbm>> -> memref<256x128xf32, #tpu.memory_space<hbm>>
          %dma_wait3A_451 = arith.constant 0 : i32
          %dma_wait3A_452 = arith.constant 0 : i32
          %dma_wait3A_453 = tpu.memref_slice %arg5[%dma_wait3A_451, %dma_wait3A_446, %dma_wait3A_452] : memref<1024x512x128xf32, #tpu.memory_space<hbm>> -> memref<256x1x128xf32, #tpu.memory_space<hbm>>
          %dma_wait3A_454 = tpu.memref_squeeze %dma_wait3A_453 : memref<256x1x128xf32, #tpu.memory_space<hbm>> -> memref<256x128xf32, #tpu.memory_space<hbm>>
          tpu.wait_dma2 semaphore(%arg16 : memref<!tpu.dma_semaphore, #tpu.memory_space<semaphore_mem>>) src(%arg9 : memref<256x128xf32, #tpu.memory_space<vmem>>) dst(%dma_wait3A_454 : memref<256x128xf32, #tpu.memory_space<hbm>>)
        } else {
        }
        %add3A_422 = arith.constant 2 : i32
        %add3A_423 = arith.addi %add3A_140, %add3A_422 : i32
        %mul3A_424 = arith.constant 256 : i32
        %mul3A_425 = arith.muli %add3A_423, %mul3A_424 : i32
        %add3A_426 = arith.constant 0 : i32
        %add3A_427 = arith.addi %mul3A_425, %add3A_426 : i32
        %dma_start3A_428 = arith.constant 0 : i32
        %dma_start3A_429 = arith.constant 0 : i32
        %dma_start3A_430 = tpu.memref_slice %arg9[%dma_start3A_428, %dma_start3A_429] : memref<256x128xf32, #tpu.memory_space<vmem>> -> memref<128x128xf32, #tpu.memory_space<vmem>>
        %dma_start3A_431 = tpu.memref_slice %arg6[%add3A_427] : memref<16384xi32, #tpu.memory_space<vmem>> -> memref<128xi32, #tpu.memory_space<vmem>>
        %dma_start3A_432 = arith.constant 0 : i32
        %dma_start3A_433 = arith.constant 0 : i32
        %dma_start3A_434 = tpu.memref_slice %arg3[%dma_start3A_432, %dma_start3A_433] : memref<16640x128xf32, #tpu.memory_space<hbm>> -> memref<16640x128xf32, #tpu.memory_space<hbm>>
        tpu.enqueue_indirect_dma source(%dma_start3A_434 : memref<16640x128xf32, #tpu.memory_space<hbm>>) target(%dma_start3A_430 : memref<128x128xf32, #tpu.memory_space<vmem>>) offsets(%dma_start3A_431 : memref<128xi32, #tpu.memory_space<vmem>>) semaphore(%arg13 : memref<!tpu.dma_semaphore, #tpu.memory_space<semaphore_mem>>)
        %mul3A_435 = arith.constant 256 : i32
        %mul3A_436 = arith.muli %add3A_423, %mul3A_435 : i32
        %add3A_437 = arith.constant 128 : i32
        %add3A_438 = arith.addi %mul3A_436, %add3A_437 : i32
        %dma_start3A_439 = arith.constant 128 : i32
        %dma_start3A_440 = arith.constant 0 : i32
        %dma_start3A_441 = tpu.memref_slice %arg9[%dma_start3A_439, %dma_start3A_440] : memref<256x128xf32, #tpu.memory_space<vmem>> -> memref<128x128xf32, #tpu.memory_space<vmem>>
        %dma_start3A_442 = tpu.memref_slice %arg6[%add3A_438] : memref<16384xi32, #tpu.memory_space<vmem>> -> memref<128xi32, #tpu.memory_space<vmem>>
        %dma_start3A_443 = arith.constant 0 : i32
        %dma_start3A_444 = arith.constant 0 : i32
        %dma_start3A_445 = tpu.memref_slice %arg3[%dma_start3A_443, %dma_start3A_444] : memref<16640x128xf32, #tpu.memory_space<hbm>> -> memref<16640x128xf32, #tpu.memory_space<hbm>>
        tpu.enqueue_indirect_dma source(%dma_start3A_445 : memref<16640x128xf32, #tpu.memory_space<hbm>>) target(%dma_start3A_441 : memref<128x128xf32, #tpu.memory_space<vmem>>) offsets(%dma_start3A_442 : memref<128xi32, #tpu.memory_space<vmem>>) semaphore(%arg13 : memref<!tpu.dma_semaphore, #tpu.memory_space<semaphore_mem>>)
      } else {
      }
      %dma_wait3A_145 = arith.constant 0 : i32
      %dma_wait3A_146 = arith.constant 0 : i32
      %dma_wait3A_147 = tpu.memref_slice %arg7[%dma_wait3A_145, %dma_wait3A_146] : memref<256x128xf32, #tpu.memory_space<vmem>> -> memref<128x128xf32, #tpu.memory_space<vmem>>
      %dma_wait3A_148 = arith.constant 0 : i32
      %dma_wait3A_149 = tpu.memref_slice %arg6[%dma_wait3A_148] : memref<16384xi32, #tpu.memory_space<vmem>> -> memref<128xi32, #tpu.memory_space<vmem>>
      %dma_wait3A_150 = arith.constant 0 : i32
      %dma_wait3A_151 = arith.constant 0 : i32
      %dma_wait3A_152 = tpu.memref_slice %arg3[%dma_wait3A_150, %dma_wait3A_151] : memref<16640x128xf32, #tpu.memory_space<hbm>> -> memref<16640x128xf32, #tpu.memory_space<hbm>>
      tpu.wait_indirect_dma semaphore(%arg11 : memref<!tpu.dma_semaphore, #tpu.memory_space<semaphore_mem>>) src(%dma_wait3A_152 : memref<16640x128xf32, #tpu.memory_space<hbm>>) dst(%dma_wait3A_147 : memref<128x128xf32, #tpu.memory_space<vmem>>)
      %dma_wait3A_153 = arith.constant 128 : i32
      %dma_wait3A_154 = arith.constant 0 : i32
      %dma_wait3A_155 = tpu.memref_slice %arg7[%dma_wait3A_153, %dma_wait3A_154] : memref<256x128xf32, #tpu.memory_space<vmem>> -> memref<128x128xf32, #tpu.memory_space<vmem>>
      %dma_wait3A_156 = arith.constant 0 : i32
      %dma_wait3A_157 = tpu.memref_slice %arg6[%dma_wait3A_156] : memref<16384xi32, #tpu.memory_space<vmem>> -> memref<128xi32, #tpu.memory_space<vmem>>
      %dma_wait3A_158 = arith.constant 0 : i32
      %dma_wait3A_159 = arith.constant 0 : i32
      %dma_wait3A_160 = tpu.memref_slice %arg3[%dma_wait3A_158, %dma_wait3A_159] : memref<16640x128xf32, #tpu.memory_space<hbm>> -> memref<16640x128xf32, #tpu.memory_space<hbm>>
      tpu.wait_indirect_dma semaphore(%arg11 : memref<!tpu.dma_semaphore, #tpu.memory_space<semaphore_mem>>) src(%dma_wait3A_160 : memref<16640x128xf32, #tpu.memory_space<hbm>>) dst(%dma_wait3A_155 : memref<128x128xf32, #tpu.memory_space<vmem>>)
      %jit3A = arith.constant 4 : i32
      %div3A = arith.divsi %add3A_140, %jit3A : i32
      %sign3A = arith.constant 0 : i32
      %sign3A_161 = arith.cmpi sgt, %add3A_140, %sign3A : i32
      %sign3A_162 = arith.extui %sign3A_161 : i1 to i32
      %sign3A_163 = arith.constant 0 : i32
      %sign3A_164 = arith.cmpi slt, %add3A_140, %sign3A_163 : i32
      %sign3A_165 = arith.extui %sign3A_164 : i1 to i32
      %sign3A_166 = arith.subi %sign3A_162, %sign3A_165 : i32
      %sign3A_167 = arith.constant 0 : i32
      %sign3A_168 = arith.cmpi sgt, %jit3A, %sign3A_167 : i32
      %sign3A_169 = arith.extui %sign3A_168 : i1 to i32
      %sign3A_170 = arith.constant 0 : i32
      %sign3A_171 = arith.cmpi slt, %jit3A, %sign3A_170 : i32
      %sign3A_172 = arith.extui %sign3A_171 : i1 to i32
      %sign3A_173 = arith.subi %sign3A_169, %sign3A_172 : i32
      %ne3A = arith.cmpi ne, %sign3A_166, %sign3A_173 : i32
      %rem3A_174 = arith.remsi %add3A_140, %jit3A : i32
      %ne3A_175 = arith.constant 0 : i32
      %ne3A_176 = arith.cmpi ne, %rem3A_174, %ne3A_175 : i32
      %and3A = arith.andi %ne3A, %ne3A_176 : i1
      %sub3A = arith.constant 1 : i32
      %sub3A_177 = arith.subi %div3A, %sub3A : i32
      %select_n3A = arith.select %and3A, %sub3A_177, %div3A : i32
      %rem3A_178 = arith.constant 4 : i32
      %rem3A_179 = arith.remsi %add3A_140, %rem3A_178 : i32
      %mul3A_180 = arith.constant 256 : i32
      %mul3A_181 = arith.muli %rem3A_179, %mul3A_180 : i32
      %get3A_182 = arith.index_cast %select_n3A : i32 to index
      %get3A_183 = arith.constant 0 : index
      %get3A_184 = tpu.vector_load %arg10[%get3A_182, %get3A_183] {strides = array<i32>} : memref<16x128xf32, #tpu.memory_space<vmem>>, vector<1x16xf32>,
      %get3A_185 = vector.shape_cast %get3A_184 : vector<1x16xf32> to vector<16xf32>
      %get3A_186 = arith.index_cast %select_n3A : i32 to index
      %get3A_187 = arith.constant 16 : index
      %get3A_188 = tpu.vector_load %arg10[%get3A_186, %get3A_187] {strides = array<i32>} : memref<16x128xf32, #tpu.memory_space<vmem>>, vector<1x16xf32>,
      %get3A_189 = vector.shape_cast %get3A_188 : vector<1x16xf32> to vector<16xf32>
      %get3A_190 = arith.index_cast %select_n3A : i32 to index
      %get3A_191 = arith.constant 32 : index
      %get3A_192 = tpu.vector_load %arg10[%get3A_190, %get3A_191] {strides = array<i32>} : memref<16x128xf32, #tpu.memory_space<vmem>>, vector<1x16xf32>,
      %get3A_193 = vector.shape_cast %get3A_192 : vector<1x16xf32> to vector<16xf32>
      %get3A_194 = arith.index_cast %select_n3A : i32 to index
      %get3A_195 = arith.constant 48 : index
      %get3A_196 = tpu.vector_load %arg10[%get3A_194, %get3A_195] {strides = array<i32>} : memref<16x128xf32, #tpu.memory_space<vmem>>, vector<1x16xf32>,
      %get3A_197 = vector.shape_cast %get3A_196 : vector<1x16xf32> to vector<16xf32>
      %get3A_198 = arith.index_cast %select_n3A : i32 to index
      %get3A_199 = arith.constant 64 : index
      %get3A_200 = tpu.vector_load %arg10[%get3A_198, %get3A_199] {strides = array<i32>} : memref<16x128xf32, #tpu.memory_space<vmem>>, vector<1x16xf32>,
      %get3A_201 = vector.shape_cast %get3A_200 : vector<1x16xf32> to vector<16xf32>
      %get3A_202 = arith.index_cast %select_n3A : i32 to index
      %get3A_203 = arith.constant 80 : index
      %get3A_204 = tpu.vector_load %arg10[%get3A_202, %get3A_203] {strides = array<i32>} : memref<16x128xf32, #tpu.memory_space<vmem>>, vector<1x16xf32>,
      %get3A_205 = vector.shape_cast %get3A_204 : vector<1x16xf32> to vector<16xf32>
      %get3A_206 = arith.index_cast %select_n3A : i32 to index
      %get3A_207 = arith.constant 96 : index
      %get3A_208 = tpu.vector_load %arg10[%get3A_206, %get3A_207] {strides = array<i32>} : memref<16x128xf32, #tpu.memory_space<vmem>>, vector<1x16xf32>,
      %get3A_209 = vector.shape_cast %get3A_208 : vector<1x16xf32> to vector<16xf32>
      %get3A_210 = arith.index_cast %select_n3A : i32 to index
      %get3A_211 = arith.constant 112 : index
      %get3A_212 = tpu.vector_load %arg10[%get3A_210, %get3A_211] {strides = array<i32>} : memref<16x128xf32, #tpu.memory_space<vmem>>, vector<1x16xf32>,
      %get3A_213 = vector.shape_cast %get3A_212 : vector<1x16xf32> to vector<16xf32>
      %parallel_loop3A_214 = arith.constant 0 : i32
      %parallel_loop3A_215 = arith.constant 256 : i32
      %parallel_loop3A_216 = arith.constant 1 : i32
      scf.for %parallel_loop3A_418 = %parallel_loop3A_214 to %parallel_loop3A_215 step %parallel_loop3A_216  : i32 {
        %parallel_loop3A_419 = arith.index_cast %parallel_loop3A_418 : i32 to index
        %parallel_loop3A_420 = arith.constant 0 : index
        %parallel_loop3A_421 = tpu.vector_load %arg7[%parallel_loop3A_419, %parallel_loop3A_420] {strides = array<i32>} : memref<256x128xf32, #tpu.memory_space<vmem>>, vector<1x16xf32>,
        %parallel_loop3A_422 = vector.shape_cast %parallel_loop3A_421 : vector<1x16xf32> to vector<16xf32>
        %parallel_loop3A_423 = arith.addf %parallel_loop3A_422, %get3A_185 : vector<16xf32>
        %parallel_loop3A_424 = arith.index_cast %parallel_loop3A_418 : i32 to index
        %parallel_loop3A_425 = arith.constant 0 : index
        %parallel_loop3A_426 = tpu.vector_load %arg7[%parallel_loop3A_424, %parallel_loop3A_425] {strides = array<i32>} : memref<256x128xf32, #tpu.memory_space<vmem>>, vector<1x16xf32>,
        %parallel_loop3A_427 = vector.shape_cast %parallel_loop3A_426 : vector<1x16xf32> to vector<16xf32>
        %parallel_loop3A_428 = vector.shape_cast %parallel_loop3A_423 : vector<16xf32> to vector<1x16xf32>
        tpu.vector_store %arg7[%parallel_loop3A_424, %parallel_loop3A_425], %parallel_loop3A_428 {strides = array<i32>} : memref<256x128xf32, #tpu.memory_space<vmem>>, vector<1x16xf32>,
        %parallel_loop3A_429 = arith.index_cast %parallel_loop3A_418 : i32 to index
        %parallel_loop3A_430 = arith.constant 16 : index
        %parallel_loop3A_431 = tpu.vector_load %arg7[%parallel_loop3A_429, %parallel_loop3A_430] {strides = array<i32>} : memref<256x128xf32, #tpu.memory_space<vmem>>, vector<1x16xf32>,
        %parallel_loop3A_432 = vector.shape_cast %parallel_loop3A_431 : vector<1x16xf32> to vector<16xf32>
        %parallel_loop3A_433 = arith.addf %parallel_loop3A_432, %get3A_189 : vector<16xf32>
        %parallel_loop3A_434 = arith.index_cast %parallel_loop3A_418 : i32 to index
        %parallel_loop3A_435 = arith.constant 16 : index
        %parallel_loop3A_436 = tpu.vector_load %arg7[%parallel_loop3A_434, %parallel_loop3A_435] {strides = array<i32>} : memref<256x128xf32, #tpu.memory_space<vmem>>, vector<1x16xf32>,
        %parallel_loop3A_437 = vector.shape_cast %parallel_loop3A_436 : vector<1x16xf32> to vector<16xf32>
        %parallel_loop3A_438 = vector.shape_cast %parallel_loop3A_433 : vector<16xf32> to vector<1x16xf32>
        tpu.vector_store %arg7[%parallel_loop3A_434, %parallel_loop3A_435], %parallel_loop3A_438 {strides = array<i32>} : memref<256x128xf32, #tpu.memory_space<vmem>>, vector<1x16xf32>,
        %parallel_loop3A_439 = arith.index_cast %parallel_loop3A_418 : i32 to index
        %parallel_loop3A_440 = arith.constant 32 : index
        %parallel_loop3A_441 = tpu.vector_load %arg7[%parallel_loop3A_439, %parallel_loop3A_440] {strides = array<i32>} : memref<256x128xf32, #tpu.memory_space<vmem>>, vector<1x16xf32>,
        %parallel_loop3A_442 = vector.shape_cast %parallel_loop3A_441 : vector<1x16xf32> to vector<16xf32>
        %parallel_loop3A_443 = arith.addf %parallel_loop3A_442, %get3A_193 : vector<16xf32>
        %parallel_loop3A_444 = arith.index_cast %parallel_loop3A_418 : i32 to index
        %parallel_loop3A_445 = arith.constant 32 : index
        %parallel_loop3A_446 = tpu.vector_load %arg7[%parallel_loop3A_444, %parallel_loop3A_445] {strides = array<i32>} : memref<256x128xf32, #tpu.memory_space<vmem>>, vector<1x16xf32>,
        %parallel_loop3A_447 = vector.shape_cast %parallel_loop3A_446 : vector<1x16xf32> to vector<16xf32>
        %parallel_loop3A_448 = vector.shape_cast %parallel_loop3A_443 : vector<16xf32> to vector<1x16xf32>
        tpu.vector_store %arg7[%parallel_loop3A_444, %parallel_loop3A_445], %parallel_loop3A_448 {strides = array<i32>} : memref<256x128xf32, #tpu.memory_space<vmem>>, vector<1x16xf32>,
        %parallel_loop3A_449 = arith.index_cast %parallel_loop3A_418 : i32 to index
        %parallel_loop3A_450 = arith.constant 48 : index
        %parallel_loop3A_451 = tpu.vector_load %arg7[%parallel_loop3A_449, %parallel_loop3A_450] {strides = array<i32>} : memref<256x128xf32, #tpu.memory_space<vmem>>, vector<1x16xf32>,
        %parallel_loop3A_452 = vector.shape_cast %parallel_loop3A_451 : vector<1x16xf32> to vector<16xf32>
        %parallel_loop3A_453 = arith.addf %parallel_loop3A_452, %get3A_197 : vector<16xf32>
        %parallel_loop3A_454 = arith.index_cast %parallel_loop3A_418 : i32 to index
        %parallel_loop3A_455 = arith.constant 48 : index
        %parallel_loop3A_456 = tpu.vector_load %arg7[%parallel_loop3A_454, %parallel_loop3A_455] {strides = array<i32>} : memref<256x128xf32, #tpu.memory_space<vmem>>, vector<1x16xf32>,
        %parallel_loop3A_457 = vector.shape_cast %parallel_loop3A_456 : vector<1x16xf32> to vector<16xf32>
        %parallel_loop3A_458 = vector.shape_cast %parallel_loop3A_453 : vector<16xf32> to vector<1x16xf32>
        tpu.vector_store %arg7[%parallel_loop3A_454, %parallel_loop3A_455], %parallel_loop3A_458 {strides = array<i32>} : memref<256x128xf32, #tpu.memory_space<vmem>>, vector<1x16xf32>,
        %parallel_loop3A_459 = arith.index_cast %parallel_loop3A_418 : i32 to index
        %parallel_loop3A_460 = arith.constant 64 : index
        %parallel_loop3A_461 = tpu.vector_load %arg7[%parallel_loop3A_459, %parallel_loop3A_460] {strides = array<i32>} : memref<256x128xf32, #tpu.memory_space<vmem>>, vector<1x16xf32>,
        %parallel_loop3A_462 = vector.shape_cast %parallel_loop3A_461 : vector<1x16xf32> to vector<16xf32>
        %parallel_loop3A_463 = arith.addf %parallel_loop3A_462, %get3A_201 : vector<16xf32>
        %parallel_loop3A_464 = arith.index_cast %parallel_loop3A_418 : i32 to index
        %parallel_loop3A_465 = arith.constant 64 : index
        %parallel_loop3A_466 = tpu.vector_load %arg7[%parallel_loop3A_464, %parallel_loop3A_465] {strides = array<i32>} : memref<256x128xf32, #tpu.memory_space<vmem>>, vector<1x16xf32>,
        %parallel_loop3A_467 = vector.shape_cast %parallel_loop3A_466 : vector<1x16xf32> to vector<16xf32>
        %parallel_loop3A_468 = vector.shape_cast %parallel_loop3A_463 : vector<16xf32> to vector<1x16xf32>
        tpu.vector_store %arg7[%parallel_loop3A_464, %parallel_loop3A_465], %parallel_loop3A_468 {strides = array<i32>} : memref<256x128xf32, #tpu.memory_space<vmem>>, vector<1x16xf32>,
        %parallel_loop3A_469 = arith.index_cast %parallel_loop3A_418 : i32 to index
        %parallel_loop3A_470 = arith.constant 80 : index
        %parallel_loop3A_471 = tpu.vector_load %arg7[%parallel_loop3A_469, %parallel_loop3A_470] {strides = array<i32>} : memref<256x128xf32, #tpu.memory_space<vmem>>, vector<1x16xf32>,
        %parallel_loop3A_472 = vector.shape_cast %parallel_loop3A_471 : vector<1x16xf32> to vector<16xf32>
        %parallel_loop3A_473 = arith.addf %parallel_loop3A_472, %get3A_205 : vector<16xf32>
        %parallel_loop3A_474 = arith.index_cast %parallel_loop3A_418 : i32 to index
        %parallel_loop3A_475 = arith.constant 80 : index
        %parallel_loop3A_476 = tpu.vector_load %arg7[%parallel_loop3A_474, %parallel_loop3A_475] {strides = array<i32>} : memref<256x128xf32, #tpu.memory_space<vmem>>, vector<1x16xf32>,
        %parallel_loop3A_477 = vector.shape_cast %parallel_loop3A_476 : vector<1x16xf32> to vector<16xf32>
        %parallel_loop3A_478 = vector.shape_cast %parallel_loop3A_473 : vector<16xf32> to vector<1x16xf32>
        tpu.vector_store %arg7[%parallel_loop3A_474, %parallel_loop3A_475], %parallel_loop3A_478 {strides = array<i32>} : memref<256x128xf32, #tpu.memory_space<vmem>>, vector<1x16xf32>,
        %parallel_loop3A_479 = arith.index_cast %parallel_loop3A_418 : i32 to index
        %parallel_loop3A_480 = arith.constant 96 : index
        %parallel_loop3A_481 = tpu.vector_load %arg7[%parallel_loop3A_479, %parallel_loop3A_480] {strides = array<i32>} : memref<256x128xf32, #tpu.memory_space<vmem>>, vector<1x16xf32>,
        %parallel_loop3A_482 = vector.shape_cast %parallel_loop3A_481 : vector<1x16xf32> to vector<16xf32>
        %parallel_loop3A_483 = arith.addf %parallel_loop3A_482, %get3A_209 : vector<16xf32>
        %parallel_loop3A_484 = arith.index_cast %parallel_loop3A_418 : i32 to index
        %parallel_loop3A_485 = arith.constant 96 : index
        %parallel_loop3A_486 = tpu.vector_load %arg7[%parallel_loop3A_484, %parallel_loop3A_485] {strides = array<i32>} : memref<256x128xf32, #tpu.memory_space<vmem>>, vector<1x16xf32>,
        %parallel_loop3A_487 = vector.shape_cast %parallel_loop3A_486 : vector<1x16xf32> to vector<16xf32>
        %parallel_loop3A_488 = vector.shape_cast %parallel_loop3A_483 : vector<16xf32> to vector<1x16xf32>
        tpu.vector_store %arg7[%parallel_loop3A_484, %parallel_loop3A_485], %parallel_loop3A_488 {strides = array<i32>} : memref<256x128xf32, #tpu.memory_space<vmem>>, vector<1x16xf32>,
        %parallel_loop3A_489 = arith.index_cast %parallel_loop3A_418 : i32 to index
        %parallel_loop3A_490 = arith.constant 112 : index
        %parallel_loop3A_491 = tpu.vector_load %arg7[%parallel_loop3A_489, %parallel_loop3A_490] {strides = array<i32>} : memref<256x128xf32, #tpu.memory_space<vmem>>, vector<1x16xf32>,
        %parallel_loop3A_492 = vector.shape_cast %parallel_loop3A_491 : vector<1x16xf32> to vector<16xf32>
        %parallel_loop3A_493 = arith.addf %parallel_loop3A_492, %get3A_213 : vector<16xf32>
        %parallel_loop3A_494 = arith.index_cast %parallel_loop3A_418 : i32 to index
        %parallel_loop3A_495 = arith.constant 112 : index
        %parallel_loop3A_496 = tpu.vector_load %arg7[%parallel_loop3A_494, %parallel_loop3A_495] {strides = array<i32>} : memref<256x128xf32, #tpu.memory_space<vmem>>, vector<1x16xf32>,
        %parallel_loop3A_497 = vector.shape_cast %parallel_loop3A_496 : vector<1x16xf32> to vector<16xf32>
        %parallel_loop3A_498 = vector.shape_cast %parallel_loop3A_493 : vector<16xf32> to vector<1x16xf32>
        tpu.vector_store %arg7[%parallel_loop3A_494, %parallel_loop3A_495], %parallel_loop3A_498 {strides = array<i32>} : memref<256x128xf32, #tpu.memory_space<vmem>>, vector<1x16xf32>,
      } {sc.loop_unroll_factor = 8 : i64, sc.parallel_access}
      %add3A_217 = arith.addi %mul3A_2, %select_n3A : i32
      %dma_start3A_218 = arith.constant 0 : i32
      %dma_start3A_219 = tpu.memref_slice %arg5[%mul3A_181, %add3A_217, %dma_start3A_218] : memref<1024x512x128xf32, #tpu.memory_space<hbm>> -> memref<256x1x128xf32, #tpu.memory_space<hbm>>
      %dma_start3A_220 = tpu.memref_squeeze %dma_start3A_219 : memref<256x1x128xf32, #tpu.memory_space<hbm>> -> memref<256x128xf32, #tpu.memory_space<hbm>>
      %dma_start3A_221 = arith.constant 0 : i32
      %dma_start3A_222 = tpu.memref_slice %arg5[%mul3A_181, %add3A_217, %dma_start3A_221] : memref<1024x512x128xf32, #tpu.memory_space<hbm>> -> memref<256x1x128xf32, #tpu.memory_space<hbm>>
      %dma_start3A_223 = tpu.memref_squeeze %dma_start3A_222 : memref<256x1x128xf32, #tpu.memory_space<hbm>> -> memref<256x128xf32, #tpu.memory_space<hbm>>
      tpu.enqueue_dma source(%arg7 : memref<256x128xf32, #tpu.memory_space<vmem>>) target(%dma_start3A_223 : memref<256x128xf32, #tpu.memory_space<hbm>>) target_semaphore(%arg14 : memref<!tpu.dma_semaphore, #tpu.memory_space<semaphore_mem>>)
      %mul3A_224 = arith.constant 3 : i32
      %mul3A_225 = arith.muli %mul3A_224, %scan3A_136 : i32
      %add3A_226 = arith.constant 1 : i32
      %add3A_227 = arith.addi %mul3A_225, %add3A_226 : i32
      %add3A_228 = arith.constant 2 : i32
      %add3A_229 = arith.addi %add3A_227, %add3A_228 : i32
      %lt3A_230 = arith.constant 64 : i32
      %lt3A_231 = arith.cmpi slt, %add3A_229, %lt3A_230 : i32
      %convert_element_type3A_232 = arith.extui %lt3A_231 : i1 to i32
      %cond3A_233 = arith.constant 0 : i32
      %cond3A_234 = arith.cmpi ne, %convert_element_type3A_232, %cond3A_233 : i32
      scf.if %cond3A_234 {
        %ge3A = arith.constant 1 : i32
        %ge3A_418 = arith.cmpi sge, %add3A_227, %ge3A : i32
        %convert_element_type3A_419 = arith.extui %ge3A_418 : i1 to i32
        %cond3A_420 = arith.constant 0 : i32
        %cond3A_421 = arith.cmpi ne, %convert_element_type3A_419, %cond3A_420 : i32
        scf.if %cond3A_421 {
          %dma_wait3A_446 = arith.constant 0 : i32
          %dma_wait3A_447 = arith.constant 0 : i32
          %dma_wait3A_448 = arith.constant 0 : i32
          %dma_wait3A_449 = tpu.memref_slice %arg5[%dma_wait3A_447, %dma_wait3A_446, %dma_wait3A_448] : memref<1024x512x128xf32, #tpu.memory_space<hbm>> -> memref<256x1x128xf32, #tpu.memory_space<hbm>>
          %dma_wait3A_450 = tpu.memref_squeeze %dma_wait3A_449 : memref<256x1x128xf32, #tpu.memory_space<hbm>> -> memref<256x128xf32, #tpu.memory_space<hbm>>
          %dma_wait3A_451 = arith.constant 0 : i32
          %dma_wait3A_452 = arith.constant 0 : i32
          %dma_wait3A_453 = tpu.memref_slice %arg5[%dma_wait3A_451, %dma_wait3A_446, %dma_wait3A_452] : memref<1024x512x128xf32, #tpu.memory_space<hbm>> -> memref<256x1x128xf32, #tpu.memory_space<hbm>>
          %dma_wait3A_454 = tpu.memref_squeeze %dma_wait3A_453 : memref<256x1x128xf32, #tpu.memory_space<hbm>> -> memref<256x128xf32, #tpu.memory_space<hbm>>
          tpu.wait_dma2 semaphore(%arg14 : memref<!tpu.dma_semaphore, #tpu.memory_space<semaphore_mem>>) src(%arg7 : memref<256x128xf32, #tpu.memory_space<vmem>>) dst(%dma_wait3A_454 : memref<256x128xf32, #tpu.memory_space<hbm>>)
        } else {
        }
        %add3A_422 = arith.constant 2 : i32
        %add3A_423 = arith.addi %add3A_227, %add3A_422 : i32
        %mul3A_424 = arith.constant 256 : i32
        %mul3A_425 = arith.muli %add3A_423, %mul3A_424 : i32
        %add3A_426 = arith.constant 0 : i32
        %add3A_427 = arith.addi %mul3A_425, %add3A_426 : i32
        %dma_start3A_428 = arith.constant 0 : i32
        %dma_start3A_429 = arith.constant 0 : i32
        %dma_start3A_430 = tpu.memref_slice %arg7[%dma_start3A_428, %dma_start3A_429] : memref<256x128xf32, #tpu.memory_space<vmem>> -> memref<128x128xf32, #tpu.memory_space<vmem>>
        %dma_start3A_431 = tpu.memref_slice %arg6[%add3A_427] : memref<16384xi32, #tpu.memory_space<vmem>> -> memref<128xi32, #tpu.memory_space<vmem>>
        %dma_start3A_432 = arith.constant 0 : i32
        %dma_start3A_433 = arith.constant 0 : i32
        %dma_start3A_434 = tpu.memref_slice %arg3[%dma_start3A_432, %dma_start3A_433] : memref<16640x128xf32, #tpu.memory_space<hbm>> -> memref<16640x128xf32, #tpu.memory_space<hbm>>
        tpu.enqueue_indirect_dma source(%dma_start3A_434 : memref<16640x128xf32, #tpu.memory_space<hbm>>) target(%dma_start3A_430 : memref<128x128xf32, #tpu.memory_space<vmem>>) offsets(%dma_start3A_431 : memref<128xi32, #tpu.memory_space<vmem>>) semaphore(%arg11 : memref<!tpu.dma_semaphore, #tpu.memory_space<semaphore_mem>>)
        %mul3A_435 = arith.constant 256 : i32
        %mul3A_436 = arith.muli %add3A_423, %mul3A_435 : i32
        %add3A_437 = arith.constant 128 : i32
        %add3A_438 = arith.addi %mul3A_436, %add3A_437 : i32
        %dma_start3A_439 = arith.constant 128 : i32
        %dma_start3A_440 = arith.constant 0 : i32
        %dma_start3A_441 = tpu.memref_slice %arg7[%dma_start3A_439, %dma_start3A_440] : memref<256x128xf32, #tpu.memory_space<vmem>> -> memref<128x128xf32, #tpu.memory_space<vmem>>
        %dma_start3A_442 = tpu.memref_slice %arg6[%add3A_438] : memref<16384xi32, #tpu.memory_space<vmem>> -> memref<128xi32, #tpu.memory_space<vmem>>
        %dma_start3A_443 = arith.constant 0 : i32
        %dma_start3A_444 = arith.constant 0 : i32
        %dma_start3A_445 = tpu.memref_slice %arg3[%dma_start3A_443, %dma_start3A_444] : memref<16640x128xf32, #tpu.memory_space<hbm>> -> memref<16640x128xf32, #tpu.memory_space<hbm>>
        tpu.enqueue_indirect_dma source(%dma_start3A_445 : memref<16640x128xf32, #tpu.memory_space<hbm>>) target(%dma_start3A_441 : memref<128x128xf32, #tpu.memory_space<vmem>>) offsets(%dma_start3A_442 : memref<128xi32, #tpu.memory_space<vmem>>) semaphore(%arg11 : memref<!tpu.dma_semaphore, #tpu.memory_space<semaphore_mem>>)
      } else {
      }
      %dma_wait3A_235 = arith.constant 0 : i32
      %dma_wait3A_236 = arith.constant 0 : i32
      %dma_wait3A_237 = tpu.memref_slice %arg8[%dma_wait3A_235, %dma_wait3A_236] : memref<256x128xf32, #tpu.memory_space<vmem>> -> memref<128x128xf32, #tpu.memory_space<vmem>>
      %dma_wait3A_238 = arith.constant 0 : i32
      %dma_wait3A_239 = tpu.memref_slice %arg6[%dma_wait3A_238] : memref<16384xi32, #tpu.memory_space<vmem>> -> memref<128xi32, #tpu.memory_space<vmem>>
      %dma_wait3A_240 = arith.constant 0 : i32
      %dma_wait3A_241 = arith.constant 0 : i32
      %dma_wait3A_242 = tpu.memref_slice %arg3[%dma_wait3A_240, %dma_wait3A_241] : memref<16640x128xf32, #tpu.memory_space<hbm>> -> memref<16640x128xf32, #tpu.memory_space<hbm>>
      tpu.wait_indirect_dma semaphore(%arg12 : memref<!tpu.dma_semaphore, #tpu.memory_space<semaphore_mem>>) src(%dma_wait3A_242 : memref<16640x128xf32, #tpu.memory_space<hbm>>) dst(%dma_wait3A_237 : memref<128x128xf32, #tpu.memory_space<vmem>>)
      %dma_wait3A_243 = arith.constant 128 : i32
      %dma_wait3A_244 = arith.constant 0 : i32
      %dma_wait3A_245 = tpu.memref_slice %arg8[%dma_wait3A_243, %dma_wait3A_244] : memref<256x128xf32, #tpu.memory_space<vmem>> -> memref<128x128xf32, #tpu.memory_space<vmem>>
      %dma_wait3A_246 = arith.constant 0 : i32
      %dma_wait3A_247 = tpu.memref_slice %arg6[%dma_wait3A_246] : memref<16384xi32, #tpu.memory_space<vmem>> -> memref<128xi32, #tpu.memory_space<vmem>>
      %dma_wait3A_248 = arith.constant 0 : i32
      %dma_wait3A_249 = arith.constant 0 : i32
      %dma_wait3A_250 = tpu.memref_slice %arg3[%dma_wait3A_248, %dma_wait3A_249] : memref<16640x128xf32, #tpu.memory_space<hbm>> -> memref<16640x128xf32, #tpu.memory_space<hbm>>
      tpu.wait_indirect_dma semaphore(%arg12 : memref<!tpu.dma_semaphore, #tpu.memory_space<semaphore_mem>>) src(%dma_wait3A_250 : memref<16640x128xf32, #tpu.memory_space<hbm>>) dst(%dma_wait3A_245 : memref<128x128xf32, #tpu.memory_space<vmem>>)
      %jit3A_251 = arith.constant 4 : i32
      %div3A_252 = arith.divsi %add3A_227, %jit3A_251 : i32
      %sign3A_253 = arith.constant 0 : i32
      %sign3A_254 = arith.cmpi sgt, %add3A_227, %sign3A_253 : i32
      %sign3A_255 = arith.extui %sign3A_254 : i1 to i32
      %sign3A_256 = arith.constant 0 : i32
      %sign3A_257 = arith.cmpi slt, %add3A_227, %sign3A_256 : i32
      %sign3A_258 = arith.extui %sign3A_257 : i1 to i32
      %sign3A_259 = arith.subi %sign3A_255, %sign3A_258 : i32
      %sign3A_260 = arith.constant 0 : i32
      %sign3A_261 = arith.cmpi sgt, %jit3A_251, %sign3A_260 : i32
      %sign3A_262 = arith.extui %sign3A_261 : i1 to i32
      %sign3A_263 = arith.constant 0 : i32
      %sign3A_264 = arith.cmpi slt, %jit3A_251, %sign3A_263 : i32
      %sign3A_265 = arith.extui %sign3A_264 : i1 to i32
      %sign3A_266 = arith.subi %sign3A_262, %sign3A_265 : i32
      %ne3A_267 = arith.cmpi ne, %sign3A_259, %sign3A_266 : i32
      %rem3A_268 = arith.remsi %add3A_227, %jit3A_251 : i32
      %ne3A_269 = arith.constant 0 : i32
      %ne3A_270 = arith.cmpi ne, %rem3A_268, %ne3A_269 : i32
      %and3A_271 = arith.andi %ne3A_267, %ne3A_270 : i1
      %sub3A_272 = arith.constant 1 : i32
      %sub3A_273 = arith.subi %div3A_252, %sub3A_272 : i32
      %select_n3A_274 = arith.select %and3A_271, %sub3A_273, %div3A_252 : i32
      %rem3A_275 = arith.constant 4 : i32
      %rem3A_276 = arith.remsi %add3A_227, %rem3A_275 : i32
      %mul3A_277 = arith.constant 256 : i32
      %mul3A_278 = arith.muli %rem3A_276, %mul3A_277 : i32
      %get3A_279 = arith.index_cast %select_n3A_274 : i32 to index
      %get3A_280 = arith.constant 0 : index
      %get3A_281 = tpu.vector_load %arg10[%get3A_279, %get3A_280] {strides = array<i32>} : memref<16x128xf32, #tpu.memory_space<vmem>>, vector<1x16xf32>,
      %get3A_282 = vector.shape_cast %get3A_281 : vector<1x16xf32> to vector<16xf32>
      %get3A_283 = arith.index_cast %select_n3A_274 : i32 to index
      %get3A_284 = arith.constant 16 : index
      %get3A_285 = tpu.vector_load %arg10[%get3A_283, %get3A_284] {strides = array<i32>} : memref<16x128xf32, #tpu.memory_space<vmem>>, vector<1x16xf32>,
      %get3A_286 = vector.shape_cast %get3A_285 : vector<1x16xf32> to vector<16xf32>
      %get3A_287 = arith.index_cast %select_n3A_274 : i32 to index
      %get3A_288 = arith.constant 32 : index
      %get3A_289 = tpu.vector_load %arg10[%get3A_287, %get3A_288] {strides = array<i32>} : memref<16x128xf32, #tpu.memory_space<vmem>>, vector<1x16xf32>,
      %get3A_290 = vector.shape_cast %get3A_289 : vector<1x16xf32> to vector<16xf32>
      %get3A_291 = arith.index_cast %select_n3A_274 : i32 to index
      %get3A_292 = arith.constant 48 : index
      %get3A_293 = tpu.vector_load %arg10[%get3A_291, %get3A_292] {strides = array<i32>} : memref<16x128xf32, #tpu.memory_space<vmem>>, vector<1x16xf32>,
      %get3A_294 = vector.shape_cast %get3A_293 : vector<1x16xf32> to vector<16xf32>
      %get3A_295 = arith.index_cast %select_n3A_274 : i32 to index
      %get3A_296 = arith.constant 64 : index
      %get3A_297 = tpu.vector_load %arg10[%get3A_295, %get3A_296] {strides = array<i32>} : memref<16x128xf32, #tpu.memory_space<vmem>>, vector<1x16xf32>,
      %get3A_298 = vector.shape_cast %get3A_297 : vector<1x16xf32> to vector<16xf32>
      %get3A_299 = arith.index_cast %select_n3A_274 : i32 to index
      %get3A_300 = arith.constant 80 : index
      %get3A_301 = tpu.vector_load %arg10[%get3A_299, %get3A_300] {strides = array<i32>} : memref<16x128xf32, #tpu.memory_space<vmem>>, vector<1x16xf32>,
      %get3A_302 = vector.shape_cast %get3A_301 : vector<1x16xf32> to vector<16xf32>
      %get3A_303 = arith.index_cast %select_n3A_274 : i32 to index
      %get3A_304 = arith.constant 96 : index
      %get3A_305 = tpu.vector_load %arg10[%get3A_303, %get3A_304] {strides = array<i32>} : memref<16x128xf32, #tpu.memory_space<vmem>>, vector<1x16xf32>,
      %get3A_306 = vector.shape_cast %get3A_305 : vector<1x16xf32> to vector<16xf32>
      %get3A_307 = arith.index_cast %select_n3A_274 : i32 to index
      %get3A_308 = arith.constant 112 : index
      %get3A_309 = tpu.vector_load %arg10[%get3A_307, %get3A_308] {strides = array<i32>} : memref<16x128xf32, #tpu.memory_space<vmem>>, vector<1x16xf32>,
      %get3A_310 = vector.shape_cast %get3A_309 : vector<1x16xf32> to vector<16xf32>
      %parallel_loop3A_311 = arith.constant 0 : i32
      %parallel_loop3A_312 = arith.constant 256 : i32
      %parallel_loop3A_313 = arith.constant 1 : i32
      scf.for %parallel_loop3A_418 = %parallel_loop3A_311 to %parallel_loop3A_312 step %parallel_loop3A_313  : i32 {
        %parallel_loop3A_419 = arith.index_cast %parallel_loop3A_418 : i32 to index
        %parallel_loop3A_420 = arith.constant 0 : index
        %parallel_loop3A_421 = tpu.vector_load %arg8[%parallel_loop3A_419, %parallel_loop3A_420] {strides = array<i32>} : memref<256x128xf32, #tpu.memory_space<vmem>>, vector<1x16xf32>,
        %parallel_loop3A_422 = vector.shape_cast %parallel_loop3A_421 : vector<1x16xf32> to vector<16xf32>
        %parallel_loop3A_423 = arith.addf %parallel_loop3A_422, %get3A_282 : vector<16xf32>
        %parallel_loop3A_424 = arith.index_cast %parallel_loop3A_418 : i32 to index
        %parallel_loop3A_425 = arith.constant 0 : index
        %parallel_loop3A_426 = tpu.vector_load %arg8[%parallel_loop3A_424, %parallel_loop3A_425] {strides = array<i32>} : memref<256x128xf32, #tpu.memory_space<vmem>>, vector<1x16xf32>,
        %parallel_loop3A_427 = vector.shape_cast %parallel_loop3A_426 : vector<1x16xf32> to vector<16xf32>
        %parallel_loop3A_428 = vector.shape_cast %parallel_loop3A_423 : vector<16xf32> to vector<1x16xf32>
        tpu.vector_store %arg8[%parallel_loop3A_424, %parallel_loop3A_425], %parallel_loop3A_428 {strides = array<i32>} : memref<256x128xf32, #tpu.memory_space<vmem>>, vector<1x16xf32>,
        %parallel_loop3A_429 = arith.index_cast %parallel_loop3A_418 : i32 to index
        %parallel_loop3A_430 = arith.constant 16 : index
        %parallel_loop3A_431 = tpu.vector_load %arg8[%parallel_loop3A_429, %parallel_loop3A_430] {strides = array<i32>} : memref<256x128xf32, #tpu.memory_space<vmem>>, vector<1x16xf32>,
        %parallel_loop3A_432 = vector.shape_cast %parallel_loop3A_431 : vector<1x16xf32> to vector<16xf32>
        %parallel_loop3A_433 = arith.addf %parallel_loop3A_432, %get3A_286 : vector<16xf32>
        %parallel_loop3A_434 = arith.index_cast %parallel_loop3A_418 : i32 to index
        %parallel_loop3A_435 = arith.constant 16 : index
        %parallel_loop3A_436 = tpu.vector_load %arg8[%parallel_loop3A_434, %parallel_loop3A_435] {strides = array<i32>} : memref<256x128xf32, #tpu.memory_space<vmem>>, vector<1x16xf32>,
        %parallel_loop3A_437 = vector.shape_cast %parallel_loop3A_436 : vector<1x16xf32> to vector<16xf32>
        %parallel_loop3A_438 = vector.shape_cast %parallel_loop3A_433 : vector<16xf32> to vector<1x16xf32>
        tpu.vector_store %arg8[%parallel_loop3A_434, %parallel_loop3A_435], %parallel_loop3A_438 {strides = array<i32>} : memref<256x128xf32, #tpu.memory_space<vmem>>, vector<1x16xf32>,
        %parallel_loop3A_439 = arith.index_cast %parallel_loop3A_418 : i32 to index
        %parallel_loop3A_440 = arith.constant 32 : index
        %parallel_loop3A_441 = tpu.vector_load %arg8[%parallel_loop3A_439, %parallel_loop3A_440] {strides = array<i32>} : memref<256x128xf32, #tpu.memory_space<vmem>>, vector<1x16xf32>,
        %parallel_loop3A_442 = vector.shape_cast %parallel_loop3A_441 : vector<1x16xf32> to vector<16xf32>
        %parallel_loop3A_443 = arith.addf %parallel_loop3A_442, %get3A_290 : vector<16xf32>
        %parallel_loop3A_444 = arith.index_cast %parallel_loop3A_418 : i32 to index
        %parallel_loop3A_445 = arith.constant 32 : index
        %parallel_loop3A_446 = tpu.vector_load %arg8[%parallel_loop3A_444, %parallel_loop3A_445] {strides = array<i32>} : memref<256x128xf32, #tpu.memory_space<vmem>>, vector<1x16xf32>,
        %parallel_loop3A_447 = vector.shape_cast %parallel_loop3A_446 : vector<1x16xf32> to vector<16xf32>
        %parallel_loop3A_448 = vector.shape_cast %parallel_loop3A_443 : vector<16xf32> to vector<1x16xf32>
        tpu.vector_store %arg8[%parallel_loop3A_444, %parallel_loop3A_445], %parallel_loop3A_448 {strides = array<i32>} : memref<256x128xf32, #tpu.memory_space<vmem>>, vector<1x16xf32>,
        %parallel_loop3A_449 = arith.index_cast %parallel_loop3A_418 : i32 to index
        %parallel_loop3A_450 = arith.constant 48 : index
        %parallel_loop3A_451 = tpu.vector_load %arg8[%parallel_loop3A_449, %parallel_loop3A_450] {strides = array<i32>} : memref<256x128xf32, #tpu.memory_space<vmem>>, vector<1x16xf32>,
        %parallel_loop3A_452 = vector.shape_cast %parallel_loop3A_451 : vector<1x16xf32> to vector<16xf32>
        %parallel_loop3A_453 = arith.addf %parallel_loop3A_452, %get3A_294 : vector<16xf32>
        %parallel_loop3A_454 = arith.index_cast %parallel_loop3A_418 : i32 to index
        %parallel_loop3A_455 = arith.constant 48 : index
        %parallel_loop3A_456 = tpu.vector_load %arg8[%parallel_loop3A_454, %parallel_loop3A_455] {strides = array<i32>} : memref<256x128xf32, #tpu.memory_space<vmem>>, vector<1x16xf32>,
        %parallel_loop3A_457 = vector.shape_cast %parallel_loop3A_456 : vector<1x16xf32> to vector<16xf32>
        %parallel_loop3A_458 = vector.shape_cast %parallel_loop3A_453 : vector<16xf32> to vector<1x16xf32>
        tpu.vector_store %arg8[%parallel_loop3A_454, %parallel_loop3A_455], %parallel_loop3A_458 {strides = array<i32>} : memref<256x128xf32, #tpu.memory_space<vmem>>, vector<1x16xf32>,
        %parallel_loop3A_459 = arith.index_cast %parallel_loop3A_418 : i32 to index
        %parallel_loop3A_460 = arith.constant 64 : index
        %parallel_loop3A_461 = tpu.vector_load %arg8[%parallel_loop3A_459, %parallel_loop3A_460] {strides = array<i32>} : memref<256x128xf32, #tpu.memory_space<vmem>>, vector<1x16xf32>,
        %parallel_loop3A_462 = vector.shape_cast %parallel_loop3A_461 : vector<1x16xf32> to vector<16xf32>
        %parallel_loop3A_463 = arith.addf %parallel_loop3A_462, %get3A_298 : vector<16xf32>
        %parallel_loop3A_464 = arith.index_cast %parallel_loop3A_418 : i32 to index
        %parallel_loop3A_465 = arith.constant 64 : index
        %parallel_loop3A_466 = tpu.vector_load %arg8[%parallel_loop3A_464, %parallel_loop3A_465] {strides = array<i32>} : memref<256x128xf32, #tpu.memory_space<vmem>>, vector<1x16xf32>,
        %parallel_loop3A_467 = vector.shape_cast %parallel_loop3A_466 : vector<1x16xf32> to vector<16xf32>
        %parallel_loop3A_468 = vector.shape_cast %parallel_loop3A_463 : vector<16xf32> to vector<1x16xf32>
        tpu.vector_store %arg8[%parallel_loop3A_464, %parallel_loop3A_465], %parallel_loop3A_468 {strides = array<i32>} : memref<256x128xf32, #tpu.memory_space<vmem>>, vector<1x16xf32>,
        %parallel_loop3A_469 = arith.index_cast %parallel_loop3A_418 : i32 to index
        %parallel_loop3A_470 = arith.constant 80 : index
        %parallel_loop3A_471 = tpu.vector_load %arg8[%parallel_loop3A_469, %parallel_loop3A_470] {strides = array<i32>} : memref<256x128xf32, #tpu.memory_space<vmem>>, vector<1x16xf32>,
        %parallel_loop3A_472 = vector.shape_cast %parallel_loop3A_471 : vector<1x16xf32> to vector<16xf32>
        %parallel_loop3A_473 = arith.addf %parallel_loop3A_472, %get3A_302 : vector<16xf32>
        %parallel_loop3A_474 = arith.index_cast %parallel_loop3A_418 : i32 to index
        %parallel_loop3A_475 = arith.constant 80 : index
        %parallel_loop3A_476 = tpu.vector_load %arg8[%parallel_loop3A_474, %parallel_loop3A_475] {strides = array<i32>} : memref<256x128xf32, #tpu.memory_space<vmem>>, vector<1x16xf32>,
        %parallel_loop3A_477 = vector.shape_cast %parallel_loop3A_476 : vector<1x16xf32> to vector<16xf32>
        %parallel_loop3A_478 = vector.shape_cast %parallel_loop3A_473 : vector<16xf32> to vector<1x16xf32>
        tpu.vector_store %arg8[%parallel_loop3A_474, %parallel_loop3A_475], %parallel_loop3A_478 {strides = array<i32>} : memref<256x128xf32, #tpu.memory_space<vmem>>, vector<1x16xf32>,
        %parallel_loop3A_479 = arith.index_cast %parallel_loop3A_418 : i32 to index
        %parallel_loop3A_480 = arith.constant 96 : index
        %parallel_loop3A_481 = tpu.vector_load %arg8[%parallel_loop3A_479, %parallel_loop3A_480] {strides = array<i32>} : memref<256x128xf32, #tpu.memory_space<vmem>>, vector<1x16xf32>,
        %parallel_loop3A_482 = vector.shape_cast %parallel_loop3A_481 : vector<1x16xf32> to vector<16xf32>
        %parallel_loop3A_483 = arith.addf %parallel_loop3A_482, %get3A_306 : vector<16xf32>
        %parallel_loop3A_484 = arith.index_cast %parallel_loop3A_418 : i32 to index
        %parallel_loop3A_485 = arith.constant 96 : index
        %parallel_loop3A_486 = tpu.vector_load %arg8[%parallel_loop3A_484, %parallel_loop3A_485] {strides = array<i32>} : memref<256x128xf32, #tpu.memory_space<vmem>>, vector<1x16xf32>,
        %parallel_loop3A_487 = vector.shape_cast %parallel_loop3A_486 : vector<1x16xf32> to vector<16xf32>
        %parallel_loop3A_488 = vector.shape_cast %parallel_loop3A_483 : vector<16xf32> to vector<1x16xf32>
        tpu.vector_store %arg8[%parallel_loop3A_484, %parallel_loop3A_485], %parallel_loop3A_488 {strides = array<i32>} : memref<256x128xf32, #tpu.memory_space<vmem>>, vector<1x16xf32>,
        %parallel_loop3A_489 = arith.index_cast %parallel_loop3A_418 : i32 to index
        %parallel_loop3A_490 = arith.constant 112 : index
        %parallel_loop3A_491 = tpu.vector_load %arg8[%parallel_loop3A_489, %parallel_loop3A_490] {strides = array<i32>} : memref<256x128xf32, #tpu.memory_space<vmem>>, vector<1x16xf32>,
        %parallel_loop3A_492 = vector.shape_cast %parallel_loop3A_491 : vector<1x16xf32> to vector<16xf32>
        %parallel_loop3A_493 = arith.addf %parallel_loop3A_492, %get3A_310 : vector<16xf32>
        %parallel_loop3A_494 = arith.index_cast %parallel_loop3A_418 : i32 to index
        %parallel_loop3A_495 = arith.constant 112 : index
        %parallel_loop3A_496 = tpu.vector_load %arg8[%parallel_loop3A_494, %parallel_loop3A_495] {strides = array<i32>} : memref<256x128xf32, #tpu.memory_space<vmem>>, vector<1x16xf32>,
        %parallel_loop3A_497 = vector.shape_cast %parallel_loop3A_496 : vector<1x16xf32> to vector<16xf32>
        %parallel_loop3A_498 = vector.shape_cast %parallel_loop3A_493 : vector<16xf32> to vector<1x16xf32>
        tpu.vector_store %arg8[%parallel_loop3A_494, %parallel_loop3A_495], %parallel_loop3A_498 {strides = array<i32>} : memref<256x128xf32, #tpu.memory_space<vmem>>, vector<1x16xf32>,
      } {sc.loop_unroll_factor = 8 : i64, sc.parallel_access}
      %add3A_314 = arith.addi %mul3A_2, %select_n3A_274 : i32
      %dma_start3A_315 = arith.constant 0 : i32
      %dma_start3A_316 = tpu.memref_slice %arg5[%mul3A_278, %add3A_314, %dma_start3A_315] : memref<1024x512x128xf32, #tpu.memory_space<hbm>> -> memref<256x1x128xf32, #tpu.memory_space<hbm>>
      %dma_start3A_317 = tpu.memref_squeeze %dma_start3A_316 : memref<256x1x128xf32, #tpu.memory_space<hbm>> -> memref<256x128xf32, #tpu.memory_space<hbm>>
      %dma_start3A_318 = arith.constant 0 : i32
      %dma_start3A_319 = tpu.memref_slice %arg5[%mul3A_278, %add3A_314, %dma_start3A_318] : memref<1024x512x128xf32, #tpu.memory_space<hbm>> -> memref<256x1x128xf32, #tpu.memory_space<hbm>>
      %dma_start3A_320 = tpu.memref_squeeze %dma_start3A_319 : memref<256x1x128xf32, #tpu.memory_space<hbm>> -> memref<256x128xf32, #tpu.memory_space<hbm>>
      tpu.enqueue_dma source(%arg8 : memref<256x128xf32, #tpu.memory_space<vmem>>) target(%dma_start3A_320 : memref<256x128xf32, #tpu.memory_space<hbm>>) target_semaphore(%arg15 : memref<!tpu.dma_semaphore, #tpu.memory_space<semaphore_mem>>)
      %mul3A_321 = arith.constant 3 : i32
      %mul3A_322 = arith.muli %mul3A_321, %scan3A_136 : i32
      %add3A_323 = arith.constant 2 : i32
      %add3A_324 = arith.addi %mul3A_322, %add3A_323 : i32
      %add3A_325 = arith.constant 2 : i32
      %add3A_326 = arith.addi %add3A_324, %add3A_325 : i32
      %lt3A_327 = arith.constant 64 : i32
      %lt3A_328 = arith.cmpi slt, %add3A_326, %lt3A_327 : i32
      %convert_element_type3A_329 = arith.extui %lt3A_328 : i1 to i32
      %cond3A_330 = arith.constant 0 : i32
      %cond3A_331 = arith.cmpi ne, %convert_element_type3A_329, %cond3A_330 : i32
      scf.if %cond3A_331 {
        %ge3A = arith.constant 1 : i32
        %ge3A_418 = arith.cmpi sge, %add3A_324, %ge3A : i32
        %convert_element_type3A_419 = arith.extui %ge3A_418 : i1 to i32
        %cond3A_420 = arith.constant 0 : i32
        %cond3A_421 = arith.cmpi ne, %convert_element_type3A_419, %cond3A_420 : i32
        scf.if %cond3A_421 {
          %dma_wait3A_446 = arith.constant 0 : i32
          %dma_wait3A_447 = arith.constant 0 : i32
          %dma_wait3A_448 = arith.constant 0 : i32
          %dma_wait3A_449 = tpu.memref_slice %arg5[%dma_wait3A_447, %dma_wait3A_446, %dma_wait3A_448] : memref<1024x512x128xf32, #tpu.memory_space<hbm>> -> memref<256x1x128xf32, #tpu.memory_space<hbm>>
          %dma_wait3A_450 = tpu.memref_squeeze %dma_wait3A_449 : memref<256x1x128xf32, #tpu.memory_space<hbm>> -> memref<256x128xf32, #tpu.memory_space<hbm>>
          %dma_wait3A_451 = arith.constant 0 : i32
          %dma_wait3A_452 = arith.constant 0 : i32
          %dma_wait3A_453 = tpu.memref_slice %arg5[%dma_wait3A_451, %dma_wait3A_446, %dma_wait3A_452] : memref<1024x512x128xf32, #tpu.memory_space<hbm>> -> memref<256x1x128xf32, #tpu.memory_space<hbm>>
          %dma_wait3A_454 = tpu.memref_squeeze %dma_wait3A_453 : memref<256x1x128xf32, #tpu.memory_space<hbm>> -> memref<256x128xf32, #tpu.memory_space<hbm>>
          tpu.wait_dma2 semaphore(%arg15 : memref<!tpu.dma_semaphore, #tpu.memory_space<semaphore_mem>>) src(%arg8 : memref<256x128xf32, #tpu.memory_space<vmem>>) dst(%dma_wait3A_454 : memref<256x128xf32, #tpu.memory_space<hbm>>)
        } else {
        }
        %add3A_422 = arith.constant 2 : i32
        %add3A_423 = arith.addi %add3A_324, %add3A_422 : i32
        %mul3A_424 = arith.constant 256 : i32
        %mul3A_425 = arith.muli %add3A_423, %mul3A_424 : i32
        %add3A_426 = arith.constant 0 : i32
        %add3A_427 = arith.addi %mul3A_425, %add3A_426 : i32
        %dma_start3A_428 = arith.constant 0 : i32
        %dma_start3A_429 = arith.constant 0 : i32
        %dma_start3A_430 = tpu.memref_slice %arg8[%dma_start3A_428, %dma_start3A_429] : memref<256x128xf32, #tpu.memory_space<vmem>> -> memref<128x128xf32, #tpu.memory_space<vmem>>
        %dma_start3A_431 = tpu.memref_slice %arg6[%add3A_427] : memref<16384xi32, #tpu.memory_space<vmem>> -> memref<128xi32, #tpu.memory_space<vmem>>
        %dma_start3A_432 = arith.constant 0 : i32
        %dma_start3A_433 = arith.constant 0 : i32
        %dma_start3A_434 = tpu.memref_slice %arg3[%dma_start3A_432, %dma_start3A_433] : memref<16640x128xf32, #tpu.memory_space<hbm>> -> memref<16640x128xf32, #tpu.memory_space<hbm>>
        tpu.enqueue_indirect_dma source(%dma_start3A_434 : memref<16640x128xf32, #tpu.memory_space<hbm>>) target(%dma_start3A_430 : memref<128x128xf32, #tpu.memory_space<vmem>>) offsets(%dma_start3A_431 : memref<128xi32, #tpu.memory_space<vmem>>) semaphore(%arg12 : memref<!tpu.dma_semaphore, #tpu.memory_space<semaphore_mem>>)
        %mul3A_435 = arith.constant 256 : i32
        %mul3A_436 = arith.muli %add3A_423, %mul3A_435 : i32
        %add3A_437 = arith.constant 128 : i32
        %add3A_438 = arith.addi %mul3A_436, %add3A_437 : i32
        %dma_start3A_439 = arith.constant 128 : i32
        %dma_start3A_440 = arith.constant 0 : i32
        %dma_start3A_441 = tpu.memref_slice %arg8[%dma_start3A_439, %dma_start3A_440] : memref<256x128xf32, #tpu.memory_space<vmem>> -> memref<128x128xf32, #tpu.memory_space<vmem>>
        %dma_start3A_442 = tpu.memref_slice %arg6[%add3A_438] : memref<16384xi32, #tpu.memory_space<vmem>> -> memref<128xi32, #tpu.memory_space<vmem>>
        %dma_start3A_443 = arith.constant 0 : i32
        %dma_start3A_444 = arith.constant 0 : i32
        %dma_start3A_445 = tpu.memref_slice %arg3[%dma_start3A_443, %dma_start3A_444] : memref<16640x128xf32, #tpu.memory_space<hbm>> -> memref<16640x128xf32, #tpu.memory_space<hbm>>
        tpu.enqueue_indirect_dma source(%dma_start3A_445 : memref<16640x128xf32, #tpu.memory_space<hbm>>) target(%dma_start3A_441 : memref<128x128xf32, #tpu.memory_space<vmem>>) offsets(%dma_start3A_442 : memref<128xi32, #tpu.memory_space<vmem>>) semaphore(%arg12 : memref<!tpu.dma_semaphore, #tpu.memory_space<semaphore_mem>>)
      } else {
      }
      %dma_wait3A_332 = arith.constant 0 : i32
      %dma_wait3A_333 = arith.constant 0 : i32
      %dma_wait3A_334 = tpu.memref_slice %arg9[%dma_wait3A_332, %dma_wait3A_333] : memref<256x128xf32, #tpu.memory_space<vmem>> -> memref<128x128xf32, #tpu.memory_space<vmem>>
      %dma_wait3A_335 = arith.constant 0 : i32
      %dma_wait3A_336 = tpu.memref_slice %arg6[%dma_wait3A_335] : memref<16384xi32, #tpu.memory_space<vmem>> -> memref<128xi32, #tpu.memory_space<vmem>>
      %dma_wait3A_337 = arith.constant 0 : i32
      %dma_wait3A_338 = arith.constant 0 : i32
      %dma_wait3A_339 = tpu.memref_slice %arg3[%dma_wait3A_337, %dma_wait3A_338] : memref<16640x128xf32, #tpu.memory_space<hbm>> -> memref<16640x128xf32, #tpu.memory_space<hbm>>
      tpu.wait_indirect_dma semaphore(%arg13 : memref<!tpu.dma_semaphore, #tpu.memory_space<semaphore_mem>>) src(%dma_wait3A_339 : memref<16640x128xf32, #tpu.memory_space<hbm>>) dst(%dma_wait3A_334 : memref<128x128xf32, #tpu.memory_space<vmem>>)
      %dma_wait3A_340 = arith.constant 128 : i32
      %dma_wait3A_341 = arith.constant 0 : i32
      %dma_wait3A_342 = tpu.memref_slice %arg9[%dma_wait3A_340, %dma_wait3A_341] : memref<256x128xf32, #tpu.memory_space<vmem>> -> memref<128x128xf32, #tpu.memory_space<vmem>>
      %dma_wait3A_343 = arith.constant 0 : i32
      %dma_wait3A_344 = tpu.memref_slice %arg6[%dma_wait3A_343] : memref<16384xi32, #tpu.memory_space<vmem>> -> memref<128xi32, #tpu.memory_space<vmem>>
      %dma_wait3A_345 = arith.constant 0 : i32
      %dma_wait3A_346 = arith.constant 0 : i32
      %dma_wait3A_347 = tpu.memref_slice %arg3[%dma_wait3A_345, %dma_wait3A_346] : memref<16640x128xf32, #tpu.memory_space<hbm>> -> memref<16640x128xf32, #tpu.memory_space<hbm>>
      tpu.wait_indirect_dma semaphore(%arg13 : memref<!tpu.dma_semaphore, #tpu.memory_space<semaphore_mem>>) src(%dma_wait3A_347 : memref<16640x128xf32, #tpu.memory_space<hbm>>) dst(%dma_wait3A_342 : memref<128x128xf32, #tpu.memory_space<vmem>>)
      %jit3A_348 = arith.constant 4 : i32
      %div3A_349 = arith.divsi %add3A_324, %jit3A_348 : i32
      %sign3A_350 = arith.constant 0 : i32
      %sign3A_351 = arith.cmpi sgt, %add3A_324, %sign3A_350 : i32
      %sign3A_352 = arith.extui %sign3A_351 : i1 to i32
      %sign3A_353 = arith.constant 0 : i32
      %sign3A_354 = arith.cmpi slt, %add3A_324, %sign3A_353 : i32
      %sign3A_355 = arith.extui %sign3A_354 : i1 to i32
      %sign3A_356 = arith.subi %sign3A_352, %sign3A_355 : i32
      %sign3A_357 = arith.constant 0 : i32
      %sign3A_358 = arith.cmpi sgt, %jit3A_348, %sign3A_357 : i32
      %sign3A_359 = arith.extui %sign3A_358 : i1 to i32
      %sign3A_360 = arith.constant 0 : i32
      %sign3A_361 = arith.cmpi slt, %jit3A_348, %sign3A_360 : i32
      %sign3A_362 = arith.extui %sign3A_361 : i1 to i32
      %sign3A_363 = arith.subi %sign3A_359, %sign3A_362 : i32
      %ne3A_364 = arith.cmpi ne, %sign3A_356, %sign3A_363 : i32
      %rem3A_365 = arith.remsi %add3A_324, %jit3A_348 : i32
      %ne3A_366 = arith.constant 0 : i32
      %ne3A_367 = arith.cmpi ne, %rem3A_365, %ne3A_366 : i32
      %and3A_368 = arith.andi %ne3A_364, %ne3A_367 : i1
      %sub3A_369 = arith.constant 1 : i32
      %sub3A_370 = arith.subi %div3A_349, %sub3A_369 : i32
      %select_n3A_371 = arith.select %and3A_368, %sub3A_370, %div3A_349 : i32
      %rem3A_372 = arith.constant 4 : i32
      %rem3A_373 = arith.remsi %add3A_324, %rem3A_372 : i32
      %mul3A_374 = arith.constant 256 : i32
      %mul3A_375 = arith.muli %rem3A_373, %mul3A_374 : i32
      %get3A_376 = arith.index_cast %select_n3A_371 : i32 to index
      %get3A_377 = arith.constant 0 : index
      %get3A_378 = tpu.vector_load %arg10[%get3A_376, %get3A_377] {strides = array<i32>} : memref<16x128xf32, #tpu.memory_space<vmem>>, vector<1x16xf32>,
      %get3A_379 = vector.shape_cast %get3A_378 : vector<1x16xf32> to vector<16xf32>
      %get3A_380 = arith.index_cast %select_n3A_371 : i32 to index
      %get3A_381 = arith.constant 16 : index
      %get3A_382 = tpu.vector_load %arg10[%get3A_380, %get3A_381] {strides = array<i32>} : memref<16x128xf32, #tpu.memory_space<vmem>>, vector<1x16xf32>,
      %get3A_383 = vector.shape_cast %get3A_382 : vector<1x16xf32> to vector<16xf32>
      %get3A_384 = arith.index_cast %select_n3A_371 : i32 to index
      %get3A_385 = arith.constant 32 : index
      %get3A_386 = tpu.vector_load %arg10[%get3A_384, %get3A_385] {strides = array<i32>} : memref<16x128xf32, #tpu.memory_space<vmem>>, vector<1x16xf32>,
      %get3A_387 = vector.shape_cast %get3A_386 : vector<1x16xf32> to vector<16xf32>
      %get3A_388 = arith.index_cast %select_n3A_371 : i32 to index
      %get3A_389 = arith.constant 48 : index
      %get3A_390 = tpu.vector_load %arg10[%get3A_388, %get3A_389] {strides = array<i32>} : memref<16x128xf32, #tpu.memory_space<vmem>>, vector<1x16xf32>,
      %get3A_391 = vector.shape_cast %get3A_390 : vector<1x16xf32> to vector<16xf32>
      %get3A_392 = arith.index_cast %select_n3A_371 : i32 to index
      %get3A_393 = arith.constant 64 : index
      %get3A_394 = tpu.vector_load %arg10[%get3A_392, %get3A_393] {strides = array<i32>} : memref<16x128xf32, #tpu.memory_space<vmem>>, vector<1x16xf32>,
      %get3A_395 = vector.shape_cast %get3A_394 : vector<1x16xf32> to vector<16xf32>
      %get3A_396 = arith.index_cast %select_n3A_371 : i32 to index
      %get3A_397 = arith.constant 80 : index
      %get3A_398 = tpu.vector_load %arg10[%get3A_396, %get3A_397] {strides = array<i32>} : memref<16x128xf32, #tpu.memory_space<vmem>>, vector<1x16xf32>,
      %get3A_399 = vector.shape_cast %get3A_398 : vector<1x16xf32> to vector<16xf32>
      %get3A_400 = arith.index_cast %select_n3A_371 : i32 to index
      %get3A_401 = arith.constant 96 : index
      %get3A_402 = tpu.vector_load %arg10[%get3A_400, %get3A_401] {strides = array<i32>} : memref<16x128xf32, #tpu.memory_space<vmem>>, vector<1x16xf32>,
      %get3A_403 = vector.shape_cast %get3A_402 : vector<1x16xf32> to vector<16xf32>
      %get3A_404 = arith.index_cast %select_n3A_371 : i32 to index
      %get3A_405 = arith.constant 112 : index
      %get3A_406 = tpu.vector_load %arg10[%get3A_404, %get3A_405] {strides = array<i32>} : memref<16x128xf32, #tpu.memory_space<vmem>>, vector<1x16xf32>,
      %get3A_407 = vector.shape_cast %get3A_406 : vector<1x16xf32> to vector<16xf32>
      %parallel_loop3A_408 = arith.constant 0 : i32
      %parallel_loop3A_409 = arith.constant 256 : i32
      %parallel_loop3A_410 = arith.constant 1 : i32
      scf.for %parallel_loop3A_418 = %parallel_loop3A_408 to %parallel_loop3A_409 step %parallel_loop3A_410  : i32 {
        %parallel_loop3A_419 = arith.index_cast %parallel_loop3A_418 : i32 to index
        %parallel_loop3A_420 = arith.constant 0 : index
        %parallel_loop3A_421 = tpu.vector_load %arg9[%parallel_loop3A_419, %parallel_loop3A_420] {strides = array<i32>} : memref<256x128xf32, #tpu.memory_space<vmem>>, vector<1x16xf32>,
        %parallel_loop3A_422 = vector.shape_cast %parallel_loop3A_421 : vector<1x16xf32> to vector<16xf32>
        %parallel_loop3A_423 = arith.addf %parallel_loop3A_422, %get3A_379 : vector<16xf32>
        %parallel_loop3A_424 = arith.index_cast %parallel_loop3A_418 : i32 to index
        %parallel_loop3A_425 = arith.constant 0 : index
        %parallel_loop3A_426 = tpu.vector_load %arg9[%parallel_loop3A_424, %parallel_loop3A_425] {strides = array<i32>} : memref<256x128xf32, #tpu.memory_space<vmem>>, vector<1x16xf32>,
        %parallel_loop3A_427 = vector.shape_cast %parallel_loop3A_426 : vector<1x16xf32> to vector<16xf32>
        %parallel_loop3A_428 = vector.shape_cast %parallel_loop3A_423 : vector<16xf32> to vector<1x16xf32>
        tpu.vector_store %arg9[%parallel_loop3A_424, %parallel_loop3A_425], %parallel_loop3A_428 {strides = array<i32>} : memref<256x128xf32, #tpu.memory_space<vmem>>, vector<1x16xf32>,
        %parallel_loop3A_429 = arith.index_cast %parallel_loop3A_418 : i32 to index
        %parallel_loop3A_430 = arith.constant 16 : index
        %parallel_loop3A_431 = tpu.vector_load %arg9[%parallel_loop3A_429, %parallel_loop3A_430] {strides = array<i32>} : memref<256x128xf32, #tpu.memory_space<vmem>>, vector<1x16xf32>,
        %parallel_loop3A_432 = vector.shape_cast %parallel_loop3A_431 : vector<1x16xf32> to vector<16xf32>
        %parallel_loop3A_433 = arith.addf %parallel_loop3A_432, %get3A_383 : vector<16xf32>
        %parallel_loop3A_434 = arith.index_cast %parallel_loop3A_418 : i32 to index
        %parallel_loop3A_435 = arith.constant 16 : index
        %parallel_loop3A_436 = tpu.vector_load %arg9[%parallel_loop3A_434, %parallel_loop3A_435] {strides = array<i32>} : memref<256x128xf32, #tpu.memory_space<vmem>>, vector<1x16xf32>,
        %parallel_loop3A_437 = vector.shape_cast %parallel_loop3A_436 : vector<1x16xf32> to vector<16xf32>
        %parallel_loop3A_438 = vector.shape_cast %parallel_loop3A_433 : vector<16xf32> to vector<1x16xf32>
        tpu.vector_store %arg9[%parallel_loop3A_434, %parallel_loop3A_435], %parallel_loop3A_438 {strides = array<i32>} : memref<256x128xf32, #tpu.memory_space<vmem>>, vector<1x16xf32>,
        %parallel_loop3A_439 = arith.index_cast %parallel_loop3A_418 : i32 to index
        %parallel_loop3A_440 = arith.constant 32 : index
        %parallel_loop3A_441 = tpu.vector_load %arg9[%parallel_loop3A_439, %parallel_loop3A_440] {strides = array<i32>} : memref<256x128xf32, #tpu.memory_space<vmem>>, vector<1x16xf32>,
        %parallel_loop3A_442 = vector.shape_cast %parallel_loop3A_441 : vector<1x16xf32> to vector<16xf32>
        %parallel_loop3A_443 = arith.addf %parallel_loop3A_442, %get3A_387 : vector<16xf32>
        %parallel_loop3A_444 = arith.index_cast %parallel_loop3A_418 : i32 to index
        %parallel_loop3A_445 = arith.constant 32 : index
        %parallel_loop3A_446 = tpu.vector_load %arg9[%parallel_loop3A_444, %parallel_loop3A_445] {strides = array<i32>} : memref<256x128xf32, #tpu.memory_space<vmem>>, vector<1x16xf32>,
        %parallel_loop3A_447 = vector.shape_cast %parallel_loop3A_446 : vector<1x16xf32> to vector<16xf32>
        %parallel_loop3A_448 = vector.shape_cast %parallel_loop3A_443 : vector<16xf32> to vector<1x16xf32>
        tpu.vector_store %arg9[%parallel_loop3A_444, %parallel_loop3A_445], %parallel_loop3A_448 {strides = array<i32>} : memref<256x128xf32, #tpu.memory_space<vmem>>, vector<1x16xf32>,
        %parallel_loop3A_449 = arith.index_cast %parallel_loop3A_418 : i32 to index
        %parallel_loop3A_450 = arith.constant 48 : index
        %parallel_loop3A_451 = tpu.vector_load %arg9[%parallel_loop3A_449, %parallel_loop3A_450] {strides = array<i32>} : memref<256x128xf32, #tpu.memory_space<vmem>>, vector<1x16xf32>,
        %parallel_loop3A_452 = vector.shape_cast %parallel_loop3A_451 : vector<1x16xf32> to vector<16xf32>
        %parallel_loop3A_453 = arith.addf %parallel_loop3A_452, %get3A_391 : vector<16xf32>
        %parallel_loop3A_454 = arith.index_cast %parallel_loop3A_418 : i32 to index
        %parallel_loop3A_455 = arith.constant 48 : index
        %parallel_loop3A_456 = tpu.vector_load %arg9[%parallel_loop3A_454, %parallel_loop3A_455] {strides = array<i32>} : memref<256x128xf32, #tpu.memory_space<vmem>>, vector<1x16xf32>,
        %parallel_loop3A_457 = vector.shape_cast %parallel_loop3A_456 : vector<1x16xf32> to vector<16xf32>
        %parallel_loop3A_458 = vector.shape_cast %parallel_loop3A_453 : vector<16xf32> to vector<1x16xf32>
        tpu.vector_store %arg9[%parallel_loop3A_454, %parallel_loop3A_455], %parallel_loop3A_458 {strides = array<i32>} : memref<256x128xf32, #tpu.memory_space<vmem>>, vector<1x16xf32>,
        %parallel_loop3A_459 = arith.index_cast %parallel_loop3A_418 : i32 to index
        %parallel_loop3A_460 = arith.constant 64 : index
        %parallel_loop3A_461 = tpu.vector_load %arg9[%parallel_loop3A_459, %parallel_loop3A_460] {strides = array<i32>} : memref<256x128xf32, #tpu.memory_space<vmem>>, vector<1x16xf32>,
        %parallel_loop3A_462 = vector.shape_cast %parallel_loop3A_461 : vector<1x16xf32> to vector<16xf32>
        %parallel_loop3A_463 = arith.addf %parallel_loop3A_462, %get3A_395 : vector<16xf32>
        %parallel_loop3A_464 = arith.index_cast %parallel_loop3A_418 : i32 to index
        %parallel_loop3A_465 = arith.constant 64 : index
        %parallel_loop3A_466 = tpu.vector_load %arg9[%parallel_loop3A_464, %parallel_loop3A_465] {strides = array<i32>} : memref<256x128xf32, #tpu.memory_space<vmem>>, vector<1x16xf32>,
        %parallel_loop3A_467 = vector.shape_cast %parallel_loop3A_466 : vector<1x16xf32> to vector<16xf32>
        %parallel_loop3A_468 = vector.shape_cast %parallel_loop3A_463 : vector<16xf32> to vector<1x16xf32>
        tpu.vector_store %arg9[%parallel_loop3A_464, %parallel_loop3A_465], %parallel_loop3A_468 {strides = array<i32>} : memref<256x128xf32, #tpu.memory_space<vmem>>, vector<1x16xf32>,
        %parallel_loop3A_469 = arith.index_cast %parallel_loop3A_418 : i32 to index
        %parallel_loop3A_470 = arith.constant 80 : index
        %parallel_loop3A_471 = tpu.vector_load %arg9[%parallel_loop3A_469, %parallel_loop3A_470] {strides = array<i32>} : memref<256x128xf32, #tpu.memory_space<vmem>>, vector<1x16xf32>,
        %parallel_loop3A_472 = vector.shape_cast %parallel_loop3A_471 : vector<1x16xf32> to vector<16xf32>
        %parallel_loop3A_473 = arith.addf %parallel_loop3A_472, %get3A_399 : vector<16xf32>
        %parallel_loop3A_474 = arith.index_cast %parallel_loop3A_418 : i32 to index
        %parallel_loop3A_475 = arith.constant 80 : index
        %parallel_loop3A_476 = tpu.vector_load %arg9[%parallel_loop3A_474, %parallel_loop3A_475] {strides = array<i32>} : memref<256x128xf32, #tpu.memory_space<vmem>>, vector<1x16xf32>,
        %parallel_loop3A_477 = vector.shape_cast %parallel_loop3A_476 : vector<1x16xf32> to vector<16xf32>
        %parallel_loop3A_478 = vector.shape_cast %parallel_loop3A_473 : vector<16xf32> to vector<1x16xf32>
        tpu.vector_store %arg9[%parallel_loop3A_474, %parallel_loop3A_475], %parallel_loop3A_478 {strides = array<i32>} : memref<256x128xf32, #tpu.memory_space<vmem>>, vector<1x16xf32>,
        %parallel_loop3A_479 = arith.index_cast %parallel_loop3A_418 : i32 to index
        %parallel_loop3A_480 = arith.constant 96 : index
        %parallel_loop3A_481 = tpu.vector_load %arg9[%parallel_loop3A_479, %parallel_loop3A_480] {strides = array<i32>} : memref<256x128xf32, #tpu.memory_space<vmem>>, vector<1x16xf32>,
        %parallel_loop3A_482 = vector.shape_cast %parallel_loop3A_481 : vector<1x16xf32> to vector<16xf32>
        %parallel_loop3A_483 = arith.addf %parallel_loop3A_482, %get3A_403 : vector<16xf32>
        %parallel_loop3A_484 = arith.index_cast %parallel_loop3A_418 : i32 to index
        %parallel_loop3A_485 = arith.constant 96 : index
        %parallel_loop3A_486 = tpu.vector_load %arg9[%parallel_loop3A_484, %parallel_loop3A_485] {strides = array<i32>} : memref<256x128xf32, #tpu.memory_space<vmem>>, vector<1x16xf32>,
        %parallel_loop3A_487 = vector.shape_cast %parallel_loop3A_486 : vector<1x16xf32> to vector<16xf32>
        %parallel_loop3A_488 = vector.shape_cast %parallel_loop3A_483 : vector<16xf32> to vector<1x16xf32>
        tpu.vector_store %arg9[%parallel_loop3A_484, %parallel_loop3A_485], %parallel_loop3A_488 {strides = array<i32>} : memref<256x128xf32, #tpu.memory_space<vmem>>, vector<1x16xf32>,
        %parallel_loop3A_489 = arith.index_cast %parallel_loop3A_418 : i32 to index
        %parallel_loop3A_490 = arith.constant 112 : index
        %parallel_loop3A_491 = tpu.vector_load %arg9[%parallel_loop3A_489, %parallel_loop3A_490] {strides = array<i32>} : memref<256x128xf32, #tpu.memory_space<vmem>>, vector<1x16xf32>,
        %parallel_loop3A_492 = vector.shape_cast %parallel_loop3A_491 : vector<1x16xf32> to vector<16xf32>
        %parallel_loop3A_493 = arith.addf %parallel_loop3A_492, %get3A_407 : vector<16xf32>
        %parallel_loop3A_494 = arith.index_cast %parallel_loop3A_418 : i32 to index
        %parallel_loop3A_495 = arith.constant 112 : index
        %parallel_loop3A_496 = tpu.vector_load %arg9[%parallel_loop3A_494, %parallel_loop3A_495] {strides = array<i32>} : memref<256x128xf32, #tpu.memory_space<vmem>>, vector<1x16xf32>,
        %parallel_loop3A_497 = vector.shape_cast %parallel_loop3A_496 : vector<1x16xf32> to vector<16xf32>
        %parallel_loop3A_498 = vector.shape_cast %parallel_loop3A_493 : vector<16xf32> to vector<1x16xf32>
        tpu.vector_store %arg9[%parallel_loop3A_494, %parallel_loop3A_495], %parallel_loop3A_498 {strides = array<i32>} : memref<256x128xf32, #tpu.memory_space<vmem>>, vector<1x16xf32>,
      } {sc.loop_unroll_factor = 8 : i64, sc.parallel_access}
      %add3A_411 = arith.addi %mul3A_2, %select_n3A_371 : i32
      %dma_start3A_412 = arith.constant 0 : i32
      %dma_start3A_413 = tpu.memref_slice %arg5[%mul3A_375, %add3A_411, %dma_start3A_412] : memref<1024x512x128xf32, #tpu.memory_space<hbm>> -> memref<256x1x128xf32, #tpu.memory_space<hbm>>
      %dma_start3A_414 = tpu.memref_squeeze %dma_start3A_413 : memref<256x1x128xf32, #tpu.memory_space<hbm>> -> memref<256x128xf32, #tpu.memory_space<hbm>>
      %dma_start3A_415 = arith.constant 0 : i32
      %dma_start3A_416 = tpu.memref_slice %arg5[%mul3A_375, %add3A_411, %dma_start3A_415] : memref<1024x512x128xf32, #tpu.memory_space<hbm>> -> memref<256x1x128xf32, #tpu.memory_space<hbm>>
      %dma_start3A_417 = tpu.memref_squeeze %dma_start3A_416 : memref<256x1x128xf32, #tpu.memory_space<hbm>> -> memref<256x128xf32, #tpu.memory_space<hbm>>
      tpu.enqueue_dma source(%arg9 : memref<256x128xf32, #tpu.memory_space<vmem>>) target(%dma_start3A_417 : memref<256x128xf32, #tpu.memory_space<hbm>>) target_semaphore(%arg16 : memref<!tpu.dma_semaphore, #tpu.memory_space<semaphore_mem>>)
    }
    %scan3A_40 = arith.constant 21 : i32
    %dma_wait3A = arith.constant 0 : i32
    %dma_wait3A_41 = arith.constant 0 : i32
    %dma_wait3A_42 = tpu.memref_slice %arg7[%dma_wait3A, %dma_wait3A_41] : memref<256x128xf32, #tpu.memory_space<vmem>> -> memref<128x128xf32, #tpu.memory_space<vmem>>
    %dma_wait3A_43 = arith.constant 0 : i32
    %dma_wait3A_44 = tpu.memref_slice %arg6[%dma_wait3A_43] : memref<16384xi32, #tpu.memory_space<vmem>> -> memref<128xi32, #tpu.memory_space<vmem>>
    %dma_wait3A_45 = arith.constant 0 : i32
    %dma_wait3A_46 = arith.constant 0 : i32
    %dma_wait3A_47 = tpu.memref_slice %arg3[%dma_wait3A_45, %dma_wait3A_46] : memref<16640x128xf32, #tpu.memory_space<hbm>> -> memref<16640x128xf32, #tpu.memory_space<hbm>>
    tpu.wait_indirect_dma semaphore(%arg11 : memref<!tpu.dma_semaphore, #tpu.memory_space<semaphore_mem>>) src(%dma_wait3A_47 : memref<16640x128xf32, #tpu.memory_space<hbm>>) dst(%dma_wait3A_42 : memref<128x128xf32, #tpu.memory_space<vmem>>)
    %dma_wait3A_48 = arith.constant 128 : i32
    %dma_wait3A_49 = arith.constant 0 : i32
    %dma_wait3A_50 = tpu.memref_slice %arg7[%dma_wait3A_48, %dma_wait3A_49] : memref<256x128xf32, #tpu.memory_space<vmem>> -> memref<128x128xf32, #tpu.memory_space<vmem>>
    %dma_wait3A_51 = arith.constant 0 : i32
    %dma_wait3A_52 = tpu.memref_slice %arg6[%dma_wait3A_51] : memref<16384xi32, #tpu.memory_space<vmem>> -> memref<128xi32, #tpu.memory_space<vmem>>
    %dma_wait3A_53 = arith.constant 0 : i32
    %dma_wait3A_54 = arith.constant 0 : i32
    %dma_wait3A_55 = tpu.memref_slice %arg3[%dma_wait3A_53, %dma_wait3A_54] : memref<16640x128xf32, #tpu.memory_space<hbm>> -> memref<16640x128xf32, #tpu.memory_space<hbm>>
    tpu.wait_indirect_dma semaphore(%arg11 : memref<!tpu.dma_semaphore, #tpu.memory_space<semaphore_mem>>) src(%dma_wait3A_55 : memref<16640x128xf32, #tpu.memory_space<hbm>>) dst(%dma_wait3A_50 : memref<128x128xf32, #tpu.memory_space<vmem>>)
    %rem3A = arith.constant 63 : i32
    %rem3A_56 = arith.constant 4 : i32
    %rem3A_57 = arith.remsi %rem3A, %rem3A_56 : i32
    %mul3A_58 = arith.constant 256 : i32
    %mul3A_59 = arith.muli %rem3A_57, %mul3A_58 : i32
    %get3A = arith.constant 15 : i32
    %get3A_60 = arith.index_cast %get3A : i32 to index
    %get3A_61 = arith.constant 0 : index
    %get3A_62 = tpu.vector_load %arg10[%get3A_60, %get3A_61] {strides = array<i32>} : memref<16x128xf32, #tpu.memory_space<vmem>>, vector<1x16xf32>,
    %get3A_63 = vector.shape_cast %get3A_62 : vector<1x16xf32> to vector<16xf32>
    %get3A_64 = arith.constant 15 : i32
    %get3A_65 = arith.index_cast %get3A_64 : i32 to index
    %get3A_66 = arith.constant 16 : index
    %get3A_67 = tpu.vector_load %arg10[%get3A_65, %get3A_66] {strides = array<i32>} : memref<16x128xf32, #tpu.memory_space<vmem>>, vector<1x16xf32>,
    %get3A_68 = vector.shape_cast %get3A_67 : vector<1x16xf32> to vector<16xf32>
    %get3A_69 = arith.constant 15 : i32
    %get3A_70 = arith.index_cast %get3A_69 : i32 to index
    %get3A_71 = arith.constant 32 : index
    %get3A_72 = tpu.vector_load %arg10[%get3A_70, %get3A_71] {strides = array<i32>} : memref<16x128xf32, #tpu.memory_space<vmem>>, vector<1x16xf32>,
    %get3A_73 = vector.shape_cast %get3A_72 : vector<1x16xf32> to vector<16xf32>
    %get3A_74 = arith.constant 15 : i32
    %get3A_75 = arith.index_cast %get3A_74 : i32 to index
    %get3A_76 = arith.constant 48 : index
    %get3A_77 = tpu.vector_load %arg10[%get3A_75, %get3A_76] {strides = array<i32>} : memref<16x128xf32, #tpu.memory_space<vmem>>, vector<1x16xf32>,
    %get3A_78 = vector.shape_cast %get3A_77 : vector<1x16xf32> to vector<16xf32>
    %get3A_79 = arith.constant 15 : i32
    %get3A_80 = arith.index_cast %get3A_79 : i32 to index
    %get3A_81 = arith.constant 64 : index
    %get3A_82 = tpu.vector_load %arg10[%get3A_80, %get3A_81] {strides = array<i32>} : memref<16x128xf32, #tpu.memory_space<vmem>>, vector<1x16xf32>,
    %get3A_83 = vector.shape_cast %get3A_82 : vector<1x16xf32> to vector<16xf32>
    %get3A_84 = arith.constant 15 : i32
    %get3A_85 = arith.index_cast %get3A_84 : i32 to index
    %get3A_86 = arith.constant 80 : index
    %get3A_87 = tpu.vector_load %arg10[%get3A_85, %get3A_86] {strides = array<i32>} : memref<16x128xf32, #tpu.memory_space<vmem>>, vector<1x16xf32>,
    %get3A_88 = vector.shape_cast %get3A_87 : vector<1x16xf32> to vector<16xf32>
    %get3A_89 = arith.constant 15 : i32
    %get3A_90 = arith.index_cast %get3A_89 : i32 to index
    %get3A_91 = arith.constant 96 : index
    %get3A_92 = tpu.vector_load %arg10[%get3A_90, %get3A_91] {strides = array<i32>} : memref<16x128xf32, #tpu.memory_space<vmem>>, vector<1x16xf32>,
    %get3A_93 = vector.shape_cast %get3A_92 : vector<1x16xf32> to vector<16xf32>
    %get3A_94 = arith.constant 15 : i32
    %get3A_95 = arith.index_cast %get3A_94 : i32 to index
    %get3A_96 = arith.constant 112 : index
    %get3A_97 = tpu.vector_load %arg10[%get3A_95, %get3A_96] {strides = array<i32>} : memref<16x128xf32, #tpu.memory_space<vmem>>, vector<1x16xf32>,
    %get3A_98 = vector.shape_cast %get3A_97 : vector<1x16xf32> to vector<16xf32>
    %parallel_loop3A = arith.constant 0 : i32
    %parallel_loop3A_99 = arith.constant 256 : i32
    %parallel_loop3A_100 = arith.constant 1 : i32
    scf.for %parallel_loop3A_136 = %parallel_loop3A to %parallel_loop3A_99 step %parallel_loop3A_100  : i32 {
      %parallel_loop3A_137 = arith.index_cast %parallel_loop3A_136 : i32 to index
      %parallel_loop3A_138 = arith.constant 0 : index
      %parallel_loop3A_139 = tpu.vector_load %arg7[%parallel_loop3A_137, %parallel_loop3A_138] {strides = array<i32>} : memref<256x128xf32, #tpu.memory_space<vmem>>, vector<1x16xf32>,
      %parallel_loop3A_140 = vector.shape_cast %parallel_loop3A_139 : vector<1x16xf32> to vector<16xf32>
      %parallel_loop3A_141 = arith.addf %parallel_loop3A_140, %get3A_63 : vector<16xf32>
      %parallel_loop3A_142 = arith.index_cast %parallel_loop3A_136 : i32 to index
      %parallel_loop3A_143 = arith.constant 0 : index
      %parallel_loop3A_144 = tpu.vector_load %arg7[%parallel_loop3A_142, %parallel_loop3A_143] {strides = array<i32>} : memref<256x128xf32, #tpu.memory_space<vmem>>, vector<1x16xf32>,
      %parallel_loop3A_145 = vector.shape_cast %parallel_loop3A_144 : vector<1x16xf32> to vector<16xf32>
      %parallel_loop3A_146 = vector.shape_cast %parallel_loop3A_141 : vector<16xf32> to vector<1x16xf32>
      tpu.vector_store %arg7[%parallel_loop3A_142, %parallel_loop3A_143], %parallel_loop3A_146 {strides = array<i32>} : memref<256x128xf32, #tpu.memory_space<vmem>>, vector<1x16xf32>,
      %parallel_loop3A_147 = arith.index_cast %parallel_loop3A_136 : i32 to index
      %parallel_loop3A_148 = arith.constant 16 : index
      %parallel_loop3A_149 = tpu.vector_load %arg7[%parallel_loop3A_147, %parallel_loop3A_148] {strides = array<i32>} : memref<256x128xf32, #tpu.memory_space<vmem>>, vector<1x16xf32>,
      %parallel_loop3A_150 = vector.shape_cast %parallel_loop3A_149 : vector<1x16xf32> to vector<16xf32>
      %parallel_loop3A_151 = arith.addf %parallel_loop3A_150, %get3A_68 : vector<16xf32>
      %parallel_loop3A_152 = arith.index_cast %parallel_loop3A_136 : i32 to index
      %parallel_loop3A_153 = arith.constant 16 : index
      %parallel_loop3A_154 = tpu.vector_load %arg7[%parallel_loop3A_152, %parallel_loop3A_153] {strides = array<i32>} : memref<256x128xf32, #tpu.memory_space<vmem>>, vector<1x16xf32>,
      %parallel_loop3A_155 = vector.shape_cast %parallel_loop3A_154 : vector<1x16xf32> to vector<16xf32>
      %parallel_loop3A_156 = vector.shape_cast %parallel_loop3A_151 : vector<16xf32> to vector<1x16xf32>
      tpu.vector_store %arg7[%parallel_loop3A_152, %parallel_loop3A_153], %parallel_loop3A_156 {strides = array<i32>} : memref<256x128xf32, #tpu.memory_space<vmem>>, vector<1x16xf32>,
      %parallel_loop3A_157 = arith.index_cast %parallel_loop3A_136 : i32 to index
      %parallel_loop3A_158 = arith.constant 32 : index
      %parallel_loop3A_159 = tpu.vector_load %arg7[%parallel_loop3A_157, %parallel_loop3A_158] {strides = array<i32>} : memref<256x128xf32, #tpu.memory_space<vmem>>, vector<1x16xf32>,
      %parallel_loop3A_160 = vector.shape_cast %parallel_loop3A_159 : vector<1x16xf32> to vector<16xf32>
      %parallel_loop3A_161 = arith.addf %parallel_loop3A_160, %get3A_73 : vector<16xf32>
      %parallel_loop3A_162 = arith.index_cast %parallel_loop3A_136 : i32 to index
      %parallel_loop3A_163 = arith.constant 32 : index
      %parallel_loop3A_164 = tpu.vector_load %arg7[%parallel_loop3A_162, %parallel_loop3A_163] {strides = array<i32>} : memref<256x128xf32, #tpu.memory_space<vmem>>, vector<1x16xf32>,
      %parallel_loop3A_165 = vector.shape_cast %parallel_loop3A_164 : vector<1x16xf32> to vector<16xf32>
      %parallel_loop3A_166 = vector.shape_cast %parallel_loop3A_161 : vector<16xf32> to vector<1x16xf32>
      tpu.vector_store %arg7[%parallel_loop3A_162, %parallel_loop3A_163], %parallel_loop3A_166 {strides = array<i32>} : memref<256x128xf32, #tpu.memory_space<vmem>>, vector<1x16xf32>,
      %parallel_loop3A_167 = arith.index_cast %parallel_loop3A_136 : i32 to index
      %parallel_loop3A_168 = arith.constant 48 : index
      %parallel_loop3A_169 = tpu.vector_load %arg7[%parallel_loop3A_167, %parallel_loop3A_168] {strides = array<i32>} : memref<256x128xf32, #tpu.memory_space<vmem>>, vector<1x16xf32>,
      %parallel_loop3A_170 = vector.shape_cast %parallel_loop3A_169 : vector<1x16xf32> to vector<16xf32>
      %parallel_loop3A_171 = arith.addf %parallel_loop3A_170, %get3A_78 : vector<16xf32>
      %parallel_loop3A_172 = arith.index_cast %parallel_loop3A_136 : i32 to index
      %parallel_loop3A_173 = arith.constant 48 : index
      %parallel_loop3A_174 = tpu.vector_load %arg7[%parallel_loop3A_172, %parallel_loop3A_173] {strides = array<i32>} : memref<256x128xf32, #tpu.memory_space<vmem>>, vector<1x16xf32>,
      %parallel_loop3A_175 = vector.shape_cast %parallel_loop3A_174 : vector<1x16xf32> to vector<16xf32>
      %parallel_loop3A_176 = vector.shape_cast %parallel_loop3A_171 : vector<16xf32> to vector<1x16xf32>
      tpu.vector_store %arg7[%parallel_loop3A_172, %parallel_loop3A_173], %parallel_loop3A_176 {strides = array<i32>} : memref<256x128xf32, #tpu.memory_space<vmem>>, vector<1x16xf32>,
      %parallel_loop3A_177 = arith.index_cast %parallel_loop3A_136 : i32 to index
      %parallel_loop3A_178 = arith.constant 64 : index
      %parallel_loop3A_179 = tpu.vector_load %arg7[%parallel_loop3A_177, %parallel_loop3A_178] {strides = array<i32>} : memref<256x128xf32, #tpu.memory_space<vmem>>, vector<1x16xf32>,
      %parallel_loop3A_180 = vector.shape_cast %parallel_loop3A_179 : vector<1x16xf32> to vector<16xf32>
      %parallel_loop3A_181 = arith.addf %parallel_loop3A_180, %get3A_83 : vector<16xf32>
      %parallel_loop3A_182 = arith.index_cast %parallel_loop3A_136 : i32 to index
      %parallel_loop3A_183 = arith.constant 64 : index
      %parallel_loop3A_184 = tpu.vector_load %arg7[%parallel_loop3A_182, %parallel_loop3A_183] {strides = array<i32>} : memref<256x128xf32, #tpu.memory_space<vmem>>, vector<1x16xf32>,
      %parallel_loop3A_185 = vector.shape_cast %parallel_loop3A_184 : vector<1x16xf32> to vector<16xf32>
      %parallel_loop3A_186 = vector.shape_cast %parallel_loop3A_181 : vector<16xf32> to vector<1x16xf32>
      tpu.vector_store %arg7[%parallel_loop3A_182, %parallel_loop3A_183], %parallel_loop3A_186 {strides = array<i32>} : memref<256x128xf32, #tpu.memory_space<vmem>>, vector<1x16xf32>,
      %parallel_loop3A_187 = arith.index_cast %parallel_loop3A_136 : i32 to index
      %parallel_loop3A_188 = arith.constant 80 : index
      %parallel_loop3A_189 = tpu.vector_load %arg7[%parallel_loop3A_187, %parallel_loop3A_188] {strides = array<i32>} : memref<256x128xf32, #tpu.memory_space<vmem>>, vector<1x16xf32>,
      %parallel_loop3A_190 = vector.shape_cast %parallel_loop3A_189 : vector<1x16xf32> to vector<16xf32>
      %parallel_loop3A_191 = arith.addf %parallel_loop3A_190, %get3A_88 : vector<16xf32>
      %parallel_loop3A_192 = arith.index_cast %parallel_loop3A_136 : i32 to index
      %parallel_loop3A_193 = arith.constant 80 : index
      %parallel_loop3A_194 = tpu.vector_load %arg7[%parallel_loop3A_192, %parallel_loop3A_193] {strides = array<i32>} : memref<256x128xf32, #tpu.memory_space<vmem>>, vector<1x16xf32>,
      %parallel_loop3A_195 = vector.shape_cast %parallel_loop3A_194 : vector<1x16xf32> to vector<16xf32>
      %parallel_loop3A_196 = vector.shape_cast %parallel_loop3A_191 : vector<16xf32> to vector<1x16xf32>
      tpu.vector_store %arg7[%parallel_loop3A_192, %parallel_loop3A_193], %parallel_loop3A_196 {strides = array<i32>} : memref<256x128xf32, #tpu.memory_space<vmem>>, vector<1x16xf32>,
      %parallel_loop3A_197 = arith.index_cast %parallel_loop3A_136 : i32 to index
      %parallel_loop3A_198 = arith.constant 96 : index
      %parallel_loop3A_199 = tpu.vector_load %arg7[%parallel_loop3A_197, %parallel_loop3A_198] {strides = array<i32>} : memref<256x128xf32, #tpu.memory_space<vmem>>, vector<1x16xf32>,
      %parallel_loop3A_200 = vector.shape_cast %parallel_loop3A_199 : vector<1x16xf32> to vector<16xf32>
      %parallel_loop3A_201 = arith.addf %parallel_loop3A_200, %get3A_93 : vector<16xf32>
      %parallel_loop3A_202 = arith.index_cast %parallel_loop3A_136 : i32 to index
      %parallel_loop3A_203 = arith.constant 96 : index
      %parallel_loop3A_204 = tpu.vector_load %arg7[%parallel_loop3A_202, %parallel_loop3A_203] {strides = array<i32>} : memref<256x128xf32, #tpu.memory_space<vmem>>, vector<1x16xf32>,
      %parallel_loop3A_205 = vector.shape_cast %parallel_loop3A_204 : vector<1x16xf32> to vector<16xf32>
      %parallel_loop3A_206 = vector.shape_cast %parallel_loop3A_201 : vector<16xf32> to vector<1x16xf32>
      tpu.vector_store %arg7[%parallel_loop3A_202, %parallel_loop3A_203], %parallel_loop3A_206 {strides = array<i32>} : memref<256x128xf32, #tpu.memory_space<vmem>>, vector<1x16xf32>,
      %parallel_loop3A_207 = arith.index_cast %parallel_loop3A_136 : i32 to index
      %parallel_loop3A_208 = arith.constant 112 : index
      %parallel_loop3A_209 = tpu.vector_load %arg7[%parallel_loop3A_207, %parallel_loop3A_208] {strides = array<i32>} : memref<256x128xf32, #tpu.memory_space<vmem>>, vector<1x16xf32>,
      %parallel_loop3A_210 = vector.shape_cast %parallel_loop3A_209 : vector<1x16xf32> to vector<16xf32>
      %parallel_loop3A_211 = arith.addf %parallel_loop3A_210, %get3A_98 : vector<16xf32>
      %parallel_loop3A_212 = arith.index_cast %parallel_loop3A_136 : i32 to index
      %parallel_loop3A_213 = arith.constant 112 : index
      %parallel_loop3A_214 = tpu.vector_load %arg7[%parallel_loop3A_212, %parallel_loop3A_213] {strides = array<i32>} : memref<256x128xf32, #tpu.memory_space<vmem>>, vector<1x16xf32>,
      %parallel_loop3A_215 = vector.shape_cast %parallel_loop3A_214 : vector<1x16xf32> to vector<16xf32>
      %parallel_loop3A_216 = vector.shape_cast %parallel_loop3A_211 : vector<16xf32> to vector<1x16xf32>
      tpu.vector_store %arg7[%parallel_loop3A_212, %parallel_loop3A_213], %parallel_loop3A_216 {strides = array<i32>} : memref<256x128xf32, #tpu.memory_space<vmem>>, vector<1x16xf32>,
    } {sc.loop_unroll_factor = 8 : i64, sc.parallel_access}
    %add3A_101 = arith.constant 15 : i32
    %add3A_102 = arith.addi %mul3A_2, %add3A_101 : i32
    %dma_start3A_103 = arith.constant 0 : i32
    %dma_start3A_104 = tpu.memref_slice %arg5[%mul3A_59, %add3A_102, %dma_start3A_103] : memref<1024x512x128xf32, #tpu.memory_space<hbm>> -> memref<256x1x128xf32, #tpu.memory_space<hbm>>
    %dma_start3A_105 = tpu.memref_squeeze %dma_start3A_104 : memref<256x1x128xf32, #tpu.memory_space<hbm>> -> memref<256x128xf32, #tpu.memory_space<hbm>>
    %dma_start3A_106 = arith.constant 0 : i32
    %dma_start3A_107 = tpu.memref_slice %arg5[%mul3A_59, %add3A_102, %dma_start3A_106] : memref<1024x512x128xf32, #tpu.memory_space<hbm>> -> memref<256x1x128xf32, #tpu.memory_space<hbm>>
    %dma_start3A_108 = tpu.memref_squeeze %dma_start3A_107 : memref<256x1x128xf32, #tpu.memory_space<hbm>> -> memref<256x128xf32, #tpu.memory_space<hbm>>
    tpu.enqueue_dma source(%arg7 : memref<256x128xf32, #tpu.memory_space<vmem>>) target(%dma_start3A_108 : memref<256x128xf32, #tpu.memory_space<hbm>>) target_semaphore(%arg14 : memref<!tpu.dma_semaphore, #tpu.memory_space<semaphore_mem>>)
    %dma_wait3A_109 = arith.constant 0 : i32
    %dma_wait3A_110 = arith.constant 0 : i32
    %dma_wait3A_111 = arith.constant 0 : i32
    %dma_wait3A_112 = tpu.memref_slice %arg5[%dma_wait3A_110, %dma_wait3A_109, %dma_wait3A_111] : memref<1024x512x128xf32, #tpu.memory_space<hbm>> -> memref<256x1x128xf32, #tpu.memory_space<hbm>>
    %dma_wait3A_113 = tpu.memref_squeeze %dma_wait3A_112 : memref<256x1x128xf32, #tpu.memory_space<hbm>> -> memref<256x128xf32, #tpu.memory_space<hbm>>
    %dma_wait3A_114 = arith.constant 0 : i32
    %dma_wait3A_115 = arith.constant 0 : i32
    %dma_wait3A_116 = tpu.memref_slice %arg5[%dma_wait3A_114, %dma_wait3A_109, %dma_wait3A_115] : memref<1024x512x128xf32, #tpu.memory_space<hbm>> -> memref<256x1x128xf32, #tpu.memory_space<hbm>>
    %dma_wait3A_117 = tpu.memref_squeeze %dma_wait3A_116 : memref<256x1x128xf32, #tpu.memory_space<hbm>> -> memref<256x128xf32, #tpu.memory_space<hbm>>
    tpu.wait_dma2 semaphore(%arg14 : memref<!tpu.dma_semaphore, #tpu.memory_space<semaphore_mem>>) src(%arg7 : memref<256x128xf32, #tpu.memory_space<vmem>>) dst(%dma_wait3A_117 : memref<256x128xf32, #tpu.memory_space<hbm>>)
    %dma_wait3A_118 = arith.constant 0 : i32
    %dma_wait3A_119 = arith.constant 0 : i32
    %dma_wait3A_120 = arith.constant 0 : i32
    %dma_wait3A_121 = tpu.memref_slice %arg5[%dma_wait3A_119, %dma_wait3A_118, %dma_wait3A_120] : memref<1024x512x128xf32, #tpu.memory_space<hbm>> -> memref<256x1x128xf32, #tpu.memory_space<hbm>>
    %dma_wait3A_122 = tpu.memref_squeeze %dma_wait3A_121 : memref<256x1x128xf32, #tpu.memory_space<hbm>> -> memref<256x128xf32, #tpu.memory_space<hbm>>
    %dma_wait3A_123 = arith.constant 0 : i32
    %dma_wait3A_124 = arith.constant 0 : i32
    %dma_wait3A_125 = tpu.memref_slice %arg5[%dma_wait3A_123, %dma_wait3A_118, %dma_wait3A_124] : memref<1024x512x128xf32, #tpu.memory_space<hbm>> -> memref<256x1x128xf32, #tpu.memory_space<hbm>>
    %dma_wait3A_126 = tpu.memref_squeeze %dma_wait3A_125 : memref<256x1x128xf32, #tpu.memory_space<hbm>> -> memref<256x128xf32, #tpu.memory_space<hbm>>
    tpu.wait_dma2 semaphore(%arg15 : memref<!tpu.dma_semaphore, #tpu.memory_space<semaphore_mem>>) src(%arg8 : memref<256x128xf32, #tpu.memory_space<vmem>>) dst(%dma_wait3A_126 : memref<256x128xf32, #tpu.memory_space<hbm>>)
    %dma_wait3A_127 = arith.constant 0 : i32
    %dma_wait3A_128 = arith.constant 0 : i32
    %dma_wait3A_129 = arith.constant 0 : i32
    %dma_wait3A_130 = tpu.memref_slice %arg5[%dma_wait3A_128, %dma_wait3A_127, %dma_wait3A_129] : memref<1024x512x128xf32, #tpu.memory_space<hbm>> -> memref<256x1x128xf32, #tpu.memory_space<hbm>>
    %dma_wait3A_131 = tpu.memref_squeeze %dma_wait3A_130 : memref<256x1x128xf32, #tpu.memory_space<hbm>> -> memref<256x128xf32, #tpu.memory_space<hbm>>
    %dma_wait3A_132 = arith.constant 0 : i32
    %dma_wait3A_133 = arith.constant 0 : i32
    %dma_wait3A_134 = tpu.memref_slice %arg5[%dma_wait3A_132, %dma_wait3A_127, %dma_wait3A_133] : memref<1024x512x128xf32, #tpu.memory_space<hbm>> -> memref<256x1x128xf32, #tpu.memory_space<hbm>>
    %dma_wait3A_135 = tpu.memref_squeeze %dma_wait3A_134 : memref<256x1x128xf32, #tpu.memory_space<hbm>> -> memref<256x128xf32, #tpu.memory_space<hbm>>
    tpu.wait_dma2 semaphore(%arg16 : memref<!tpu.dma_semaphore, #tpu.memory_space<semaphore_mem>>) src(%arg9 : memref<256x128xf32, #tpu.memory_space<vmem>>) dst(%dma_wait3A_135 : memref<256x128xf32, #tpu.memory_space<hbm>>)
    return
  }
}

module attributes {stable_mosaic.version = 14 : i64} {
  func.func @_fuse_body(%arg0: i32, %arg1: memref<3328x128xf32, #tpu.memory_space<vmem>>, %arg2: memref<128x128xf32, #tpu.memory_space<vmem>>, %arg3: memref<128x128xf32, #tpu.memory_space<vmem>>, %arg4: memref<3328x128xf32, #tpu.memory_space<vmem>>) attributes {dimension_semantics = [#tpu.dimension_semantics<arbitrary>], iteration_bounds = array<i64: 5>, scalar_prefetch = 0 : i64, scratch_operands = 0 : i64, tpu.core_type = #tpu.core_type<tc>, window_params = [{transform_indices = @transform_0, window_bounds = array<i64: 3328, 128>}, {pipeline_mode = #tpu.pipeline_mode<synchronous>, transform_indices = @transform_1, window_bounds = array<i64: 128, 128>}, {pipeline_mode = #tpu.pipeline_mode<synchronous>, transform_indices = @transform_2, window_bounds = array<i64: 128, 128>}, {transform_indices = @transform_3, window_bounds = array<i64: 3328, 128>}]} {
    %mul3A = arith.constant 26 : i32
    %mul3A_0 = arith.muli %arg0, %mul3A : i32
    %add3A = arith.constant 0 : i32
    %add3A_1 = arith.addi %mul3A_0, %add3A : i32
    %lt3A = arith.constant 128 : i32
    %lt3A_2 = arith.cmpi slt, %add3A_1, %lt3A : i32
    %jit3A = arith.constant 0 : i32
    %select_n3A = arith.select %lt3A_2, %add3A_1, %jit3A : i32
    %get3A = arith.index_cast %select_n3A : i32 to index
    %get3A_3 = arith.constant 0 : index
    %get3A_4 = vector.load %arg3[%get3A, %get3A_3] : memref<128x128xf32, #tpu.memory_space<vmem>>, vector<1x128xf32>
    %get3A_5 = arith.constant 0 : index
    %get3A_6 = arith.constant 0 : index
    %get3A_7 = vector.load %arg2[%get3A_5, %get3A_6] : memref<128x128xf32, #tpu.memory_space<vmem>>, vector<128x128xf32>
    %get3A_8 = arith.constant 0 : index
    %get3A_9 = arith.constant 0 : index
    %get3A_10 = vector.load %arg2[%get3A_8, %get3A_9] : memref<128x128xf32, #tpu.memory_space<vmem>>, vector<1x128xf32>
    %broadcast_in_dim3A = vector.shape_cast %get3A_10 : vector<1x128xf32> to vector<1x128xf32>
    %broadcast_in_dim3A_11 = vector.broadcast %broadcast_in_dim3A : vector<1x128xf32> to vector<128x128xf32>
    %select_n3A_12 = arith.select %lt3A_2, %get3A_7, %broadcast_in_dim3A_11 : vector<128x128xf32>
    %get3A_13 = arith.constant 0 : index
    %get3A_14 = arith.constant 0 : index
    %get3A_15 = vector.load %arg1[%get3A_13, %get3A_14] : memref<3328x128xf32, #tpu.memory_space<vmem>>, vector<128x128xf32>
    %add3A_16 = arith.addf %get3A_15, %select_n3A_12 : vector<128x128xf32>
    %add3A_17 = vector.broadcast %get3A_4 : vector<1x128xf32> to vector<128x128xf32>
    %add3A_18 = arith.addf %add3A_16, %add3A_17 : vector<128x128xf32>
    %swap3A = arith.constant 0 : index
    %swap3A_19 = arith.constant 0 : index
    %swap3A_20 = vector.load %arg4[%swap3A, %swap3A_19] : memref<3328x128xf32, #tpu.memory_space<vmem>>, vector<128x128xf32>
    tpu.vector_store %arg4[%swap3A, %swap3A_19], %add3A_18 {strides = array<i32>} : memref<3328x128xf32, #tpu.memory_space<vmem>>, vector<128x128xf32>,
    %mul3A_21 = arith.constant 26 : i32
    %mul3A_22 = arith.muli %arg0, %mul3A_21 : i32
    %add3A_23 = arith.constant 1 : i32
    %add3A_24 = arith.addi %mul3A_22, %add3A_23 : i32
    %lt3A_25 = arith.constant 128 : i32
    %lt3A_26 = arith.cmpi slt, %add3A_24, %lt3A_25 : i32
    %jit3A_27 = arith.constant 0 : i32
    %select_n3A_28 = arith.select %lt3A_26, %add3A_24, %jit3A_27 : i32
    %get3A_29 = arith.index_cast %select_n3A_28 : i32 to index
    %get3A_30 = arith.constant 0 : index
    %get3A_31 = vector.load %arg3[%get3A_29, %get3A_30] : memref<128x128xf32, #tpu.memory_space<vmem>>, vector<1x128xf32>
    %get3A_32 = arith.constant 0 : index
    %get3A_33 = arith.constant 0 : index
    %get3A_34 = vector.load %arg2[%get3A_32, %get3A_33] : memref<128x128xf32, #tpu.memory_space<vmem>>, vector<128x128xf32>
    %get3A_35 = arith.constant 0 : index
    %get3A_36 = arith.constant 0 : index
    %get3A_37 = vector.load %arg2[%get3A_35, %get3A_36] : memref<128x128xf32, #tpu.memory_space<vmem>>, vector<1x128xf32>
    %broadcast_in_dim3A_38 = vector.shape_cast %get3A_37 : vector<1x128xf32> to vector<1x128xf32>
    %broadcast_in_dim3A_39 = vector.broadcast %broadcast_in_dim3A_38 : vector<1x128xf32> to vector<128x128xf32>
    %select_n3A_40 = arith.select %lt3A_26, %get3A_34, %broadcast_in_dim3A_39 : vector<128x128xf32>
    %get3A_41 = arith.constant 128 : index
    %get3A_42 = arith.constant 0 : index
    %get3A_43 = vector.load %arg1[%get3A_41, %get3A_42] : memref<3328x128xf32, #tpu.memory_space<vmem>>, vector<128x128xf32>
    %add3A_44 = arith.addf %get3A_43, %select_n3A_40 : vector<128x128xf32>
    %add3A_45 = vector.broadcast %get3A_31 : vector<1x128xf32> to vector<128x128xf32>
    %add3A_46 = arith.addf %add3A_44, %add3A_45 : vector<128x128xf32>
    %swap3A_47 = arith.constant 128 : index
    %swap3A_48 = arith.constant 0 : index
    %swap3A_49 = vector.load %arg4[%swap3A_47, %swap3A_48] : memref<3328x128xf32, #tpu.memory_space<vmem>>, vector<128x128xf32>
    tpu.vector_store %arg4[%swap3A_47, %swap3A_48], %add3A_46 {strides = array<i32>} : memref<3328x128xf32, #tpu.memory_space<vmem>>, vector<128x128xf32>,
    %mul3A_50 = arith.constant 26 : i32
    %mul3A_51 = arith.muli %arg0, %mul3A_50 : i32
    %add3A_52 = arith.constant 2 : i32
    %add3A_53 = arith.addi %mul3A_51, %add3A_52 : i32
    %lt3A_54 = arith.constant 128 : i32
    %lt3A_55 = arith.cmpi slt, %add3A_53, %lt3A_54 : i32
    %jit3A_56 = arith.constant 0 : i32
    %select_n3A_57 = arith.select %lt3A_55, %add3A_53, %jit3A_56 : i32
    %get3A_58 = arith.index_cast %select_n3A_57 : i32 to index
    %get3A_59 = arith.constant 0 : index
    %get3A_60 = vector.load %arg3[%get3A_58, %get3A_59] : memref<128x128xf32, #tpu.memory_space<vmem>>, vector<1x128xf32>
    %get3A_61 = arith.constant 0 : index
    %get3A_62 = arith.constant 0 : index
    %get3A_63 = vector.load %arg2[%get3A_61, %get3A_62] : memref<128x128xf32, #tpu.memory_space<vmem>>, vector<128x128xf32>
    %get3A_64 = arith.constant 0 : index
    %get3A_65 = arith.constant 0 : index
    %get3A_66 = vector.load %arg2[%get3A_64, %get3A_65] : memref<128x128xf32, #tpu.memory_space<vmem>>, vector<1x128xf32>
    %broadcast_in_dim3A_67 = vector.shape_cast %get3A_66 : vector<1x128xf32> to vector<1x128xf32>
    %broadcast_in_dim3A_68 = vector.broadcast %broadcast_in_dim3A_67 : vector<1x128xf32> to vector<128x128xf32>
    %select_n3A_69 = arith.select %lt3A_55, %get3A_63, %broadcast_in_dim3A_68 : vector<128x128xf32>
    %get3A_70 = arith.constant 256 : index
    %get3A_71 = arith.constant 0 : index
    %get3A_72 = vector.load %arg1[%get3A_70, %get3A_71] : memref<3328x128xf32, #tpu.memory_space<vmem>>, vector<128x128xf32>
    %add3A_73 = arith.addf %get3A_72, %select_n3A_69 : vector<128x128xf32>
    %add3A_74 = vector.broadcast %get3A_60 : vector<1x128xf32> to vector<128x128xf32>
    %add3A_75 = arith.addf %add3A_73, %add3A_74 : vector<128x128xf32>
    %swap3A_76 = arith.constant 256 : index
    %swap3A_77 = arith.constant 0 : index
    %swap3A_78 = vector.load %arg4[%swap3A_76, %swap3A_77] : memref<3328x128xf32, #tpu.memory_space<vmem>>, vector<128x128xf32>
    tpu.vector_store %arg4[%swap3A_76, %swap3A_77], %add3A_75 {strides = array<i32>} : memref<3328x128xf32, #tpu.memory_space<vmem>>, vector<128x128xf32>,
    %mul3A_79 = arith.constant 26 : i32
    %mul3A_80 = arith.muli %arg0, %mul3A_79 : i32
    %add3A_81 = arith.constant 3 : i32
    %add3A_82 = arith.addi %mul3A_80, %add3A_81 : i32
    %lt3A_83 = arith.constant 128 : i32
    %lt3A_84 = arith.cmpi slt, %add3A_82, %lt3A_83 : i32
    %jit3A_85 = arith.constant 0 : i32
    %select_n3A_86 = arith.select %lt3A_84, %add3A_82, %jit3A_85 : i32
    %get3A_87 = arith.index_cast %select_n3A_86 : i32 to index
    %get3A_88 = arith.constant 0 : index
    %get3A_89 = vector.load %arg3[%get3A_87, %get3A_88] : memref<128x128xf32, #tpu.memory_space<vmem>>, vector<1x128xf32>
    %get3A_90 = arith.constant 0 : index
    %get3A_91 = arith.constant 0 : index
    %get3A_92 = vector.load %arg2[%get3A_90, %get3A_91] : memref<128x128xf32, #tpu.memory_space<vmem>>, vector<128x128xf32>
    %get3A_93 = arith.constant 0 : index
    %get3A_94 = arith.constant 0 : index
    %get3A_95 = vector.load %arg2[%get3A_93, %get3A_94] : memref<128x128xf32, #tpu.memory_space<vmem>>, vector<1x128xf32>
    %broadcast_in_dim3A_96 = vector.shape_cast %get3A_95 : vector<1x128xf32> to vector<1x128xf32>
    %broadcast_in_dim3A_97 = vector.broadcast %broadcast_in_dim3A_96 : vector<1x128xf32> to vector<128x128xf32>
    %select_n3A_98 = arith.select %lt3A_84, %get3A_92, %broadcast_in_dim3A_97 : vector<128x128xf32>
    %get3A_99 = arith.constant 384 : index
    %get3A_100 = arith.constant 0 : index
    %get3A_101 = vector.load %arg1[%get3A_99, %get3A_100] : memref<3328x128xf32, #tpu.memory_space<vmem>>, vector<128x128xf32>
    %add3A_102 = arith.addf %get3A_101, %select_n3A_98 : vector<128x128xf32>
    %add3A_103 = vector.broadcast %get3A_89 : vector<1x128xf32> to vector<128x128xf32>
    %add3A_104 = arith.addf %add3A_102, %add3A_103 : vector<128x128xf32>
    %swap3A_105 = arith.constant 384 : index
    %swap3A_106 = arith.constant 0 : index
    %swap3A_107 = vector.load %arg4[%swap3A_105, %swap3A_106] : memref<3328x128xf32, #tpu.memory_space<vmem>>, vector<128x128xf32>
    tpu.vector_store %arg4[%swap3A_105, %swap3A_106], %add3A_104 {strides = array<i32>} : memref<3328x128xf32, #tpu.memory_space<vmem>>, vector<128x128xf32>,
    %mul3A_108 = arith.constant 26 : i32
    %mul3A_109 = arith.muli %arg0, %mul3A_108 : i32
    %add3A_110 = arith.constant 4 : i32
    %add3A_111 = arith.addi %mul3A_109, %add3A_110 : i32
    %lt3A_112 = arith.constant 128 : i32
    %lt3A_113 = arith.cmpi slt, %add3A_111, %lt3A_112 : i32
    %jit3A_114 = arith.constant 0 : i32
    %select_n3A_115 = arith.select %lt3A_113, %add3A_111, %jit3A_114 : i32
    %get3A_116 = arith.index_cast %select_n3A_115 : i32 to index
    %get3A_117 = arith.constant 0 : index
    %get3A_118 = vector.load %arg3[%get3A_116, %get3A_117] : memref<128x128xf32, #tpu.memory_space<vmem>>, vector<1x128xf32>
    %get3A_119 = arith.constant 0 : index
    %get3A_120 = arith.constant 0 : index
    %get3A_121 = vector.load %arg2[%get3A_119, %get3A_120] : memref<128x128xf32, #tpu.memory_space<vmem>>, vector<128x128xf32>
    %get3A_122 = arith.constant 0 : index
    %get3A_123 = arith.constant 0 : index
    %get3A_124 = vector.load %arg2[%get3A_122, %get3A_123] : memref<128x128xf32, #tpu.memory_space<vmem>>, vector<1x128xf32>
    %broadcast_in_dim3A_125 = vector.shape_cast %get3A_124 : vector<1x128xf32> to vector<1x128xf32>
    %broadcast_in_dim3A_126 = vector.broadcast %broadcast_in_dim3A_125 : vector<1x128xf32> to vector<128x128xf32>
    %select_n3A_127 = arith.select %lt3A_113, %get3A_121, %broadcast_in_dim3A_126 : vector<128x128xf32>
    %get3A_128 = arith.constant 512 : index
    %get3A_129 = arith.constant 0 : index
    %get3A_130 = vector.load %arg1[%get3A_128, %get3A_129] : memref<3328x128xf32, #tpu.memory_space<vmem>>, vector<128x128xf32>
    %add3A_131 = arith.addf %get3A_130, %select_n3A_127 : vector<128x128xf32>
    %add3A_132 = vector.broadcast %get3A_118 : vector<1x128xf32> to vector<128x128xf32>
    %add3A_133 = arith.addf %add3A_131, %add3A_132 : vector<128x128xf32>
    %swap3A_134 = arith.constant 512 : index
    %swap3A_135 = arith.constant 0 : index
    %swap3A_136 = vector.load %arg4[%swap3A_134, %swap3A_135] : memref<3328x128xf32, #tpu.memory_space<vmem>>, vector<128x128xf32>
    tpu.vector_store %arg4[%swap3A_134, %swap3A_135], %add3A_133 {strides = array<i32>} : memref<3328x128xf32, #tpu.memory_space<vmem>>, vector<128x128xf32>,
    %mul3A_137 = arith.constant 26 : i32
    %mul3A_138 = arith.muli %arg0, %mul3A_137 : i32
    %add3A_139 = arith.constant 5 : i32
    %add3A_140 = arith.addi %mul3A_138, %add3A_139 : i32
    %lt3A_141 = arith.constant 128 : i32
    %lt3A_142 = arith.cmpi slt, %add3A_140, %lt3A_141 : i32
    %jit3A_143 = arith.constant 0 : i32
    %select_n3A_144 = arith.select %lt3A_142, %add3A_140, %jit3A_143 : i32
    %get3A_145 = arith.index_cast %select_n3A_144 : i32 to index
    %get3A_146 = arith.constant 0 : index
    %get3A_147 = vector.load %arg3[%get3A_145, %get3A_146] : memref<128x128xf32, #tpu.memory_space<vmem>>, vector<1x128xf32>
    %get3A_148 = arith.constant 0 : index
    %get3A_149 = arith.constant 0 : index
    %get3A_150 = vector.load %arg2[%get3A_148, %get3A_149] : memref<128x128xf32, #tpu.memory_space<vmem>>, vector<128x128xf32>
    %get3A_151 = arith.constant 0 : index
    %get3A_152 = arith.constant 0 : index
    %get3A_153 = vector.load %arg2[%get3A_151, %get3A_152] : memref<128x128xf32, #tpu.memory_space<vmem>>, vector<1x128xf32>
    %broadcast_in_dim3A_154 = vector.shape_cast %get3A_153 : vector<1x128xf32> to vector<1x128xf32>
    %broadcast_in_dim3A_155 = vector.broadcast %broadcast_in_dim3A_154 : vector<1x128xf32> to vector<128x128xf32>
    %select_n3A_156 = arith.select %lt3A_142, %get3A_150, %broadcast_in_dim3A_155 : vector<128x128xf32>
    %get3A_157 = arith.constant 640 : index
    %get3A_158 = arith.constant 0 : index
    %get3A_159 = vector.load %arg1[%get3A_157, %get3A_158] : memref<3328x128xf32, #tpu.memory_space<vmem>>, vector<128x128xf32>
    %add3A_160 = arith.addf %get3A_159, %select_n3A_156 : vector<128x128xf32>
    %add3A_161 = vector.broadcast %get3A_147 : vector<1x128xf32> to vector<128x128xf32>
    %add3A_162 = arith.addf %add3A_160, %add3A_161 : vector<128x128xf32>
    %swap3A_163 = arith.constant 640 : index
    %swap3A_164 = arith.constant 0 : index
    %swap3A_165 = vector.load %arg4[%swap3A_163, %swap3A_164] : memref<3328x128xf32, #tpu.memory_space<vmem>>, vector<128x128xf32>
    tpu.vector_store %arg4[%swap3A_163, %swap3A_164], %add3A_162 {strides = array<i32>} : memref<3328x128xf32, #tpu.memory_space<vmem>>, vector<128x128xf32>,
    %mul3A_166 = arith.constant 26 : i32
    %mul3A_167 = arith.muli %arg0, %mul3A_166 : i32
    %add3A_168 = arith.constant 6 : i32
    %add3A_169 = arith.addi %mul3A_167, %add3A_168 : i32
    %lt3A_170 = arith.constant 128 : i32
    %lt3A_171 = arith.cmpi slt, %add3A_169, %lt3A_170 : i32
    %jit3A_172 = arith.constant 0 : i32
    %select_n3A_173 = arith.select %lt3A_171, %add3A_169, %jit3A_172 : i32
    %get3A_174 = arith.index_cast %select_n3A_173 : i32 to index
    %get3A_175 = arith.constant 0 : index
    %get3A_176 = vector.load %arg3[%get3A_174, %get3A_175] : memref<128x128xf32, #tpu.memory_space<vmem>>, vector<1x128xf32>
    %get3A_177 = arith.constant 0 : index
    %get3A_178 = arith.constant 0 : index
    %get3A_179 = vector.load %arg2[%get3A_177, %get3A_178] : memref<128x128xf32, #tpu.memory_space<vmem>>, vector<128x128xf32>
    %get3A_180 = arith.constant 0 : index
    %get3A_181 = arith.constant 0 : index
    %get3A_182 = vector.load %arg2[%get3A_180, %get3A_181] : memref<128x128xf32, #tpu.memory_space<vmem>>, vector<1x128xf32>
    %broadcast_in_dim3A_183 = vector.shape_cast %get3A_182 : vector<1x128xf32> to vector<1x128xf32>
    %broadcast_in_dim3A_184 = vector.broadcast %broadcast_in_dim3A_183 : vector<1x128xf32> to vector<128x128xf32>
    %select_n3A_185 = arith.select %lt3A_171, %get3A_179, %broadcast_in_dim3A_184 : vector<128x128xf32>
    %get3A_186 = arith.constant 768 : index
    %get3A_187 = arith.constant 0 : index
    %get3A_188 = vector.load %arg1[%get3A_186, %get3A_187] : memref<3328x128xf32, #tpu.memory_space<vmem>>, vector<128x128xf32>
    %add3A_189 = arith.addf %get3A_188, %select_n3A_185 : vector<128x128xf32>
    %add3A_190 = vector.broadcast %get3A_176 : vector<1x128xf32> to vector<128x128xf32>
    %add3A_191 = arith.addf %add3A_189, %add3A_190 : vector<128x128xf32>
    %swap3A_192 = arith.constant 768 : index
    %swap3A_193 = arith.constant 0 : index
    %swap3A_194 = vector.load %arg4[%swap3A_192, %swap3A_193] : memref<3328x128xf32, #tpu.memory_space<vmem>>, vector<128x128xf32>
    tpu.vector_store %arg4[%swap3A_192, %swap3A_193], %add3A_191 {strides = array<i32>} : memref<3328x128xf32, #tpu.memory_space<vmem>>, vector<128x128xf32>,
    %mul3A_195 = arith.constant 26 : i32
    %mul3A_196 = arith.muli %arg0, %mul3A_195 : i32
    %add3A_197 = arith.constant 7 : i32
    %add3A_198 = arith.addi %mul3A_196, %add3A_197 : i32
    %lt3A_199 = arith.constant 128 : i32
    %lt3A_200 = arith.cmpi slt, %add3A_198, %lt3A_199 : i32
    %jit3A_201 = arith.constant 0 : i32
    %select_n3A_202 = arith.select %lt3A_200, %add3A_198, %jit3A_201 : i32
    %get3A_203 = arith.index_cast %select_n3A_202 : i32 to index
    %get3A_204 = arith.constant 0 : index
    %get3A_205 = vector.load %arg3[%get3A_203, %get3A_204] : memref<128x128xf32, #tpu.memory_space<vmem>>, vector<1x128xf32>
    %get3A_206 = arith.constant 0 : index
    %get3A_207 = arith.constant 0 : index
    %get3A_208 = vector.load %arg2[%get3A_206, %get3A_207] : memref<128x128xf32, #tpu.memory_space<vmem>>, vector<128x128xf32>
    %get3A_209 = arith.constant 0 : index
    %get3A_210 = arith.constant 0 : index
    %get3A_211 = vector.load %arg2[%get3A_209, %get3A_210] : memref<128x128xf32, #tpu.memory_space<vmem>>, vector<1x128xf32>
    %broadcast_in_dim3A_212 = vector.shape_cast %get3A_211 : vector<1x128xf32> to vector<1x128xf32>
    %broadcast_in_dim3A_213 = vector.broadcast %broadcast_in_dim3A_212 : vector<1x128xf32> to vector<128x128xf32>
    %select_n3A_214 = arith.select %lt3A_200, %get3A_208, %broadcast_in_dim3A_213 : vector<128x128xf32>
    %get3A_215 = arith.constant 896 : index
    %get3A_216 = arith.constant 0 : index
    %get3A_217 = vector.load %arg1[%get3A_215, %get3A_216] : memref<3328x128xf32, #tpu.memory_space<vmem>>, vector<128x128xf32>
    %add3A_218 = arith.addf %get3A_217, %select_n3A_214 : vector<128x128xf32>
    %add3A_219 = vector.broadcast %get3A_205 : vector<1x128xf32> to vector<128x128xf32>
    %add3A_220 = arith.addf %add3A_218, %add3A_219 : vector<128x128xf32>
    %swap3A_221 = arith.constant 896 : index
    %swap3A_222 = arith.constant 0 : index
    %swap3A_223 = vector.load %arg4[%swap3A_221, %swap3A_222] : memref<3328x128xf32, #tpu.memory_space<vmem>>, vector<128x128xf32>
    tpu.vector_store %arg4[%swap3A_221, %swap3A_222], %add3A_220 {strides = array<i32>} : memref<3328x128xf32, #tpu.memory_space<vmem>>, vector<128x128xf32>,
    %mul3A_224 = arith.constant 26 : i32
    %mul3A_225 = arith.muli %arg0, %mul3A_224 : i32
    %add3A_226 = arith.constant 8 : i32
    %add3A_227 = arith.addi %mul3A_225, %add3A_226 : i32
    %lt3A_228 = arith.constant 128 : i32
    %lt3A_229 = arith.cmpi slt, %add3A_227, %lt3A_228 : i32
    %jit3A_230 = arith.constant 0 : i32
    %select_n3A_231 = arith.select %lt3A_229, %add3A_227, %jit3A_230 : i32
    %get3A_232 = arith.index_cast %select_n3A_231 : i32 to index
    %get3A_233 = arith.constant 0 : index
    %get3A_234 = vector.load %arg3[%get3A_232, %get3A_233] : memref<128x128xf32, #tpu.memory_space<vmem>>, vector<1x128xf32>
    %get3A_235 = arith.constant 0 : index
    %get3A_236 = arith.constant 0 : index
    %get3A_237 = vector.load %arg2[%get3A_235, %get3A_236] : memref<128x128xf32, #tpu.memory_space<vmem>>, vector<128x128xf32>
    %get3A_238 = arith.constant 0 : index
    %get3A_239 = arith.constant 0 : index
    %get3A_240 = vector.load %arg2[%get3A_238, %get3A_239] : memref<128x128xf32, #tpu.memory_space<vmem>>, vector<1x128xf32>
    %broadcast_in_dim3A_241 = vector.shape_cast %get3A_240 : vector<1x128xf32> to vector<1x128xf32>
    %broadcast_in_dim3A_242 = vector.broadcast %broadcast_in_dim3A_241 : vector<1x128xf32> to vector<128x128xf32>
    %select_n3A_243 = arith.select %lt3A_229, %get3A_237, %broadcast_in_dim3A_242 : vector<128x128xf32>
    %get3A_244 = arith.constant 1024 : index
    %get3A_245 = arith.constant 0 : index
    %get3A_246 = vector.load %arg1[%get3A_244, %get3A_245] : memref<3328x128xf32, #tpu.memory_space<vmem>>, vector<128x128xf32>
    %add3A_247 = arith.addf %get3A_246, %select_n3A_243 : vector<128x128xf32>
    %add3A_248 = vector.broadcast %get3A_234 : vector<1x128xf32> to vector<128x128xf32>
    %add3A_249 = arith.addf %add3A_247, %add3A_248 : vector<128x128xf32>
    %swap3A_250 = arith.constant 1024 : index
    %swap3A_251 = arith.constant 0 : index
    %swap3A_252 = vector.load %arg4[%swap3A_250, %swap3A_251] : memref<3328x128xf32, #tpu.memory_space<vmem>>, vector<128x128xf32>
    tpu.vector_store %arg4[%swap3A_250, %swap3A_251], %add3A_249 {strides = array<i32>} : memref<3328x128xf32, #tpu.memory_space<vmem>>, vector<128x128xf32>,
    %mul3A_253 = arith.constant 26 : i32
    %mul3A_254 = arith.muli %arg0, %mul3A_253 : i32
    %add3A_255 = arith.constant 9 : i32
    %add3A_256 = arith.addi %mul3A_254, %add3A_255 : i32
    %lt3A_257 = arith.constant 128 : i32
    %lt3A_258 = arith.cmpi slt, %add3A_256, %lt3A_257 : i32
    %jit3A_259 = arith.constant 0 : i32
    %select_n3A_260 = arith.select %lt3A_258, %add3A_256, %jit3A_259 : i32
    %get3A_261 = arith.index_cast %select_n3A_260 : i32 to index
    %get3A_262 = arith.constant 0 : index
    %get3A_263 = vector.load %arg3[%get3A_261, %get3A_262] : memref<128x128xf32, #tpu.memory_space<vmem>>, vector<1x128xf32>
    %get3A_264 = arith.constant 0 : index
    %get3A_265 = arith.constant 0 : index
    %get3A_266 = vector.load %arg2[%get3A_264, %get3A_265] : memref<128x128xf32, #tpu.memory_space<vmem>>, vector<128x128xf32>
    %get3A_267 = arith.constant 0 : index
    %get3A_268 = arith.constant 0 : index
    %get3A_269 = vector.load %arg2[%get3A_267, %get3A_268] : memref<128x128xf32, #tpu.memory_space<vmem>>, vector<1x128xf32>
    %broadcast_in_dim3A_270 = vector.shape_cast %get3A_269 : vector<1x128xf32> to vector<1x128xf32>
    %broadcast_in_dim3A_271 = vector.broadcast %broadcast_in_dim3A_270 : vector<1x128xf32> to vector<128x128xf32>
    %select_n3A_272 = arith.select %lt3A_258, %get3A_266, %broadcast_in_dim3A_271 : vector<128x128xf32>
    %get3A_273 = arith.constant 1152 : index
    %get3A_274 = arith.constant 0 : index
    %get3A_275 = vector.load %arg1[%get3A_273, %get3A_274] : memref<3328x128xf32, #tpu.memory_space<vmem>>, vector<128x128xf32>
    %add3A_276 = arith.addf %get3A_275, %select_n3A_272 : vector<128x128xf32>
    %add3A_277 = vector.broadcast %get3A_263 : vector<1x128xf32> to vector<128x128xf32>
    %add3A_278 = arith.addf %add3A_276, %add3A_277 : vector<128x128xf32>
    %swap3A_279 = arith.constant 1152 : index
    %swap3A_280 = arith.constant 0 : index
    %swap3A_281 = vector.load %arg4[%swap3A_279, %swap3A_280] : memref<3328x128xf32, #tpu.memory_space<vmem>>, vector<128x128xf32>
    tpu.vector_store %arg4[%swap3A_279, %swap3A_280], %add3A_278 {strides = array<i32>} : memref<3328x128xf32, #tpu.memory_space<vmem>>, vector<128x128xf32>,
    %mul3A_282 = arith.constant 26 : i32
    %mul3A_283 = arith.muli %arg0, %mul3A_282 : i32
    %add3A_284 = arith.constant 10 : i32
    %add3A_285 = arith.addi %mul3A_283, %add3A_284 : i32
    %lt3A_286 = arith.constant 128 : i32
    %lt3A_287 = arith.cmpi slt, %add3A_285, %lt3A_286 : i32
    %jit3A_288 = arith.constant 0 : i32
    %select_n3A_289 = arith.select %lt3A_287, %add3A_285, %jit3A_288 : i32
    %get3A_290 = arith.index_cast %select_n3A_289 : i32 to index
    %get3A_291 = arith.constant 0 : index
    %get3A_292 = vector.load %arg3[%get3A_290, %get3A_291] : memref<128x128xf32, #tpu.memory_space<vmem>>, vector<1x128xf32>
    %get3A_293 = arith.constant 0 : index
    %get3A_294 = arith.constant 0 : index
    %get3A_295 = vector.load %arg2[%get3A_293, %get3A_294] : memref<128x128xf32, #tpu.memory_space<vmem>>, vector<128x128xf32>
    %get3A_296 = arith.constant 0 : index
    %get3A_297 = arith.constant 0 : index
    %get3A_298 = vector.load %arg2[%get3A_296, %get3A_297] : memref<128x128xf32, #tpu.memory_space<vmem>>, vector<1x128xf32>
    %broadcast_in_dim3A_299 = vector.shape_cast %get3A_298 : vector<1x128xf32> to vector<1x128xf32>
    %broadcast_in_dim3A_300 = vector.broadcast %broadcast_in_dim3A_299 : vector<1x128xf32> to vector<128x128xf32>
    %select_n3A_301 = arith.select %lt3A_287, %get3A_295, %broadcast_in_dim3A_300 : vector<128x128xf32>
    %get3A_302 = arith.constant 1280 : index
    %get3A_303 = arith.constant 0 : index
    %get3A_304 = vector.load %arg1[%get3A_302, %get3A_303] : memref<3328x128xf32, #tpu.memory_space<vmem>>, vector<128x128xf32>
    %add3A_305 = arith.addf %get3A_304, %select_n3A_301 : vector<128x128xf32>
    %add3A_306 = vector.broadcast %get3A_292 : vector<1x128xf32> to vector<128x128xf32>
    %add3A_307 = arith.addf %add3A_305, %add3A_306 : vector<128x128xf32>
    %swap3A_308 = arith.constant 1280 : index
    %swap3A_309 = arith.constant 0 : index
    %swap3A_310 = vector.load %arg4[%swap3A_308, %swap3A_309] : memref<3328x128xf32, #tpu.memory_space<vmem>>, vector<128x128xf32>
    tpu.vector_store %arg4[%swap3A_308, %swap3A_309], %add3A_307 {strides = array<i32>} : memref<3328x128xf32, #tpu.memory_space<vmem>>, vector<128x128xf32>,
    %mul3A_311 = arith.constant 26 : i32
    %mul3A_312 = arith.muli %arg0, %mul3A_311 : i32
    %add3A_313 = arith.constant 11 : i32
    %add3A_314 = arith.addi %mul3A_312, %add3A_313 : i32
    %lt3A_315 = arith.constant 128 : i32
    %lt3A_316 = arith.cmpi slt, %add3A_314, %lt3A_315 : i32
    %jit3A_317 = arith.constant 0 : i32
    %select_n3A_318 = arith.select %lt3A_316, %add3A_314, %jit3A_317 : i32
    %get3A_319 = arith.index_cast %select_n3A_318 : i32 to index
    %get3A_320 = arith.constant 0 : index
    %get3A_321 = vector.load %arg3[%get3A_319, %get3A_320] : memref<128x128xf32, #tpu.memory_space<vmem>>, vector<1x128xf32>
    %get3A_322 = arith.constant 0 : index
    %get3A_323 = arith.constant 0 : index
    %get3A_324 = vector.load %arg2[%get3A_322, %get3A_323] : memref<128x128xf32, #tpu.memory_space<vmem>>, vector<128x128xf32>
    %get3A_325 = arith.constant 0 : index
    %get3A_326 = arith.constant 0 : index
    %get3A_327 = vector.load %arg2[%get3A_325, %get3A_326] : memref<128x128xf32, #tpu.memory_space<vmem>>, vector<1x128xf32>
    %broadcast_in_dim3A_328 = vector.shape_cast %get3A_327 : vector<1x128xf32> to vector<1x128xf32>
    %broadcast_in_dim3A_329 = vector.broadcast %broadcast_in_dim3A_328 : vector<1x128xf32> to vector<128x128xf32>
    %select_n3A_330 = arith.select %lt3A_316, %get3A_324, %broadcast_in_dim3A_329 : vector<128x128xf32>
    %get3A_331 = arith.constant 1408 : index
    %get3A_332 = arith.constant 0 : index
    %get3A_333 = vector.load %arg1[%get3A_331, %get3A_332] : memref<3328x128xf32, #tpu.memory_space<vmem>>, vector<128x128xf32>
    %add3A_334 = arith.addf %get3A_333, %select_n3A_330 : vector<128x128xf32>
    %add3A_335 = vector.broadcast %get3A_321 : vector<1x128xf32> to vector<128x128xf32>
    %add3A_336 = arith.addf %add3A_334, %add3A_335 : vector<128x128xf32>
    %swap3A_337 = arith.constant 1408 : index
    %swap3A_338 = arith.constant 0 : index
    %swap3A_339 = vector.load %arg4[%swap3A_337, %swap3A_338] : memref<3328x128xf32, #tpu.memory_space<vmem>>, vector<128x128xf32>
    tpu.vector_store %arg4[%swap3A_337, %swap3A_338], %add3A_336 {strides = array<i32>} : memref<3328x128xf32, #tpu.memory_space<vmem>>, vector<128x128xf32>,
    %mul3A_340 = arith.constant 26 : i32
    %mul3A_341 = arith.muli %arg0, %mul3A_340 : i32
    %add3A_342 = arith.constant 12 : i32
    %add3A_343 = arith.addi %mul3A_341, %add3A_342 : i32
    %lt3A_344 = arith.constant 128 : i32
    %lt3A_345 = arith.cmpi slt, %add3A_343, %lt3A_344 : i32
    %jit3A_346 = arith.constant 0 : i32
    %select_n3A_347 = arith.select %lt3A_345, %add3A_343, %jit3A_346 : i32
    %get3A_348 = arith.index_cast %select_n3A_347 : i32 to index
    %get3A_349 = arith.constant 0 : index
    %get3A_350 = vector.load %arg3[%get3A_348, %get3A_349] : memref<128x128xf32, #tpu.memory_space<vmem>>, vector<1x128xf32>
    %get3A_351 = arith.constant 0 : index
    %get3A_352 = arith.constant 0 : index
    %get3A_353 = vector.load %arg2[%get3A_351, %get3A_352] : memref<128x128xf32, #tpu.memory_space<vmem>>, vector<128x128xf32>
    %get3A_354 = arith.constant 0 : index
    %get3A_355 = arith.constant 0 : index
    %get3A_356 = vector.load %arg2[%get3A_354, %get3A_355] : memref<128x128xf32, #tpu.memory_space<vmem>>, vector<1x128xf32>
    %broadcast_in_dim3A_357 = vector.shape_cast %get3A_356 : vector<1x128xf32> to vector<1x128xf32>
    %broadcast_in_dim3A_358 = vector.broadcast %broadcast_in_dim3A_357 : vector<1x128xf32> to vector<128x128xf32>
    %select_n3A_359 = arith.select %lt3A_345, %get3A_353, %broadcast_in_dim3A_358 : vector<128x128xf32>
    %get3A_360 = arith.constant 1536 : index
    %get3A_361 = arith.constant 0 : index
    %get3A_362 = vector.load %arg1[%get3A_360, %get3A_361] : memref<3328x128xf32, #tpu.memory_space<vmem>>, vector<128x128xf32>
    %add3A_363 = arith.addf %get3A_362, %select_n3A_359 : vector<128x128xf32>
    %add3A_364 = vector.broadcast %get3A_350 : vector<1x128xf32> to vector<128x128xf32>
    %add3A_365 = arith.addf %add3A_363, %add3A_364 : vector<128x128xf32>
    %swap3A_366 = arith.constant 1536 : index
    %swap3A_367 = arith.constant 0 : index
    %swap3A_368 = vector.load %arg4[%swap3A_366, %swap3A_367] : memref<3328x128xf32, #tpu.memory_space<vmem>>, vector<128x128xf32>
    tpu.vector_store %arg4[%swap3A_366, %swap3A_367], %add3A_365 {strides = array<i32>} : memref<3328x128xf32, #tpu.memory_space<vmem>>, vector<128x128xf32>,
    %mul3A_369 = arith.constant 26 : i32
    %mul3A_370 = arith.muli %arg0, %mul3A_369 : i32
    %add3A_371 = arith.constant 13 : i32
    %add3A_372 = arith.addi %mul3A_370, %add3A_371 : i32
    %lt3A_373 = arith.constant 128 : i32
    %lt3A_374 = arith.cmpi slt, %add3A_372, %lt3A_373 : i32
    %jit3A_375 = arith.constant 0 : i32
    %select_n3A_376 = arith.select %lt3A_374, %add3A_372, %jit3A_375 : i32
    %get3A_377 = arith.index_cast %select_n3A_376 : i32 to index
    %get3A_378 = arith.constant 0 : index
    %get3A_379 = vector.load %arg3[%get3A_377, %get3A_378] : memref<128x128xf32, #tpu.memory_space<vmem>>, vector<1x128xf32>
    %get3A_380 = arith.constant 0 : index
    %get3A_381 = arith.constant 0 : index
    %get3A_382 = vector.load %arg2[%get3A_380, %get3A_381] : memref<128x128xf32, #tpu.memory_space<vmem>>, vector<128x128xf32>
    %get3A_383 = arith.constant 0 : index
    %get3A_384 = arith.constant 0 : index
    %get3A_385 = vector.load %arg2[%get3A_383, %get3A_384] : memref<128x128xf32, #tpu.memory_space<vmem>>, vector<1x128xf32>
    %broadcast_in_dim3A_386 = vector.shape_cast %get3A_385 : vector<1x128xf32> to vector<1x128xf32>
    %broadcast_in_dim3A_387 = vector.broadcast %broadcast_in_dim3A_386 : vector<1x128xf32> to vector<128x128xf32>
    %select_n3A_388 = arith.select %lt3A_374, %get3A_382, %broadcast_in_dim3A_387 : vector<128x128xf32>
    %get3A_389 = arith.constant 1664 : index
    %get3A_390 = arith.constant 0 : index
    %get3A_391 = vector.load %arg1[%get3A_389, %get3A_390] : memref<3328x128xf32, #tpu.memory_space<vmem>>, vector<128x128xf32>
    %add3A_392 = arith.addf %get3A_391, %select_n3A_388 : vector<128x128xf32>
    %add3A_393 = vector.broadcast %get3A_379 : vector<1x128xf32> to vector<128x128xf32>
    %add3A_394 = arith.addf %add3A_392, %add3A_393 : vector<128x128xf32>
    %swap3A_395 = arith.constant 1664 : index
    %swap3A_396 = arith.constant 0 : index
    %swap3A_397 = vector.load %arg4[%swap3A_395, %swap3A_396] : memref<3328x128xf32, #tpu.memory_space<vmem>>, vector<128x128xf32>
    tpu.vector_store %arg4[%swap3A_395, %swap3A_396], %add3A_394 {strides = array<i32>} : memref<3328x128xf32, #tpu.memory_space<vmem>>, vector<128x128xf32>,
    %mul3A_398 = arith.constant 26 : i32
    %mul3A_399 = arith.muli %arg0, %mul3A_398 : i32
    %add3A_400 = arith.constant 14 : i32
    %add3A_401 = arith.addi %mul3A_399, %add3A_400 : i32
    %lt3A_402 = arith.constant 128 : i32
    %lt3A_403 = arith.cmpi slt, %add3A_401, %lt3A_402 : i32
    %jit3A_404 = arith.constant 0 : i32
    %select_n3A_405 = arith.select %lt3A_403, %add3A_401, %jit3A_404 : i32
    %get3A_406 = arith.index_cast %select_n3A_405 : i32 to index
    %get3A_407 = arith.constant 0 : index
    %get3A_408 = vector.load %arg3[%get3A_406, %get3A_407] : memref<128x128xf32, #tpu.memory_space<vmem>>, vector<1x128xf32>
    %get3A_409 = arith.constant 0 : index
    %get3A_410 = arith.constant 0 : index
    %get3A_411 = vector.load %arg2[%get3A_409, %get3A_410] : memref<128x128xf32, #tpu.memory_space<vmem>>, vector<128x128xf32>
    %get3A_412 = arith.constant 0 : index
    %get3A_413 = arith.constant 0 : index
    %get3A_414 = vector.load %arg2[%get3A_412, %get3A_413] : memref<128x128xf32, #tpu.memory_space<vmem>>, vector<1x128xf32>
    %broadcast_in_dim3A_415 = vector.shape_cast %get3A_414 : vector<1x128xf32> to vector<1x128xf32>
    %broadcast_in_dim3A_416 = vector.broadcast %broadcast_in_dim3A_415 : vector<1x128xf32> to vector<128x128xf32>
    %select_n3A_417 = arith.select %lt3A_403, %get3A_411, %broadcast_in_dim3A_416 : vector<128x128xf32>
    %get3A_418 = arith.constant 1792 : index
    %get3A_419 = arith.constant 0 : index
    %get3A_420 = vector.load %arg1[%get3A_418, %get3A_419] : memref<3328x128xf32, #tpu.memory_space<vmem>>, vector<128x128xf32>
    %add3A_421 = arith.addf %get3A_420, %select_n3A_417 : vector<128x128xf32>
    %add3A_422 = vector.broadcast %get3A_408 : vector<1x128xf32> to vector<128x128xf32>
    %add3A_423 = arith.addf %add3A_421, %add3A_422 : vector<128x128xf32>
    %swap3A_424 = arith.constant 1792 : index
    %swap3A_425 = arith.constant 0 : index
    %swap3A_426 = vector.load %arg4[%swap3A_424, %swap3A_425] : memref<3328x128xf32, #tpu.memory_space<vmem>>, vector<128x128xf32>
    tpu.vector_store %arg4[%swap3A_424, %swap3A_425], %add3A_423 {strides = array<i32>} : memref<3328x128xf32, #tpu.memory_space<vmem>>, vector<128x128xf32>,
    %mul3A_427 = arith.constant 26 : i32
    %mul3A_428 = arith.muli %arg0, %mul3A_427 : i32
    %add3A_429 = arith.constant 15 : i32
    %add3A_430 = arith.addi %mul3A_428, %add3A_429 : i32
    %lt3A_431 = arith.constant 128 : i32
    %lt3A_432 = arith.cmpi slt, %add3A_430, %lt3A_431 : i32
    %jit3A_433 = arith.constant 0 : i32
    %select_n3A_434 = arith.select %lt3A_432, %add3A_430, %jit3A_433 : i32
    %get3A_435 = arith.index_cast %select_n3A_434 : i32 to index
    %get3A_436 = arith.constant 0 : index
    %get3A_437 = vector.load %arg3[%get3A_435, %get3A_436] : memref<128x128xf32, #tpu.memory_space<vmem>>, vector<1x128xf32>
    %get3A_438 = arith.constant 0 : index
    %get3A_439 = arith.constant 0 : index
    %get3A_440 = vector.load %arg2[%get3A_438, %get3A_439] : memref<128x128xf32, #tpu.memory_space<vmem>>, vector<128x128xf32>
    %get3A_441 = arith.constant 0 : index
    %get3A_442 = arith.constant 0 : index
    %get3A_443 = vector.load %arg2[%get3A_441, %get3A_442] : memref<128x128xf32, #tpu.memory_space<vmem>>, vector<1x128xf32>
    %broadcast_in_dim3A_444 = vector.shape_cast %get3A_443 : vector<1x128xf32> to vector<1x128xf32>
    %broadcast_in_dim3A_445 = vector.broadcast %broadcast_in_dim3A_444 : vector<1x128xf32> to vector<128x128xf32>
    %select_n3A_446 = arith.select %lt3A_432, %get3A_440, %broadcast_in_dim3A_445 : vector<128x128xf32>
    %get3A_447 = arith.constant 1920 : index
    %get3A_448 = arith.constant 0 : index
    %get3A_449 = vector.load %arg1[%get3A_447, %get3A_448] : memref<3328x128xf32, #tpu.memory_space<vmem>>, vector<128x128xf32>
    %add3A_450 = arith.addf %get3A_449, %select_n3A_446 : vector<128x128xf32>
    %add3A_451 = vector.broadcast %get3A_437 : vector<1x128xf32> to vector<128x128xf32>
    %add3A_452 = arith.addf %add3A_450, %add3A_451 : vector<128x128xf32>
    %swap3A_453 = arith.constant 1920 : index
    %swap3A_454 = arith.constant 0 : index
    %swap3A_455 = vector.load %arg4[%swap3A_453, %swap3A_454] : memref<3328x128xf32, #tpu.memory_space<vmem>>, vector<128x128xf32>
    tpu.vector_store %arg4[%swap3A_453, %swap3A_454], %add3A_452 {strides = array<i32>} : memref<3328x128xf32, #tpu.memory_space<vmem>>, vector<128x128xf32>,
    %mul3A_456 = arith.constant 26 : i32
    %mul3A_457 = arith.muli %arg0, %mul3A_456 : i32
    %add3A_458 = arith.constant 16 : i32
    %add3A_459 = arith.addi %mul3A_457, %add3A_458 : i32
    %lt3A_460 = arith.constant 128 : i32
    %lt3A_461 = arith.cmpi slt, %add3A_459, %lt3A_460 : i32
    %jit3A_462 = arith.constant 0 : i32
    %select_n3A_463 = arith.select %lt3A_461, %add3A_459, %jit3A_462 : i32
    %get3A_464 = arith.index_cast %select_n3A_463 : i32 to index
    %get3A_465 = arith.constant 0 : index
    %get3A_466 = vector.load %arg3[%get3A_464, %get3A_465] : memref<128x128xf32, #tpu.memory_space<vmem>>, vector<1x128xf32>
    %get3A_467 = arith.constant 0 : index
    %get3A_468 = arith.constant 0 : index
    %get3A_469 = vector.load %arg2[%get3A_467, %get3A_468] : memref<128x128xf32, #tpu.memory_space<vmem>>, vector<128x128xf32>
    %get3A_470 = arith.constant 0 : index
    %get3A_471 = arith.constant 0 : index
    %get3A_472 = vector.load %arg2[%get3A_470, %get3A_471] : memref<128x128xf32, #tpu.memory_space<vmem>>, vector<1x128xf32>
    %broadcast_in_dim3A_473 = vector.shape_cast %get3A_472 : vector<1x128xf32> to vector<1x128xf32>
    %broadcast_in_dim3A_474 = vector.broadcast %broadcast_in_dim3A_473 : vector<1x128xf32> to vector<128x128xf32>
    %select_n3A_475 = arith.select %lt3A_461, %get3A_469, %broadcast_in_dim3A_474 : vector<128x128xf32>
    %get3A_476 = arith.constant 2048 : index
    %get3A_477 = arith.constant 0 : index
    %get3A_478 = vector.load %arg1[%get3A_476, %get3A_477] : memref<3328x128xf32, #tpu.memory_space<vmem>>, vector<128x128xf32>
    %add3A_479 = arith.addf %get3A_478, %select_n3A_475 : vector<128x128xf32>
    %add3A_480 = vector.broadcast %get3A_466 : vector<1x128xf32> to vector<128x128xf32>
    %add3A_481 = arith.addf %add3A_479, %add3A_480 : vector<128x128xf32>
    %swap3A_482 = arith.constant 2048 : index
    %swap3A_483 = arith.constant 0 : index
    %swap3A_484 = vector.load %arg4[%swap3A_482, %swap3A_483] : memref<3328x128xf32, #tpu.memory_space<vmem>>, vector<128x128xf32>
    tpu.vector_store %arg4[%swap3A_482, %swap3A_483], %add3A_481 {strides = array<i32>} : memref<3328x128xf32, #tpu.memory_space<vmem>>, vector<128x128xf32>,
    %mul3A_485 = arith.constant 26 : i32
    %mul3A_486 = arith.muli %arg0, %mul3A_485 : i32
    %add3A_487 = arith.constant 17 : i32
    %add3A_488 = arith.addi %mul3A_486, %add3A_487 : i32
    %lt3A_489 = arith.constant 128 : i32
    %lt3A_490 = arith.cmpi slt, %add3A_488, %lt3A_489 : i32
    %jit3A_491 = arith.constant 0 : i32
    %select_n3A_492 = arith.select %lt3A_490, %add3A_488, %jit3A_491 : i32
    %get3A_493 = arith.index_cast %select_n3A_492 : i32 to index
    %get3A_494 = arith.constant 0 : index
    %get3A_495 = vector.load %arg3[%get3A_493, %get3A_494] : memref<128x128xf32, #tpu.memory_space<vmem>>, vector<1x128xf32>
    %get3A_496 = arith.constant 0 : index
    %get3A_497 = arith.constant 0 : index
    %get3A_498 = vector.load %arg2[%get3A_496, %get3A_497] : memref<128x128xf32, #tpu.memory_space<vmem>>, vector<128x128xf32>
    %get3A_499 = arith.constant 0 : index
    %get3A_500 = arith.constant 0 : index
    %get3A_501 = vector.load %arg2[%get3A_499, %get3A_500] : memref<128x128xf32, #tpu.memory_space<vmem>>, vector<1x128xf32>
    %broadcast_in_dim3A_502 = vector.shape_cast %get3A_501 : vector<1x128xf32> to vector<1x128xf32>
    %broadcast_in_dim3A_503 = vector.broadcast %broadcast_in_dim3A_502 : vector<1x128xf32> to vector<128x128xf32>
    %select_n3A_504 = arith.select %lt3A_490, %get3A_498, %broadcast_in_dim3A_503 : vector<128x128xf32>
    %get3A_505 = arith.constant 2176 : index
    %get3A_506 = arith.constant 0 : index
    %get3A_507 = vector.load %arg1[%get3A_505, %get3A_506] : memref<3328x128xf32, #tpu.memory_space<vmem>>, vector<128x128xf32>
    %add3A_508 = arith.addf %get3A_507, %select_n3A_504 : vector<128x128xf32>
    %add3A_509 = vector.broadcast %get3A_495 : vector<1x128xf32> to vector<128x128xf32>
    %add3A_510 = arith.addf %add3A_508, %add3A_509 : vector<128x128xf32>
    %swap3A_511 = arith.constant 2176 : index
    %swap3A_512 = arith.constant 0 : index
    %swap3A_513 = vector.load %arg4[%swap3A_511, %swap3A_512] : memref<3328x128xf32, #tpu.memory_space<vmem>>, vector<128x128xf32>
    tpu.vector_store %arg4[%swap3A_511, %swap3A_512], %add3A_510 {strides = array<i32>} : memref<3328x128xf32, #tpu.memory_space<vmem>>, vector<128x128xf32>,
    %mul3A_514 = arith.constant 26 : i32
    %mul3A_515 = arith.muli %arg0, %mul3A_514 : i32
    %add3A_516 = arith.constant 18 : i32
    %add3A_517 = arith.addi %mul3A_515, %add3A_516 : i32
    %lt3A_518 = arith.constant 128 : i32
    %lt3A_519 = arith.cmpi slt, %add3A_517, %lt3A_518 : i32
    %jit3A_520 = arith.constant 0 : i32
    %select_n3A_521 = arith.select %lt3A_519, %add3A_517, %jit3A_520 : i32
    %get3A_522 = arith.index_cast %select_n3A_521 : i32 to index
    %get3A_523 = arith.constant 0 : index
    %get3A_524 = vector.load %arg3[%get3A_522, %get3A_523] : memref<128x128xf32, #tpu.memory_space<vmem>>, vector<1x128xf32>
    %get3A_525 = arith.constant 0 : index
    %get3A_526 = arith.constant 0 : index
    %get3A_527 = vector.load %arg2[%get3A_525, %get3A_526] : memref<128x128xf32, #tpu.memory_space<vmem>>, vector<128x128xf32>
    %get3A_528 = arith.constant 0 : index
    %get3A_529 = arith.constant 0 : index
    %get3A_530 = vector.load %arg2[%get3A_528, %get3A_529] : memref<128x128xf32, #tpu.memory_space<vmem>>, vector<1x128xf32>
    %broadcast_in_dim3A_531 = vector.shape_cast %get3A_530 : vector<1x128xf32> to vector<1x128xf32>
    %broadcast_in_dim3A_532 = vector.broadcast %broadcast_in_dim3A_531 : vector<1x128xf32> to vector<128x128xf32>
    %select_n3A_533 = arith.select %lt3A_519, %get3A_527, %broadcast_in_dim3A_532 : vector<128x128xf32>
    %get3A_534 = arith.constant 2304 : index
    %get3A_535 = arith.constant 0 : index
    %get3A_536 = vector.load %arg1[%get3A_534, %get3A_535] : memref<3328x128xf32, #tpu.memory_space<vmem>>, vector<128x128xf32>
    %add3A_537 = arith.addf %get3A_536, %select_n3A_533 : vector<128x128xf32>
    %add3A_538 = vector.broadcast %get3A_524 : vector<1x128xf32> to vector<128x128xf32>
    %add3A_539 = arith.addf %add3A_537, %add3A_538 : vector<128x128xf32>
    %swap3A_540 = arith.constant 2304 : index
    %swap3A_541 = arith.constant 0 : index
    %swap3A_542 = vector.load %arg4[%swap3A_540, %swap3A_541] : memref<3328x128xf32, #tpu.memory_space<vmem>>, vector<128x128xf32>
    tpu.vector_store %arg4[%swap3A_540, %swap3A_541], %add3A_539 {strides = array<i32>} : memref<3328x128xf32, #tpu.memory_space<vmem>>, vector<128x128xf32>,
    %mul3A_543 = arith.constant 26 : i32
    %mul3A_544 = arith.muli %arg0, %mul3A_543 : i32
    %add3A_545 = arith.constant 19 : i32
    %add3A_546 = arith.addi %mul3A_544, %add3A_545 : i32
    %lt3A_547 = arith.constant 128 : i32
    %lt3A_548 = arith.cmpi slt, %add3A_546, %lt3A_547 : i32
    %jit3A_549 = arith.constant 0 : i32
    %select_n3A_550 = arith.select %lt3A_548, %add3A_546, %jit3A_549 : i32
    %get3A_551 = arith.index_cast %select_n3A_550 : i32 to index
    %get3A_552 = arith.constant 0 : index
    %get3A_553 = vector.load %arg3[%get3A_551, %get3A_552] : memref<128x128xf32, #tpu.memory_space<vmem>>, vector<1x128xf32>
    %get3A_554 = arith.constant 0 : index
    %get3A_555 = arith.constant 0 : index
    %get3A_556 = vector.load %arg2[%get3A_554, %get3A_555] : memref<128x128xf32, #tpu.memory_space<vmem>>, vector<128x128xf32>
    %get3A_557 = arith.constant 0 : index
    %get3A_558 = arith.constant 0 : index
    %get3A_559 = vector.load %arg2[%get3A_557, %get3A_558] : memref<128x128xf32, #tpu.memory_space<vmem>>, vector<1x128xf32>
    %broadcast_in_dim3A_560 = vector.shape_cast %get3A_559 : vector<1x128xf32> to vector<1x128xf32>
    %broadcast_in_dim3A_561 = vector.broadcast %broadcast_in_dim3A_560 : vector<1x128xf32> to vector<128x128xf32>
    %select_n3A_562 = arith.select %lt3A_548, %get3A_556, %broadcast_in_dim3A_561 : vector<128x128xf32>
    %get3A_563 = arith.constant 2432 : index
    %get3A_564 = arith.constant 0 : index
    %get3A_565 = vector.load %arg1[%get3A_563, %get3A_564] : memref<3328x128xf32, #tpu.memory_space<vmem>>, vector<128x128xf32>
    %add3A_566 = arith.addf %get3A_565, %select_n3A_562 : vector<128x128xf32>
    %add3A_567 = vector.broadcast %get3A_553 : vector<1x128xf32> to vector<128x128xf32>
    %add3A_568 = arith.addf %add3A_566, %add3A_567 : vector<128x128xf32>
    %swap3A_569 = arith.constant 2432 : index
    %swap3A_570 = arith.constant 0 : index
    %swap3A_571 = vector.load %arg4[%swap3A_569, %swap3A_570] : memref<3328x128xf32, #tpu.memory_space<vmem>>, vector<128x128xf32>
    tpu.vector_store %arg4[%swap3A_569, %swap3A_570], %add3A_568 {strides = array<i32>} : memref<3328x128xf32, #tpu.memory_space<vmem>>, vector<128x128xf32>,
    %mul3A_572 = arith.constant 26 : i32
    %mul3A_573 = arith.muli %arg0, %mul3A_572 : i32
    %add3A_574 = arith.constant 20 : i32
    %add3A_575 = arith.addi %mul3A_573, %add3A_574 : i32
    %lt3A_576 = arith.constant 128 : i32
    %lt3A_577 = arith.cmpi slt, %add3A_575, %lt3A_576 : i32
    %jit3A_578 = arith.constant 0 : i32
    %select_n3A_579 = arith.select %lt3A_577, %add3A_575, %jit3A_578 : i32
    %get3A_580 = arith.index_cast %select_n3A_579 : i32 to index
    %get3A_581 = arith.constant 0 : index
    %get3A_582 = vector.load %arg3[%get3A_580, %get3A_581] : memref<128x128xf32, #tpu.memory_space<vmem>>, vector<1x128xf32>
    %get3A_583 = arith.constant 0 : index
    %get3A_584 = arith.constant 0 : index
    %get3A_585 = vector.load %arg2[%get3A_583, %get3A_584] : memref<128x128xf32, #tpu.memory_space<vmem>>, vector<128x128xf32>
    %get3A_586 = arith.constant 0 : index
    %get3A_587 = arith.constant 0 : index
    %get3A_588 = vector.load %arg2[%get3A_586, %get3A_587] : memref<128x128xf32, #tpu.memory_space<vmem>>, vector<1x128xf32>
    %broadcast_in_dim3A_589 = vector.shape_cast %get3A_588 : vector<1x128xf32> to vector<1x128xf32>
    %broadcast_in_dim3A_590 = vector.broadcast %broadcast_in_dim3A_589 : vector<1x128xf32> to vector<128x128xf32>
    %select_n3A_591 = arith.select %lt3A_577, %get3A_585, %broadcast_in_dim3A_590 : vector<128x128xf32>
    %get3A_592 = arith.constant 2560 : index
    %get3A_593 = arith.constant 0 : index
    %get3A_594 = vector.load %arg1[%get3A_592, %get3A_593] : memref<3328x128xf32, #tpu.memory_space<vmem>>, vector<128x128xf32>
    %add3A_595 = arith.addf %get3A_594, %select_n3A_591 : vector<128x128xf32>
    %add3A_596 = vector.broadcast %get3A_582 : vector<1x128xf32> to vector<128x128xf32>
    %add3A_597 = arith.addf %add3A_595, %add3A_596 : vector<128x128xf32>
    %swap3A_598 = arith.constant 2560 : index
    %swap3A_599 = arith.constant 0 : index
    %swap3A_600 = vector.load %arg4[%swap3A_598, %swap3A_599] : memref<3328x128xf32, #tpu.memory_space<vmem>>, vector<128x128xf32>
    tpu.vector_store %arg4[%swap3A_598, %swap3A_599], %add3A_597 {strides = array<i32>} : memref<3328x128xf32, #tpu.memory_space<vmem>>, vector<128x128xf32>,
    %mul3A_601 = arith.constant 26 : i32
    %mul3A_602 = arith.muli %arg0, %mul3A_601 : i32
    %add3A_603 = arith.constant 21 : i32
    %add3A_604 = arith.addi %mul3A_602, %add3A_603 : i32
    %lt3A_605 = arith.constant 128 : i32
    %lt3A_606 = arith.cmpi slt, %add3A_604, %lt3A_605 : i32
    %jit3A_607 = arith.constant 0 : i32
    %select_n3A_608 = arith.select %lt3A_606, %add3A_604, %jit3A_607 : i32
    %get3A_609 = arith.index_cast %select_n3A_608 : i32 to index
    %get3A_610 = arith.constant 0 : index
    %get3A_611 = vector.load %arg3[%get3A_609, %get3A_610] : memref<128x128xf32, #tpu.memory_space<vmem>>, vector<1x128xf32>
    %get3A_612 = arith.constant 0 : index
    %get3A_613 = arith.constant 0 : index
    %get3A_614 = vector.load %arg2[%get3A_612, %get3A_613] : memref<128x128xf32, #tpu.memory_space<vmem>>, vector<128x128xf32>
    %get3A_615 = arith.constant 0 : index
    %get3A_616 = arith.constant 0 : index
    %get3A_617 = vector.load %arg2[%get3A_615, %get3A_616] : memref<128x128xf32, #tpu.memory_space<vmem>>, vector<1x128xf32>
    %broadcast_in_dim3A_618 = vector.shape_cast %get3A_617 : vector<1x128xf32> to vector<1x128xf32>
    %broadcast_in_dim3A_619 = vector.broadcast %broadcast_in_dim3A_618 : vector<1x128xf32> to vector<128x128xf32>
    %select_n3A_620 = arith.select %lt3A_606, %get3A_614, %broadcast_in_dim3A_619 : vector<128x128xf32>
    %get3A_621 = arith.constant 2688 : index
    %get3A_622 = arith.constant 0 : index
    %get3A_623 = vector.load %arg1[%get3A_621, %get3A_622] : memref<3328x128xf32, #tpu.memory_space<vmem>>, vector<128x128xf32>
    %add3A_624 = arith.addf %get3A_623, %select_n3A_620 : vector<128x128xf32>
    %add3A_625 = vector.broadcast %get3A_611 : vector<1x128xf32> to vector<128x128xf32>
    %add3A_626 = arith.addf %add3A_624, %add3A_625 : vector<128x128xf32>
    %swap3A_627 = arith.constant 2688 : index
    %swap3A_628 = arith.constant 0 : index
    %swap3A_629 = vector.load %arg4[%swap3A_627, %swap3A_628] : memref<3328x128xf32, #tpu.memory_space<vmem>>, vector<128x128xf32>
    tpu.vector_store %arg4[%swap3A_627, %swap3A_628], %add3A_626 {strides = array<i32>} : memref<3328x128xf32, #tpu.memory_space<vmem>>, vector<128x128xf32>,
    %mul3A_630 = arith.constant 26 : i32
    %mul3A_631 = arith.muli %arg0, %mul3A_630 : i32
    %add3A_632 = arith.constant 22 : i32
    %add3A_633 = arith.addi %mul3A_631, %add3A_632 : i32
    %lt3A_634 = arith.constant 128 : i32
    %lt3A_635 = arith.cmpi slt, %add3A_633, %lt3A_634 : i32
    %jit3A_636 = arith.constant 0 : i32
    %select_n3A_637 = arith.select %lt3A_635, %add3A_633, %jit3A_636 : i32
    %get3A_638 = arith.index_cast %select_n3A_637 : i32 to index
    %get3A_639 = arith.constant 0 : index
    %get3A_640 = vector.load %arg3[%get3A_638, %get3A_639] : memref<128x128xf32, #tpu.memory_space<vmem>>, vector<1x128xf32>
    %get3A_641 = arith.constant 0 : index
    %get3A_642 = arith.constant 0 : index
    %get3A_643 = vector.load %arg2[%get3A_641, %get3A_642] : memref<128x128xf32, #tpu.memory_space<vmem>>, vector<128x128xf32>
    %get3A_644 = arith.constant 0 : index
    %get3A_645 = arith.constant 0 : index
    %get3A_646 = vector.load %arg2[%get3A_644, %get3A_645] : memref<128x128xf32, #tpu.memory_space<vmem>>, vector<1x128xf32>
    %broadcast_in_dim3A_647 = vector.shape_cast %get3A_646 : vector<1x128xf32> to vector<1x128xf32>
    %broadcast_in_dim3A_648 = vector.broadcast %broadcast_in_dim3A_647 : vector<1x128xf32> to vector<128x128xf32>
    %select_n3A_649 = arith.select %lt3A_635, %get3A_643, %broadcast_in_dim3A_648 : vector<128x128xf32>
    %get3A_650 = arith.constant 2816 : index
    %get3A_651 = arith.constant 0 : index
    %get3A_652 = vector.load %arg1[%get3A_650, %get3A_651] : memref<3328x128xf32, #tpu.memory_space<vmem>>, vector<128x128xf32>
    %add3A_653 = arith.addf %get3A_652, %select_n3A_649 : vector<128x128xf32>
    %add3A_654 = vector.broadcast %get3A_640 : vector<1x128xf32> to vector<128x128xf32>
    %add3A_655 = arith.addf %add3A_653, %add3A_654 : vector<128x128xf32>
    %swap3A_656 = arith.constant 2816 : index
    %swap3A_657 = arith.constant 0 : index
    %swap3A_658 = vector.load %arg4[%swap3A_656, %swap3A_657] : memref<3328x128xf32, #tpu.memory_space<vmem>>, vector<128x128xf32>
    tpu.vector_store %arg4[%swap3A_656, %swap3A_657], %add3A_655 {strides = array<i32>} : memref<3328x128xf32, #tpu.memory_space<vmem>>, vector<128x128xf32>,
    %mul3A_659 = arith.constant 26 : i32
    %mul3A_660 = arith.muli %arg0, %mul3A_659 : i32
    %add3A_661 = arith.constant 23 : i32
    %add3A_662 = arith.addi %mul3A_660, %add3A_661 : i32
    %lt3A_663 = arith.constant 128 : i32
    %lt3A_664 = arith.cmpi slt, %add3A_662, %lt3A_663 : i32
    %jit3A_665 = arith.constant 0 : i32
    %select_n3A_666 = arith.select %lt3A_664, %add3A_662, %jit3A_665 : i32
    %get3A_667 = arith.index_cast %select_n3A_666 : i32 to index
    %get3A_668 = arith.constant 0 : index
    %get3A_669 = vector.load %arg3[%get3A_667, %get3A_668] : memref<128x128xf32, #tpu.memory_space<vmem>>, vector<1x128xf32>
    %get3A_670 = arith.constant 0 : index
    %get3A_671 = arith.constant 0 : index
    %get3A_672 = vector.load %arg2[%get3A_670, %get3A_671] : memref<128x128xf32, #tpu.memory_space<vmem>>, vector<128x128xf32>
    %get3A_673 = arith.constant 0 : index
    %get3A_674 = arith.constant 0 : index
    %get3A_675 = vector.load %arg2[%get3A_673, %get3A_674] : memref<128x128xf32, #tpu.memory_space<vmem>>, vector<1x128xf32>
    %broadcast_in_dim3A_676 = vector.shape_cast %get3A_675 : vector<1x128xf32> to vector<1x128xf32>
    %broadcast_in_dim3A_677 = vector.broadcast %broadcast_in_dim3A_676 : vector<1x128xf32> to vector<128x128xf32>
    %select_n3A_678 = arith.select %lt3A_664, %get3A_672, %broadcast_in_dim3A_677 : vector<128x128xf32>
    %get3A_679 = arith.constant 2944 : index
    %get3A_680 = arith.constant 0 : index
    %get3A_681 = vector.load %arg1[%get3A_679, %get3A_680] : memref<3328x128xf32, #tpu.memory_space<vmem>>, vector<128x128xf32>
    %add3A_682 = arith.addf %get3A_681, %select_n3A_678 : vector<128x128xf32>
    %add3A_683 = vector.broadcast %get3A_669 : vector<1x128xf32> to vector<128x128xf32>
    %add3A_684 = arith.addf %add3A_682, %add3A_683 : vector<128x128xf32>
    %swap3A_685 = arith.constant 2944 : index
    %swap3A_686 = arith.constant 0 : index
    %swap3A_687 = vector.load %arg4[%swap3A_685, %swap3A_686] : memref<3328x128xf32, #tpu.memory_space<vmem>>, vector<128x128xf32>
    tpu.vector_store %arg4[%swap3A_685, %swap3A_686], %add3A_684 {strides = array<i32>} : memref<3328x128xf32, #tpu.memory_space<vmem>>, vector<128x128xf32>,
    %mul3A_688 = arith.constant 26 : i32
    %mul3A_689 = arith.muli %arg0, %mul3A_688 : i32
    %add3A_690 = arith.constant 24 : i32
    %add3A_691 = arith.addi %mul3A_689, %add3A_690 : i32
    %lt3A_692 = arith.constant 128 : i32
    %lt3A_693 = arith.cmpi slt, %add3A_691, %lt3A_692 : i32
    %jit3A_694 = arith.constant 0 : i32
    %select_n3A_695 = arith.select %lt3A_693, %add3A_691, %jit3A_694 : i32
    %get3A_696 = arith.index_cast %select_n3A_695 : i32 to index
    %get3A_697 = arith.constant 0 : index
    %get3A_698 = vector.load %arg3[%get3A_696, %get3A_697] : memref<128x128xf32, #tpu.memory_space<vmem>>, vector<1x128xf32>
    %get3A_699 = arith.constant 0 : index
    %get3A_700 = arith.constant 0 : index
    %get3A_701 = vector.load %arg2[%get3A_699, %get3A_700] : memref<128x128xf32, #tpu.memory_space<vmem>>, vector<128x128xf32>
    %get3A_702 = arith.constant 0 : index
    %get3A_703 = arith.constant 0 : index
    %get3A_704 = vector.load %arg2[%get3A_702, %get3A_703] : memref<128x128xf32, #tpu.memory_space<vmem>>, vector<1x128xf32>
    %broadcast_in_dim3A_705 = vector.shape_cast %get3A_704 : vector<1x128xf32> to vector<1x128xf32>
    %broadcast_in_dim3A_706 = vector.broadcast %broadcast_in_dim3A_705 : vector<1x128xf32> to vector<128x128xf32>
    %select_n3A_707 = arith.select %lt3A_693, %get3A_701, %broadcast_in_dim3A_706 : vector<128x128xf32>
    %get3A_708 = arith.constant 3072 : index
    %get3A_709 = arith.constant 0 : index
    %get3A_710 = vector.load %arg1[%get3A_708, %get3A_709] : memref<3328x128xf32, #tpu.memory_space<vmem>>, vector<128x128xf32>
    %add3A_711 = arith.addf %get3A_710, %select_n3A_707 : vector<128x128xf32>
    %add3A_712 = vector.broadcast %get3A_698 : vector<1x128xf32> to vector<128x128xf32>
    %add3A_713 = arith.addf %add3A_711, %add3A_712 : vector<128x128xf32>
    %swap3A_714 = arith.constant 3072 : index
    %swap3A_715 = arith.constant 0 : index
    %swap3A_716 = vector.load %arg4[%swap3A_714, %swap3A_715] : memref<3328x128xf32, #tpu.memory_space<vmem>>, vector<128x128xf32>
    tpu.vector_store %arg4[%swap3A_714, %swap3A_715], %add3A_713 {strides = array<i32>} : memref<3328x128xf32, #tpu.memory_space<vmem>>, vector<128x128xf32>,
    %mul3A_717 = arith.constant 26 : i32
    %mul3A_718 = arith.muli %arg0, %mul3A_717 : i32
    %add3A_719 = arith.constant 25 : i32
    %add3A_720 = arith.addi %mul3A_718, %add3A_719 : i32
    %lt3A_721 = arith.constant 128 : i32
    %lt3A_722 = arith.cmpi slt, %add3A_720, %lt3A_721 : i32
    %jit3A_723 = arith.constant 0 : i32
    %select_n3A_724 = arith.select %lt3A_722, %add3A_720, %jit3A_723 : i32
    %get3A_725 = arith.index_cast %select_n3A_724 : i32 to index
    %get3A_726 = arith.constant 0 : index
    %get3A_727 = vector.load %arg3[%get3A_725, %get3A_726] : memref<128x128xf32, #tpu.memory_space<vmem>>, vector<1x128xf32>
    %get3A_728 = arith.constant 0 : index
    %get3A_729 = arith.constant 0 : index
    %get3A_730 = vector.load %arg2[%get3A_728, %get3A_729] : memref<128x128xf32, #tpu.memory_space<vmem>>, vector<128x128xf32>
    %get3A_731 = arith.constant 0 : index
    %get3A_732 = arith.constant 0 : index
    %get3A_733 = vector.load %arg2[%get3A_731, %get3A_732] : memref<128x128xf32, #tpu.memory_space<vmem>>, vector<1x128xf32>
    %broadcast_in_dim3A_734 = vector.shape_cast %get3A_733 : vector<1x128xf32> to vector<1x128xf32>
    %broadcast_in_dim3A_735 = vector.broadcast %broadcast_in_dim3A_734 : vector<1x128xf32> to vector<128x128xf32>
    %select_n3A_736 = arith.select %lt3A_722, %get3A_730, %broadcast_in_dim3A_735 : vector<128x128xf32>
    %get3A_737 = arith.constant 3200 : index
    %get3A_738 = arith.constant 0 : index
    %get3A_739 = vector.load %arg1[%get3A_737, %get3A_738] : memref<3328x128xf32, #tpu.memory_space<vmem>>, vector<128x128xf32>
    %add3A_740 = arith.addf %get3A_739, %select_n3A_736 : vector<128x128xf32>
    %add3A_741 = vector.broadcast %get3A_727 : vector<1x128xf32> to vector<128x128xf32>
    %add3A_742 = arith.addf %add3A_740, %add3A_741 : vector<128x128xf32>
    %swap3A_743 = arith.constant 3200 : index
    %swap3A_744 = arith.constant 0 : index
    %swap3A_745 = vector.load %arg4[%swap3A_743, %swap3A_744] : memref<3328x128xf32, #tpu.memory_space<vmem>>, vector<128x128xf32>
    tpu.vector_store %arg4[%swap3A_743, %swap3A_744], %add3A_742 {strides = array<i32>} : memref<3328x128xf32, #tpu.memory_space<vmem>>, vector<128x128xf32>,
    return
  }
  func.func @transform_0(%arg0: i32) -> (i32, i32) {
    %c0_i32 = arith.constant 0 : i32
    %c0_i32_0 = arith.constant 0 : i32
    return %arg0, %c0_i32 : i32, i32
  }
  func.func @transform_1(%arg0: i32) -> (i32, i32) {
    %c0_i32 = arith.constant 0 : i32
    %c0_i32_0 = arith.constant 0 : i32
    %c0_i32_1 = arith.constant 0 : i32
    return %c0_i32, %c0_i32_0 : i32, i32
  }
  func.func @transform_2(%arg0: i32) -> (i32, i32) {
    %c0_i32 = arith.constant 0 : i32
    %c0_i32_0 = arith.constant 0 : i32
    %c0_i32_1 = arith.constant 0 : i32
    return %c0_i32, %c0_i32_0 : i32, i32
  }
  func.func @transform_3(%arg0: i32) -> (i32, i32) {
    %c0_i32 = arith.constant 0 : i32
    %c0_i32_0 = arith.constant 0 : i32
    return %arg0, %c0_i32 : i32, i32
  }
}

</mosaic_0001>

<sc_bundles>
// kernel: kernel.4.cloned.1.call-start
scs
__scs_entry_jumppad:
0x0: {  	(pc) =	sbr.rel $0x88, $3  }
0x1: {  	(tag) =	ssettag $0x0;
	lr =	simm.s32 $0x1  }
0x2: {  	[smem:$0x3F9D] =	sst lr;
	_ =	strace $0xD0000000  }
0x3: {  	_ = 	snop  }
0x4: {  	_ = 	snop  }
0x5: {  	_ = 	snop  }
0x6: {  	_ = 	snop  }
0x7: {  	_ = 	snop  }
__scs_overlays_trampoline_lowered:
0x8: {  	[smem:$0x3FAC] =	sst s0  }
0x9: {  	[smem:$0x3FAD] =	sst s1  }
0xa: {  	[smem:$0x3FAE] =	sst s2  }
0xb: {  	[smem:$0x3FAF] =	sst s3  }
0xc: {  	[smem:$0x3FB0] =	sst s4  }
0xd: {  	[smem:$0x3FB1] =	sst s5  }
0xe: {  	[smem:$0x3FB2] =	sst s6  }
0xf: {  	[smem:$0x3FB3] =	sst s7  }
0x10: {  	[smem:$0x3FB4] =	sst s8  }
0x11: {  	[smem:$0x3FB5] =	sst s9;
	s0 =	simm.s32 @!p0 $0x0  }
0x12: {  	s1 =	sld [smem:$0x3F9B];
	s0 =	simm.s32 @p0 $0x1  }
0x13: {  	[smem:$0x3FB6] =	sst s0;
	s0 =	simm.s32 @!p1 $0x0  }
0x14: {  	s2 =	sld [smem:$0x3F9A];
	s0 =	simm.s32 @p1 $0x1  }
0x15: {  	[smem:$0x3FB7] =	sst s0;
	s0 =	simm.s32 @!p2 $0x0  }
0x16: {  	s3 =	sld [smem:$0x3FDB];
	s0 =	simm.s32 @p2 $0x1  }
0x17: {  	s4 =	simm.s32 $0x1BF5;
	[smem:$0x3FB9] =	sst s0  }
0x18: {  	s0 =	sld [smem:$0x3F9C];
	_ =	swait.ge [sflag:s4], $0x0  }
0x19: {  	s7 =	sld [smem:$0x3F9D]  }
0x1a: {  	s8 =	sadd.s32 $0xFFFFE003, lr  }
0x1b: {  	s9 =	sadd.s32 $0xFFFFFEF7, lr;
	s5 =	simm.s32 $0xFFFFFFFF;
	p2 =	slt.u32 s8, $0xFFFFF086  }
0x1c: {  	p1 =	slt.u32 s9, $0xF7A;
	s5 =	simm.s32 @!p2 $0x0  }
0x1d: {  	s5 =	simm.s32 @p1 $0x1;
	p0 =	seq.s32 s7, s2  }
0x1e: {  	s7 =	smul.u32 @!p0 $0xF7A, s2;
	p2 =	seq.s32 @!p0 s5, $0x0  }
0x1f: {  	s9 =	smul.u32 $0xF7A, s1;
	s8 =	simm.s32 @!p0 $0x1BF5;
	p2 =	por !p2, p0  }
0x20: {  	[sflag:s8] =	ssyncset.s32 @!p0 $0xFFFFF086;
	s6 =	sadd.s32 @!p0 s3, s7;
	s7 =	simm.s32 @!p0 $0x108  }
0x21: {  	s3 =	sadd.s32 s3, s9;
	s6 =	sadd.s32 @!p0 $0x88, s6;
	s7 =	simm.s32 @p2 $0x1082  }
0x22: {  	[simem:s7], [sflag:s8] =	dma.local @!p0 [hbm:s6], $0xF7A  }
0x23: {  	s9 =	sor.u32 $0xD0000000, s2;
	s6 =	simm.s32 $0x108;
	_ =	swait.ge @!p0 [sflag:s8], $0x0  }
0x24: {  	s3 =	sadd.s32 $0x88, s3;
	s6 =	simm.s32 @!p1 $0x1082;
	[sflag:s4] =	ssyncset.s32 $0xFFFFF086  }
0x25: {  	[simem:s6], [sflag:s4] =	dma.local [hbm:s3], $0xF7A  }
0x26: {  	[smem:$0x3F9D] =	sst s1;
	(tag) =	ssettag s2;
	_ =	strace s9  }
0x27: {  	s1 =	sld [smem:$0x3FAD]  }
0x28: {  	s2 =	sld [smem:$0x3FAE]  }
0x29: {  	s4 =	sld [smem:$0x3FB0]  }
0x2a: {  	p0 =	seq.s32 s5, $0x0;
	s5 =	sld [smem:$0x3FB1]  }
0x2b: {  	s6 =	sld [smem:$0x3FB2]  }
0x2c: {  	s7 =	sld [smem:$0x3FB3]  }
0x2d: {  	s3 =	simm.s32 $0x108;
	s8 =	sld [smem:$0x3FB4]  }
0x2e: {  	s3 =	simm.s32 @!p0 $0x1082;
	s9 =	sld [smem:$0x3FB5]  }
0x2f: {  	lr =	sadd.s32 s0, s3;
	s0 =	sld [smem:$0x3FAC]  }
0x30: {  	s3 =	sld [smem:$0x3FAF]  }
0x31: {  	[smem:$0x3FB8] =	sst s10  }
0x32: {  	s10 =	sld [smem:$0x3FB6];
	_ =	sdelay $0x3  }
0x33: {  	p0 =	seq.s32 s10, $0x1;
	s10 =	sld [smem:$0x3FB8];
	_ =	sdelay $0x3  }
0x34: {  	[smem:$0x3FB8] =	sst s10  }
0x35: {  	s10 =	sld [smem:$0x3FB7];
	_ =	sdelay $0x3  }
0x36: {  	p1 =	seq.s32 s10, $0x1;
	s10 =	sld [smem:$0x3FB8];
	_ =	sdelay $0x3  }
0x37: {  	[smem:$0x3FB8] =	sst s10  }
0x38: {  	s10 =	sld [smem:$0x3FB9]  }
0x39: {  	_ = 	snop;
	(pc) =	sbr.ind lr, $3  }
0x3a: {  	_ = 	snop  }
0x3b: {  	_ = 	snop  }
0x3c: {  	p2 =	seq.s32 s10, $0x1;
	s10 =	sld [smem:$0x3FB8]  }
0x3d: {  	_ =	shalt  }
0x3e: {  	_ =	shalt  }
0x3f: {  	_ =	shalt  }
0x40: {  	_ =	shalt  }
0x41: {  	_ =	shalt  }
0x42: {  	_ =	shalt  }
0x43: {  	_ =	shalt  }
0x44: {  	_ =	shalt  }
0x45: {  	_ =	shalt  }
0x46: {  	_ =	shalt  }
0x47: {  	_ =	shalt  }
0x48: {  	_ =	shalt  }
0x49: {  	_ =	shalt  }
0x4a: {  	_ =	shalt  }
0x4b: {  	_ =	shalt  }
0x4c: {  	_ =	shalt  }
0x4d: {  	_ =	shalt  }
0x4e: {  	_ =	shalt  }
0x4f: {  	_ =	shalt  }
0x50: {  	_ =	shalt  }
0x51: {  	_ =	shalt  }
0x52: {  	_ =	shalt  }
0x53: {  	_ =	shalt  }
0x54: {  	_ =	shalt  }
0x55: {  	_ =	shalt  }
0x56: {  	_ =	shalt  }
0x57: {  	_ =	shalt  }
0x58: {  	_ =	shalt  }
0x59: {  	_ =	shalt  }
0x5a: {  	_ =	shalt  }
0x5b: {  	_ =	shalt  }
0x5c: {  	_ =	shalt  }
0x5d: {  	_ =	shalt  }
0x5e: {  	_ =	shalt  }
0x5f: {  	_ =	shalt  }
0x60: {  	_ =	shalt  }
0x61: {  	_ =	shalt  }
0x62: {  	_ =	shalt  }
0x63: {  	_ =	shalt  }
0x64: {  	_ =	shalt  }
0x65: {  	_ =	shalt  }
0x66: {  	_ =	shalt  }
0x67: {  	_ =	shalt  }
0x68: {  	_ =	shalt  }
0x69: {  	_ =	shalt  }
0x6a: {  	_ =	shalt  }
0x6b: {  	_ =	shalt  }
0x6c: {  	_ =	shalt  }
0x6d: {  	_ =	shalt  }
0x6e: {  	_ =	shalt  }
0x6f: {  	_ =	shalt  }
0x70: {  	_ =	shalt  }
0x71: {  	_ =	shalt  }
0x72: {  	_ =	shalt  }
0x73: {  	_ =	shalt  }
0x74: {  	_ =	shalt  }
0x75: {  	_ =	shalt  }
0x76: {  	_ =	shalt  }
0x77: {  	_ =	shalt  }
0x78: {  	_ =	shalt  }
0x79: {  	_ =	shalt  }
0x7a: {  	_ =	shalt  }
0x7b: {  	_ =	shalt  }
0x7c: {  	_ =	shalt  }
0x7d: {  	_ =	shalt  }
0x7e: {  	_ =	shalt  }
0x7f: {  	_ =	shalt  }
0x80: {  	_ =	shalt  }
0x81: {  	_ =	shalt  }
0x82: {  	_ =	shalt  }
0x83: {  	_ =	shalt  }
0x84: {  	_ =	shalt  }
0x85: {  	_ =	shalt  }
0x86: {  	_ =	shalt  }
0x87: {  	_ =	shalt  }
.Lfunc_end0:
.L_simem_size_0:
called_computation_lowered:
.L_overlay_start_0:
0x88: {  	s2 =	sld [smem:$0x3FD9]  }
0x89: {  	s3 =	sld [smem:$0x3FFE];
	_ =	sdelay $0x1  }
0x8a: {  	s1 =	srdreg.scid  }
0x8b: {  	s0 =	sand.u32 $0x1, s1  }
0x8c: {  	s17 =	sshll.u32 s0, $0xA;
	s2 =	sadd.s32 s3, s2  }
0x8d: {  	s2 =	sadd.s32 s2, s17  }
0x8e: {  	[smem:$0x3FC4] =	sst s2  }
0x8f: {  	_ = 	snop  }
0x90: {  	s2 =	sld [smem:$0x3FD0];
	(tm) =	ssettm $0x1  }
0x91: {  	s18 =	sld [smem:$0x3FFB];
	_ =	sdelay $0x3  }
0x92: {  	_ =	strace s18  }
0x93: {  	s3 =	sld [smem:$0x3FFC];
	_ =	sdelay $0x3  }
0x94: {  	_ =	strace s3  }
0x95: {  	s3 =	sld [smem:$0x3FFD];
	_ =	sdelay $0x3  }
0x96: {  	_ =	strace s3  }
0x97: {  	_ =	strace $0x8FFFFFFF  }
0x98: {  	s19 =	sld [smem:$0x3FDB];
	_ =	sdelay $0x1  }
0x99: {  	s4 =	simm.s32 $_scs_section_size  }
0x9a: {  	s5 =	simm.s32 $_size__tile_overlayer_lowered;
	s6 =	simm.s32 $_tile_overlayer_lowered  }
0x9b: {  	s22 =	simm.s32 $0x1BFF;
	s21 =	sshll.u32 s6, $0x1;
	s3 =	sadd.s32 s4, s19  }
0x9c: {  	s7 =	simm.s32 $0x0;
	s20 =	sshll.u32 s5, $0x1;
	s5 =	sadd.s32 s21, s3  }
0x9d: {  	[timem:s7], [sflag:s22] =	dma.local [hbm:s5], s20  }
0x9e: {  	_ =	swait.ge [sflag:s22], s20  }
0x9f: {  	s4 =	ssub.s32 $0x0, s20;
	[sflag:s22] =	ssyncset.done $0x0  }
0xa0: {  	[sflag:s22] =	ssyncadd.s32 s4;
	_ =	sdelay $0x1  }
0xa1: {  	s23 =	simm.s32 $0x1B8B  }
0xa2: {  	_ =	swait.ge [sflag:s23], $0x1  }
0xa3: {  	[sflag:s23] =	ssyncset.done $0x0  }
0xa4: {  	s25 =	simm.s32 $0x1B8E;
	s24 =	sld [smem:$0x3FFE];
	[sflag:s23] =	ssyncadd.s32 $0xFFFFFFFF  }
0xa5: {  	s26 =	simm.s32 $execute0_lowered;
	[smem:$0x3FD2] =	sst s25  }
0xa6: {  	s5 =	sshll.u32 s26, $0x1;
	_ =	strace $0x80000046;
	[dreg:$0x1] =	wrdreg $0xFFFFFFFF  }
0xa7: {  	s28 =	simm.s32 $_size_execute0_lowered;
	s3 =	sadd.s32 s3, s5;
	[dreg:$0x0] =	wrdreg $0x0  }
0xa8: {  	s5 =	sshll.u32 s28, $0x1;
	[dreg:$0x2] =	wrdreg s3  }
0xa9: {  	[dreg:$0x3] =	wrdreg s5  }
0xaa: {  	[dreg:$0x4] =	wrdreg $0xC0  }
0xab: {  	_ =	task [dreg:s7], $0x5FFFF  }
0xac: {  	[dreg:$0x1] =	wrdreg $0xFFFFFFFF  }
0xad: {  	[dreg:$0x0] =	wrdreg $0x60  }
0xae: {  	[dreg:$0x2] =	wrdreg s24  }
0xaf: {  	[dreg:$0x3] =	wrdreg s2  }
0xb0: {  	[dreg:$0x4] =	wrdreg $0x9  }
0xb1: {  	_ =	task.clear_ibuf [dreg:s7], $0x5FFFF;
	_ =	strace $0x90000046  }
0xb2: {  	s29 =	simm.s32 $0x9;
	_ =	strace $0x80000048  }
0xb3: {  	_ =	swait.ge [sflag:s29], $0x1  }
0xb4: {  	[sflag:s29] =	ssyncadd.s32 $0xFFFFFFFF  }
0xb5: {  	_ =	strace $0x90000048  }
0xb6: {  	_ =	sfence  }
0xb7: {  	s30 =	sld [smem:$0x0];
	_ =	sdelay $0x2  }
0xb8: {  	s31 =	sshll.u32 s1, $0xD;
	s1 =	sshrl.u32 s1, $0x2  }
0xb9: {  	s3 =	sand.u32 $0x4000, s31;
	s1 =	sadd.s32 s1, s30  }
0xba: {  	s0 =	sor.u32 s3, s0;
	s1 =	sshll.u32 s1, $0x11  }
0xbb: {  	s0 =	sor.u32 s1, s0  }
0xbc: {  	s0 =	sadd.s32 $0x8F2B, s0  }
0xbd: {  	[sflag:s0] =	ssyncadd.remote.s32 $0x1  }
0xbe: {  	_ =	sfence.sel $0xFFFF  }
0xbf: {  	[dreg:$0x0] =	wrdreg $0xFFFFFFFF;
	(pc) =	sbr.abs _section_cstart, $3  }
0xc0: {  	[dreg:$0x1] =	wrdreg $0xFFFFFFFF  }
0xc1: {  	_ =	task.clear_ibuf [dreg:s7], $0x2FFFF;
	_ =	strace $0x9FFFFFFF  }
0xc2: {  	(tm) =	ssettm $0x7FFFFFFF  }
0xc3: {  	_ =	shalt  }
tec
execute0_lowered:
.L_overlay_start_1:
0x0: {  	(tag) =	ssettag $0x1  }
0x1: {  	s0 =	rddreg [dreg:$0x0]  }
0x2: {  	s2 =	rddreg [dreg:$0x1];
	s1 =	srdreg.scid  }
0x3: {  	s4 =	stileid.u32;
	s3 =	simm.s32 $0x0;
	s11 =	simm.s32 $0x7  }
0x4: {  	s12 =	simm.s32 $0x80;
	s13 =	simm.s32 $0x4000;
	s14 =	simm.s32 $0x8000  }
0x5: {  	s16 =	simm.s32 $0xC000;
	s18 =	simm.s32 $0x10000;
	s19 =	simm.s32 $0x14000  }
0x6: {  	s20 =	simm.s32 $0x18000;
	s21 =	simm.s32 $0x1;
	s22 =	simm.s32 $0x4  }
0x7: {  	s23 =	simm.s32 $0x2;
	s24 =	simm.s32 $0x3;
	s25 =	simm.s32 $0x5  }
0x8: {  	s26 =	simm.s32 $0x6;
	s1 =	sand.u32 $0x1, s1;
	s4 =	sshll.u32 s4, $0x1  }
0x9: {  	s28 =	simm.s32 $0x0;
	[smem:$0x7FF] =	sst s3;
	s5 =	sor.u32 s1, s4  }
0xa: {  	_ =	strace $0x80000047;
	s1 =	ssub.s32 $0x2, s1;
	s4 =	sshll.u32 s5, $0xB  }
0xb: {  	s8 =	sshll.u32 s5, $0x8;
	s6 =	sshrl.u32 s1, $0x1;
	s5 =	sshll.u32 s5, $0x4  }
0xc: {  	s7 =	sadd.s32 s4, s0;
	s4 =	sadd.s32 $0x10A00, s0;
	s0 =	sadd.s32 s8, s0  }
0xd: {  	s1 =	ssub.s32 s1, s6;
	s31 =	sadd.s32 s8, s2;
	s6 =	sadd.s32 $0x51A00, s0  }
0xe: {  	s7 =	sadd.s32 $0xA00, s7;
	s8 =	sadd.s32 $0x6000F0, s31;
	s9 =	smax.u32 s1, $0x1  }
.LBB2_1:
0xf: {  	s0 =	simm.s32 $0x1C000  }
0x10: {  	[tilespmem:s0], [sflag:$0x7] =	stream.linear.gather [hbm4b:s6+s3], $0x800, $0x38;
	[tilespmem:$0x1C800] =	vst v63  }
0x11: {  	_ =	swait.ge [sflag:s11], $0x800  }
0x12: {  	[sflag:s11] =	ssyncset.done $0x0  }
0x13: {  	[sflag:s11] =	ssyncadd.s32 $0xFFFFF800  }
0x14: {  	[tilespmem:s3], [sflag:$0x7] =	stream.linear.gather [hbm4b:s7+s3], $0x4000, $0x38;
	[tilespmem:$0x1C800] =	vst v63  }
0x15: {  	_ =	swait.ge [sflag:s11], $0x4000  }
0x16: {  	[sflag:s11] =	ssyncset.done $0x0  }
0x17: {  	[sflag:s11] =	ssyncadd.s32 $0xFFFFC000  }
0x18: {  	[tilespmem:s13], [sflag:$0x1] =	stream.indirect.gather [hbm4b:s4+s12], $0x80, s3, s12, $0xb8;
	[tilespmem:$0x1C800] =	vst v63  }
0x19: {  	_ = 	snop  }
0x1a: {  	[tilespmem:s14], [sflag:$0x1] =	stream.indirect.gather [hbm4b:s4+s12], $0x80, s12, s12, $0xb8;
	[tilespmem:$0x1C800] =	vst v63  }
0x1b: {  	s30 =	simm.s32 $0x100  }
0x1c: {  	[tilespmem:s16], [sflag:$0x2] =	stream.indirect.gather [hbm4b:s4+s12], $0x80, s30, s12, $0xb8;
	[tilespmem:$0x1C800] =	vst v63  }
0x1d: {  	s31 =	simm.s32 $0x180;
	s29 =	simm.s32 $0x0  }
0x1e: {  	[tilespmem:s18], [sflag:$0x2] =	stream.indirect.gather [hbm4b:s4+s12], $0x80, s31, s12, $0xb8;
	[tilespmem:$0x1C800] =	vst v63  }
.LBB2_2:
0x1f: {  	s31 =	smul.u32 $0x3, s29;
	p0 =	seq.s32 s29, $0x0  }
0x20: {  	s0 =	simm.s32 @!p0 $0x6  }
0x21: {  	s30 =	sadd.s32 $0x2, s31;
	_ =	swait.ge @!p0 [sflag:s0], $0x8000  }
0x22: {  	[sflag:s0] =	ssyncset.done @!p0 $0x0;
	s1 =	sshll.u32 s30, $0x8  }
0x23: {  	[sflag:s0] =	ssyncadd.s32 @!p0 $0xFFFF8000;
	s17 =	sand.u32 $0x3FFFFF00, s1  }
0x24: {  	[tilespmem:s19], [sflag:$0x3] =	stream.indirect.gather [hbm4b:s4+s12], $0x80, s17, s12, $0xb8;
	[tilespmem:$0x1C800] =	vst v63  }
0x25: {  	s0 =	sor.u32 $0x80, s17  }
0x26: {  	[tilespmem:s20], [sflag:$0x3] =	stream.indirect.gather [hbm4b:s4+s12], $0x80, s0, s12, $0xb8;
	[tilespmem:$0x1C800] =	vst v63  }
0x27: {  	_ =	swait.ge [sflag:s21], $0x4000  }
0x28: {  	[sflag:s21] =	ssyncset.done $0x0  }
0x29: {  	[sflag:s21] =	ssyncadd.s32 $0xFFFFC000  }
0x2a: {  	_ =	swait.ge [sflag:s21], $0x4000  }
0x2b: {  	s10 =	sshrl.u32 s31, $0x2;
	[sflag:s21] =	ssyncset.done $0x0  }
0x2c: {  	s0 =	sshll.u32 s10, $0x7;
	[sflag:s21] =	ssyncadd.s32 $0xFFFFC000  }
0x2d: {  	v0 =	vld [tilespmem:s0+$0x1C000]  }
0x2e: {  	v5 =	vld [tilespmem:s0+$0x1C010]  }
0x2f: {  	v6 =	vld [tilespmem:s0+$0x1C020]  }
0x30: {  	v4 =	vld [tilespmem:s0+$0x1C030]  }
0x31: {  	v3 =	vld [tilespmem:s0+$0x1C040]  }
0x32: {  	v2 =	vld [tilespmem:s0+$0x1C050]  }
0x33: {  	v1 =	vld [tilespmem:s0+$0x1C060]  }
0x34: {  	s1 =	simm.s32 $0x4200;
	v7 =	vld [tilespmem:s0+$0x1C070]  }
0x35: {  	v8 =	vld [tilespmem:s1+$0x1F0]  }
0x36: {  	v9 =	vld [tilespmem:s1+$0xFFFFFE10]  }
0x37: {  	v10 =	vld [tilespmem:s1+$0xFFFFFE20]  }
0x38: {  	v19 =	vld [tilespmem:s1+$0xFFFFFEB0]  }
0x39: {  	v16 =	vld [tilespmem:s1+$0xFFFFFE80]  }
0x3a: {  	v12 =	vld [tilespmem:s1+$0xFFFFFE40];
	v8 =	vadd.f32 v8, v7  }
0x3b: {  	v11 =	vld [tilespmem:s1+$0xFFFFFE30];
	v9 =	vadd.f32 v9, v5  }
0x3c: {  	v14 =	vld [tilespmem:s1+$0xFFFFFE60];
	v10 =	vadd.f32 v10, v6;
	[tilespmem:s1+$0x1F0] =	vst v8  }
0x3d: {  	v13 =	vld [tilespmem:s1+$0xFFFFFE50];
	v56 =	vadd.f32 v19, v4;
	[tilespmem:s1+$0xFFFFFE10] =	vst v9  }
0x3e: {  	v17 =	vld [tilespmem:s1+$0xFFFFFE90];
	v8 =	vadd.f32 v16, v0;
	[tilespmem:s1+$0xFFFFFE20] =	vst v10  }
0x3f: {  	v9 =	vld [tilespmem:s1+$0xFFFFFEE0];
	v10 =	vadd.f32 v12, v3;
	[tilespmem:s1+$0xFFFFFEB0] =	vst v56  }
0x40: {  	v15 =	vld [tilespmem:s1+$0xFFFFFE70];
	[tilespmem:s1+$0xFFFFFE80] =	vst v8;
	v8 =	vadd.f32 v11, v4  }
0x41: {  	v12 =	vld [tilespmem:s1+$0xFFFFFF00];
	[tilespmem:s1+$0xFFFFFE40] =	vst v10;
	v10 =	vadd.f32 v14, v1  }
0x42: {  	v11 =	vld [tilespmem:s1+$0xFFFFFEF0];
	[tilespmem:s1+$0xFFFFFE30] =	vst v8;
	v8 =	vadd.f32 v13, v2  }
0x43: {  	v20 =	vld [tilespmem:s1+$0xFFFFFEC0];
	[tilespmem:s1+$0xFFFFFE60] =	vst v10;
	v10 =	vadd.f32 v17, v5  }
0x44: {  	v18 =	vld [tilespmem:s1+$0xFFFFFEA0];
	v9 =	vadd.f32 v9, v1;
	[tilespmem:s1+$0xFFFFFE50] =	vst v8  }
0x45: {  	v14 =	vld [tilespmem:s1+$0xFFFFFF20];
	v8 =	vadd.f32 v15, v7;
	[tilespmem:s1+$0xFFFFFE90] =	vst v10  }
0x46: {  	v54 =	vld [tilespmem:s1+$0xFFFFFED0];
	v10 =	vadd.f32 v12, v0;
	[tilespmem:s1+$0xFFFFFEE0] =	vst v9  }
0x47: {  	v13 =	vld [tilespmem:s1+$0xFFFFFF10];
	v11 =	vadd.f32 v11, v7;
	[tilespmem:s1+$0xFFFFFE70] =	vst v8  }
0x48: {  	v55 =	vld [tilespmem:s1+$0xFFFFFF40];
	[tilespmem:s1+$0xFFFFFF00] =	vst v10;
	v10 =	vadd.f32 v20, v3  }
0x49: {  	v15 =	vld [tilespmem:s1+$0xFFFFFF30];
	v8 =	vadd.f32 v18, v6;
	[tilespmem:s1+$0xFFFFFEF0] =	vst v11  }
0x4a: {  	v11 =	vadd.f32 v14, v6;
	[tilespmem:s1+$0xFFFFFEC0] =	vst v10;
	v10 =	vld [tilespmem:s1+$0xFFFFFF80]  }
0x4b: {  	v16 =	vadd.f32 v54, v2;
	[tilespmem:s1+$0xFFFFFEA0] =	vst v8;
	v8 =	vld [tilespmem:s1+$0xFFFFFF60]  }
0x4c: {  	v9 =	vadd.f32 v13, v5;
	[tilespmem:s1+$0xFFFFFF20] =	vst v11;
	v11 =	vld [tilespmem:s1+$0xFFFFFFD0]  }
0x4d: {  	[tilespmem:s1+$0xFFFFFED0] =	vst v16;
	v17 =	vadd.f32 v55, v3;
	v12 =	vld [tilespmem:s1+$0xFFFFFF50]  }
0x4e: {  	v58 =	vld [tilespmem:s1+$0xFFFFFF90];
	[tilespmem:s1+$0xFFFFFF10] =	vst v9;
	v9 =	vadd.f32 v15, v4  }
0x4f: {  	v57 =	vld [tilespmem:s1+$0xFFFFFF70];
	[tilespmem:s1+$0xFFFFFF40] =	vst v17;
	v10 =	vadd.f32 v10, v0  }
0x50: {  	v14 =	vld [tilespmem:s1+$0xFFFFFFB0];
	[tilespmem:s1+$0xFFFFFF30] =	vst v9;
	v8 =	vadd.f32 v8, v1  }
0x51: {  	v13 =	vld [tilespmem:s1+$0xFFFFFFA0];
	v11 =	vadd.f32 v11, v2;
	[tilespmem:s1+$0xFFFFFF80] =	vst v10  }
0x52: {  	v59 =	vld [tilespmem:s1+$0x0];
	v10 =	vadd.f32 v12, v2;
	[tilespmem:s1+$0xFFFFFF60] =	vst v8  }
0x53: {  	v15 =	vld [tilespmem:s1+$0xFFFFFFC0];
	v8 =	vadd.f32 v58, v5;
	[tilespmem:s1+$0xFFFFFFD0] =	vst v11  }
0x54: {  	v9 =	vld [tilespmem:s1+$0xFFFFFFE0];
	[tilespmem:s1+$0xFFFFFF50] =	vst v10;
	v10 =	vadd.f32 v57, v7  }
0x55: {  	v12 =	vld [tilespmem:s1+$0xFFFFFFF0];
	[tilespmem:s1+$0xFFFFFF90] =	vst v8;
	v8 =	vadd.f32 v14, v4  }
0x56: {  	v60 =	vld [tilespmem:s1+$0x10];
	[tilespmem:s1+$0xFFFFFF70] =	vst v10;
	v10 =	vadd.f32 v13, v6  }
0x57: {  	v13 =	vld [tilespmem:s1+$0x20];
	[tilespmem:s1+$0xFFFFFFB0] =	vst v8;
	v8 =	vadd.f32 v59, v0  }
0x58: {  	v14 =	vld [tilespmem:s1+$0x30];
	[tilespmem:s1+$0xFFFFFFA0] =	vst v10;
	v10 =	vadd.f32 v15, v3  }
0x59: {  	v15 =	vld [tilespmem:s1+$0x40];
	[tilespmem:s1+$0x0] =	vst v8;
	v8 =	vadd.f32 v9, v1  }
0x5a: {  	v61 =	vld [tilespmem:s1+$0x50];
	v9 =	vadd.f32 v12, v7;
	[tilespmem:s1+$0xFFFFFFC0] =	vst v10  }
0x5b: {  	v12 =	vld [tilespmem:s1+$0x80];
	[tilespmem:s1+$0xFFFFFFE0] =	vst v8;
	v8 =	vadd.f32 v60, v5  }
0x5c: {  	v10 =	vld [tilespmem:s1+$0x60];
	[tilespmem:s1+$0xFFFFFFF0] =	vst v9;
	v9 =	vadd.f32 v13, v6  }
0x5d: {  	v11 =	vld [tilespmem:s1+$0x70];
	[tilespmem:s1+$0x10] =	vst v8;
	v8 =	vadd.f32 v14, v4  }
0x5e: {  	v13 =	vld [tilespmem:s1+$0x90];
	[tilespmem:s1+$0x20] =	vst v9;
	v9 =	vadd.f32 v15, v3  }
0x5f: {  	v14 =	vld [tilespmem:s1+$0xA0];
	[tilespmem:s1+$0x30] =	vst v8;
	v8 =	vadd.f32 v61, v2  }
0x60: {  	v15 =	vld [tilespmem:s1+$0xB0];
	[tilespmem:s1+$0x40] =	vst v9;
	v9 =	vadd.f32 v12, v0  }
0x61: {  	v62 =	vld [tilespmem:s1+$0xC0];
	v10 =	vadd.f32 v10, v1;
	[tilespmem:s1+$0x50] =	vst v8  }
0x62: {  	v12 =	vld [tilespmem:s1+$0xD0];
	[tilespmem:s1+$0x80] =	vst v9;
	v9 =	vadd.f32 v11, v7  }
0x63: {  	v8 =	vld [tilespmem:s1+$0xE0];
	[tilespmem:s1+$0x60] =	vst v10;
	v10 =	vadd.f32 v13, v5  }
0x64: {  	v11 =	vld [tilespmem:s1+$0xF0];
	[tilespmem:s1+$0x70] =	vst v9;
	v9 =	vadd.f32 v14, v6  }
0x65: {  	v13 =	vld [tilespmem:s1+$0x100];
	[tilespmem:s1+$0x90] =	vst v10;
	v10 =	vadd.f32 v15, v4  }
0x66: {  	v14 =	vld [tilespmem:s1+$0x110];
	[tilespmem:s1+$0xA0] =	vst v9;
	v9 =	vadd.f32 v62, v3  }
0x67: {  	v15 =	vld [tilespmem:s1+$0x120];
	[tilespmem:s1+$0xB0] =	vst v10;
	v10 =	vadd.f32 v12, v2  }
0x68: {  	v12 =	vld [tilespmem:s1+$0x130];
	v8 =	vadd.f32 v8, v1;
	[tilespmem:s1+$0xC0] =	vst v9  }
0x69: {  	v11 =	vadd.f32 v11, v7;
	v9 =	vld [tilespmem:s1+$0x140];
	[tilespmem:s1+$0xD0] =	vst v10  }
0x6a: {  	v10 =	vadd.f32 v13, v0;
	v13 =	vld [tilespmem:s1+$0x150];
	[tilespmem:s1+$0xE0] =	vst v8  }
0x6b: {  	v8 =	vld [tilespmem:s1+$0x160];
	v14 =	vadd.f32 v14, v5;
	[tilespmem:s1+$0xF0] =	vst v11  }
0x6c: {  	v11 =	vld [tilespmem:s1+$0x170];
	[tilespmem:s1+$0x100] =	vst v10;
	v10 =	vadd.f32 v15, v6  }
0x6d: {  	[tilespmem:s1+$0x110] =	vst v14;
	v12 =	vadd.f32 v12, v4;
	v14 =	vld [tilespmem:s1+$0x180]  }
0x6e: {  	v15 =	vld [tilespmem:s1+$0x190];
	[tilespmem:s1+$0x120] =	vst v10;
	v9 =	vadd.f32 v9, v3  }
0x6f: {  	[tilespmem:s1+$0x130] =	vst v12;
	v10 =	vadd.f32 v13, v2;
	v13 =	vld [tilespmem:s1+$0x1A0]  }
0x70: {  	v8 =	vadd.f32 v8, v1;
	v12 =	vld [tilespmem:s1+$0x1B0];
	[tilespmem:s1+$0x140] =	vst v9  }
0x71: {  	[tilespmem:s1+$0x150] =	vst v10;
	v9 =	vadd.f32 v11, v7;
	v10 =	vld [tilespmem:s1+$0x1C0]  }
0x72: {  	[tilespmem:s1+$0x160] =	vst v8;
	v11 =	vld [tilespmem:s1+$0x1D0];
	v63 =	vadd.f32 v14, v0  }
0x73: {  	v14 =	vadd.f32 v15, v5;
	[tilespmem:s1+$0x170] =	vst v9;
	v9 =	vld [tilespmem:s1+$0x1E0]  }
0x74: {  	s15 =	simm.s32 $0x0;
	s17 =	simm.s32 $0x4600;
	v8 =	vld [tilespmem:s1+$0xFFFFFE00];
	[tilespmem:s1+$0x180] =	vst v63;
	v13 =	vadd.f32 v13, v6  }
.LBB2_3:
0x75: {  	v15 =	vld [tilespmem:s17+$0x1F0];
	s15 =	sadd.s32 $0x8, s15;
	[tilespmem:s1+$0x190] =	vst v14;
	v12 =	vadd.f32 v12, v4  }
0x76: {  	v14 =	vld [tilespmem:s17+$0xFFFFFE10];
	p0 =	slt.u32 s15, $0xF8;
	[tilespmem:s1+$0x1A0] =	vst v13;
	v10 =	vadd.f32 v10, v3  }
0x77: {  	v13 =	vld [tilespmem:s17+$0xFFFFFE20];
	[tilespmem:s1+$0x1B0] =	vst v12;
	v11 =	vadd.f32 v11, v2  }
0x78: {  	v12 =	vld [tilespmem:s17+$0xFFFFFE30];
	[tilespmem:s1+$0x1C0] =	vst v10;
	v9 =	vadd.f32 v9, v1  }
0x79: {  	v10 =	vld [tilespmem:s17+$0xFFFFFE40];
	v8 =	vadd.f32 v8, v0;
	[tilespmem:s1+$0x1D0] =	vst v11  }
0x7a: {  	v11 =	vld [tilespmem:s17+$0xFFFFFE50];
	v15 =	vadd.f32 v15, v7;
	[tilespmem:s1+$0x1E0] =	vst v9  }
0x7b: {  	v9 =	vadd.f32 v14, v5;
	v14 =	vld [tilespmem:s17+$0xFFFFFE60];
	[tilespmem:s1+$0xFFFFFE00] =	vst v8;
	s1 =	smov.u32 s17  }
0x7c: {  	v8 =	vadd.f32 v13, v6;
	v13 =	vld [tilespmem:s17+$0xFFFFFE70];
	[tilespmem:s17+$0x1F0] =	vst v15  }
0x7d: {  	[tilespmem:s17+$0xFFFFFE10] =	vst v9;
	v9 =	vadd.f32 v12, v4;
	v12 =	vld [tilespmem:s17+$0xFFFFFE80]  }
0x7e: {  	[tilespmem:s17+$0xFFFFFE20] =	vst v8;
	v8 =	vadd.f32 v10, v3;
	v10 =	vld [tilespmem:s17+$0xFFFFFE90]  }
0x7f: {  	[tilespmem:s17+$0xFFFFFE30] =	vst v9;
	v9 =	vadd.f32 v11, v2;
	v11 =	vld [tilespmem:s17+$0xFFFFFEA0]  }
0x80: {  	[tilespmem:s17+$0xFFFFFE40] =	vst v8;
	v8 =	vadd.f32 v14, v1;
	v14 =	vld [tilespmem:s17+$0xFFFFFEB0]  }
0x81: {  	[tilespmem:s17+$0xFFFFFE50] =	vst v9;
	v9 =	vadd.f32 v13, v7;
	v13 =	vld [tilespmem:s17+$0xFFFFFEC0]  }
0x82: {  	[tilespmem:s17+$0xFFFFFE60] =	vst v8;
	v8 =	vadd.f32 v12, v0;
	v12 =	vld [tilespmem:s17+$0xFFFFFED0]  }
0x83: {  	[tilespmem:s17+$0xFFFFFE70] =	vst v9;
	v9 =	vadd.f32 v10, v5;
	v10 =	vld [tilespmem:s17+$0xFFFFFEE0]  }
0x84: {  	[tilespmem:s17+$0xFFFFFE80] =	vst v8;
	v8 =	vadd.f32 v11, v6;
	v11 =	vld [tilespmem:s17+$0xFFFFFEF0]  }
0x85: {  	[tilespmem:s17+$0xFFFFFE90] =	vst v9;
	v9 =	vadd.f32 v14, v4;
	v14 =	vld [tilespmem:s17+$0xFFFFFF00]  }
0x86: {  	[tilespmem:s17+$0xFFFFFEA0] =	vst v8;
	v8 =	vadd.f32 v13, v3;
	v13 =	vld [tilespmem:s17+$0xFFFFFF10]  }
0x87: {  	[tilespmem:s17+$0xFFFFFEB0] =	vst v9;
	v9 =	vadd.f32 v12, v2;
	v12 =	vld [tilespmem:s17+$0xFFFFFF20]  }
0x88: {  	[tilespmem:s17+$0xFFFFFEC0] =	vst v8;
	v8 =	vadd.f32 v10, v1;
	v10 =	vld [tilespmem:s17+$0xFFFFFF30]  }
0x89: {  	[tilespmem:s17+$0xFFFFFED0] =	vst v9;
	v9 =	vadd.f32 v11, v7;
	v11 =	vld [tilespmem:s17+$0xFFFFFF40]  }
0x8a: {  	[tilespmem:s17+$0xFFFFFEE0] =	vst v8;
	v8 =	vadd.f32 v14, v0;
	v14 =	vld [tilespmem:s17+$0xFFFFFF50]  }
0x8b: {  	[tilespmem:s17+$0xFFFFFEF0] =	vst v9;
	v9 =	vadd.f32 v13, v5;
	v13 =	vld [tilespmem:s17+$0xFFFFFF60]  }
0x8c: {  	[tilespmem:s17+$0xFFFFFF00] =	vst v8;
	v8 =	vadd.f32 v12, v6;
	v12 =	vld [tilespmem:s17+$0xFFFFFF70]  }
0x8d: {  	[tilespmem:s17+$0xFFFFFF10] =	vst v9;
	v9 =	vadd.f32 v10, v4;
	v10 =	vld [tilespmem:s17+$0xFFFFFF80]  }
0x8e: {  	[tilespmem:s17+$0xFFFFFF20] =	vst v8;
	v8 =	vadd.f32 v11, v3;
	v11 =	vld [tilespmem:s17+$0xFFFFFF90]  }
0x8f: {  	[tilespmem:s17+$0xFFFFFF30] =	vst v9;
	v9 =	vadd.f32 v14, v2;
	v14 =	vld [tilespmem:s17+$0xFFFFFFA0]  }
0x90: {  	[tilespmem:s17+$0xFFFFFF40] =	vst v8;
	v8 =	vadd.f32 v13, v1;
	v13 =	vld [tilespmem:s17+$0xFFFFFFB0]  }
0x91: {  	[tilespmem:s17+$0xFFFFFF50] =	vst v9;
	v9 =	vadd.f32 v12, v7;
	v12 =	vld [tilespmem:s17+$0xFFFFFFC0]  }
0x92: {  	[tilespmem:s17+$0xFFFFFF60] =	vst v8;
	v8 =	vadd.f32 v10, v0;
	v10 =	vld [tilespmem:s17+$0xFFFFFFD0]  }
0x93: {  	[tilespmem:s17+$0xFFFFFF70] =	vst v9;
	v9 =	vadd.f32 v11, v5;
	v11 =	vld [tilespmem:s17+$0xFFFFFFE0]  }
0x94: {  	[tilespmem:s17+$0xFFFFFF80] =	vst v8;
	v8 =	vadd.f32 v14, v6;
	v14 =	vld [tilespmem:s17+$0xFFFFFFF0]  }
0x95: {  	[tilespmem:s17+$0xFFFFFF90] =	vst v9;
	v9 =	vadd.f32 v13, v4;
	v13 =	vld [tilespmem:s17+$0x0]  }
0x96: {  	[tilespmem:s17+$0xFFFFFFA0] =	vst v8;
	v8 =	vadd.f32 v12, v3;
	v12 =	vld [tilespmem:s17+$0x10]  }
0x97: {  	[tilespmem:s17+$0xFFFFFFB0] =	vst v9;
	v9 =	vadd.f32 v10, v2;
	v10 =	vld [tilespmem:s17+$0x20]  }
0x98: {  	[tilespmem:s17+$0xFFFFFFC0] =	vst v8;
	v8 =	vadd.f32 v11, v1;
	v11 =	vld [tilespmem:s17+$0x30]  }
0x99: {  	[tilespmem:s17+$0xFFFFFFD0] =	vst v9;
	v9 =	vadd.f32 v14, v7;
	v14 =	vld [tilespmem:s17+$0x40]  }
0x9a: {  	[tilespmem:s17+$0xFFFFFFE0] =	vst v8;
	v8 =	vadd.f32 v13, v0;
	v13 =	vld [tilespmem:s17+$0x50]  }
0x9b: {  	[tilespmem:s17+$0xFFFFFFF0] =	vst v9;
	v9 =	vadd.f32 v12, v5;
	v12 =	vld [tilespmem:s17+$0x60]  }
0x9c: {  	[tilespmem:s17+$0x0] =	vst v8;
	v8 =	vadd.f32 v10, v6;
	v10 =	vld [tilespmem:s17+$0x70]  }
0x9d: {  	[tilespmem:s17+$0x10] =	vst v9;
	v9 =	vadd.f32 v11, v4;
	v11 =	vld [tilespmem:s17+$0x80]  }
0x9e: {  	[tilespmem:s17+$0x20] =	vst v8;
	v8 =	vadd.f32 v14, v3;
	v14 =	vld [tilespmem:s17+$0x90]  }
0x9f: {  	[tilespmem:s17+$0x30] =	vst v9;
	v9 =	vadd.f32 v13, v2;
	v13 =	vld [tilespmem:s17+$0xA0]  }
0xa0: {  	[tilespmem:s17+$0x40] =	vst v8;
	v8 =	vadd.f32 v12, v1;
	v12 =	vld [tilespmem:s17+$0xB0]  }
0xa1: {  	[tilespmem:s17+$0x50] =	vst v9;
	v9 =	vadd.f32 v10, v7;
	v10 =	vld [tilespmem:s17+$0xC0]  }
0xa2: {  	[tilespmem:s17+$0x60] =	vst v8;
	v8 =	vadd.f32 v11, v0;
	v11 =	vld [tilespmem:s17+$0xD0]  }
0xa3: {  	[tilespmem:s17+$0x70] =	vst v9;
	v9 =	vadd.f32 v14, v5;
	v14 =	vld [tilespmem:s17+$0xE0]  }
0xa4: {  	[tilespmem:s17+$0x80] =	vst v8;
	v8 =	vadd.f32 v13, v6;
	v13 =	vld [tilespmem:s17+$0xF0]  }
0xa5: {  	[tilespmem:s17+$0x90] =	vst v9;
	v9 =	vadd.f32 v12, v4;
	v12 =	vld [tilespmem:s17+$0x100]  }
0xa6: {  	[tilespmem:s17+$0xA0] =	vst v8;
	v8 =	vadd.f32 v10, v3;
	v10 =	vld [tilespmem:s17+$0x110]  }
0xa7: {  	[tilespmem:s17+$0xB0] =	vst v9;
	v9 =	vadd.f32 v11, v2;
	v11 =	vld [tilespmem:s17+$0x120]  }
0xa8: {  	[tilespmem:s17+$0xC0] =	vst v8;
	v8 =	vadd.f32 v14, v1;
	v14 =	vld [tilespmem:s17+$0x130]  }
0xa9: {  	[tilespmem:s17+$0xD0] =	vst v9;
	v9 =	vadd.f32 v13, v7;
	v13 =	vld [tilespmem:s17+$0x140]  }
0xaa: {  	[tilespmem:s17+$0xE0] =	vst v8;
	v8 =	vadd.f32 v12, v0;
	v12 =	vld [tilespmem:s17+$0x150]  }
0xab: {  	[tilespmem:s17+$0xF0] =	vst v9;
	v9 =	vadd.f32 v10, v5;
	v10 =	vld [tilespmem:s17+$0x160]  }
0xac: {  	[tilespmem:s17+$0x100] =	vst v8;
	v8 =	vadd.f32 v11, v6;
	v11 =	vld [tilespmem:s17+$0x170]  }
0xad: {  	[tilespmem:s17+$0x110] =	vst v9;
	v9 =	vadd.f32 v14, v4;
	v14 =	vld [tilespmem:s17+$0x180]  }
0xae: {  	[tilespmem:s17+$0x120] =	vst v8;
	v8 =	vadd.f32 v13, v3;
	v13 =	vld [tilespmem:s17+$0x190]  }
0xaf: {  	[tilespmem:s17+$0x130] =	vst v9;
	v9 =	vadd.f32 v12, v2;
	v15 =	vld [tilespmem:s17+$0x1A0]  }
.Ltmp0:
0xb0: {  	[tilespmem:s17+$0x140] =	vst v8;
	v8 =	vadd.f32 v10, v1;
	v12 =	vld [tilespmem:s17+$0x1B0];
	(pc) =	sbr.rel @p0 .LBB2_3-.Ltmp0, $4  }
0xb1: {  	[tilespmem:s17+$0x150] =	vst v9;
	v9 =	vadd.f32 v11, v7;
	v10 =	vld [tilespmem:s17+$0x1C0]  }
0xb2: {  	[tilespmem:s17+$0x160] =	vst v8;
	v16 =	vadd.f32 v14, v0;
	v11 =	vld [tilespmem:s17+$0x1D0]  }
0xb3: {  	[tilespmem:s17+$0x170] =	vst v9;
	v14 =	vadd.f32 v13, v5;
	v9 =	vld [tilespmem:s17+$0x1E0]  }
0xb4: {  	s17 =	sadd.s32 $0x400, s17;
	v8 =	vld [tilespmem:s1+$0xFFFFFE00];
	[tilespmem:s1+$0x180] =	vst v16;
	v13 =	vadd.f32 v15, v6  }
0xb5: {  	[tilespmem:s1+$0x190] =	vst v14;
	v4 =	vadd.f32 v12, v4;
	s15 =	smul.u32 $0x3000000, s29;
	s10 =	sadd.s32 s5, s10  }
0xb6: {  	[tilespmem:s1+$0x1A0] =	vst v13;
	v3 =	vadd.f32 v10, v3;
	s10 =	sshll.u32 s10, $0x7  }
0xb7: {  	[tilespmem:s1+$0x1B0] =	vst v4;
	v2 =	vadd.f32 v11, v2;
	s15 =	sand.u32 $0x3000000, s15;
	s10 =	sand.u32 $0x7FFFFC00, s10  }
0xb8: {  	s0 =	sand.u32 $0x380, s0;
	[tilespmem:s1+$0x1C0] =	vst v3;
	v1 =	vadd.f32 v9, v1;
	s10 =	sadd.s32 s15, s10  }
0xb9: {  	v0 =	vadd.f32 v8, v0;
	[tilespmem:s1+$0x1D0] =	vst v2;
	s0 =	sor.u32 s0, s10  }
0xba: {  	[tilespmem:s1+$0x1E0] =	vst v1;
	s0 =	sshrl.u32 s0, $0x3  }
0xbb: {  	[tilespmem:s1+$0xFFFFFE00] =	vst v0;
	s0 =	sadd.s32 s2, s0;
	s1 =	smul.u32 $0xC00, s29  }
0xbc: {  	[hbm4b:s0+s12] =	stream.strided.scatter [tilespmem:s13], [sflag:$0x4], $0x8000, s18, s12, $0x38;
	[tilespmem:$0x1C800] =	vst v63  }
0xbd: {  	_ =	swait.ge [sflag:s22], $0x8000  }
0xbe: {  	s0 =	sshra.s32 s1, $0x2;
	[sflag:s22] =	ssyncset.done $0x0  }
0xbf: {  	s10 =	sadd.s32 $0x300, s0;
	[sflag:s22] =	ssyncadd.s32 $0xFFFF8000  }
0xc0: {  	[tilespmem:s13], [sflag:$0x1] =	stream.indirect.gather [hbm4b:s4+s12], $0x80, s10, s12, $0xb8;
	[tilespmem:$0x1C800] =	vst v63  }
0xc1: {  	s15 =	sadd.s32 $0x380, s0  }
0xc2: {  	[tilespmem:s14], [sflag:$0x1] =	stream.indirect.gather [hbm4b:s4+s12], $0x80, s15, s12, $0xb8;
	[tilespmem:$0x1C800] =	vst v63  }
0xc3: {  	_ =	swait.ge [sflag:s23], $0x4000  }
0xc4: {  	[sflag:s23] =	ssyncset.done $0x0  }
0xc5: {  	[sflag:s23] =	ssyncadd.s32 $0xFFFFC000  }
0xc6: {  	s31 =	sadd.s32 $0x1, s31;
	_ =	swait.ge [sflag:s23], $0x4000  }
0xc7: {  	s17 =	sshll.u32 s31, $0x5;
	[sflag:s23] =	ssyncset.done $0x0  }
0xc8: {  	s1 =	sand.u32 $0x3FFFFF80, s17;
	[sflag:s23] =	ssyncadd.s32 $0xFFFFC000  }
0xc9: {  	v0 =	vld [tilespmem:s1+$0x1C000]  }
0xca: {  	v5 =	vld [tilespmem:s1+$0x1C010]  }
0xcb: {  	v6 =	vld [tilespmem:s1+$0x1C020]  }
0xcc: {  	v4 =	vld [tilespmem:s1+$0x1C030]  }
0xcd: {  	v3 =	vld [tilespmem:s1+$0x1C040]  }
0xce: {  	v2 =	vld [tilespmem:s1+$0x1C050]  }
0xcf: {  	v1 =	vld [tilespmem:s1+$0x1C060]  }
0xd0: {  	v7 =	vld [tilespmem:s1+$0x1C070];
	s1 =	simm.s32 $0xC200  }
0xd1: {  	v8 =	vld [tilespmem:s1+$0x1F0]  }
0xd2: {  	v9 =	vld [tilespmem:s1+$0xFFFFFE10]  }
0xd3: {  	v10 =	vld [tilespmem:s1+$0xFFFFFE20]  }
0xd4: {  	v19 =	vld [tilespmem:s1+$0xFFFFFEB0]  }
0xd5: {  	v16 =	vld [tilespmem:s1+$0xFFFFFE80]  }
0xd6: {  	v12 =	vld [tilespmem:s1+$0xFFFFFE40];
	v8 =	vadd.f32 v8, v7  }
0xd7: {  	v11 =	vld [tilespmem:s1+$0xFFFFFE30];
	v9 =	vadd.f32 v9, v5  }
0xd8: {  	v14 =	vld [tilespmem:s1+$0xFFFFFE60];
	v10 =	vadd.f32 v10, v6;
	[tilespmem:s1+$0x1F0] =	vst v8  }
0xd9: {  	v13 =	vld [tilespmem:s1+$0xFFFFFE50];
	v56 =	vadd.f32 v19, v4;
	[tilespmem:s1+$0xFFFFFE10] =	vst v9  }
0xda: {  	v17 =	vld [tilespmem:s1+$0xFFFFFE90];
	v8 =	vadd.f32 v16, v0;
	[tilespmem:s1+$0xFFFFFE20] =	vst v10  }
0xdb: {  	v9 =	vld [tilespmem:s1+$0xFFFFFEE0];
	v10 =	vadd.f32 v12, v3;
	[tilespmem:s1+$0xFFFFFEB0] =	vst v56  }
0xdc: {  	v15 =	vld [tilespmem:s1+$0xFFFFFE70];
	[tilespmem:s1+$0xFFFFFE80] =	vst v8;
	v8 =	vadd.f32 v11, v4  }
0xdd: {  	v12 =	vld [tilespmem:s1+$0xFFFFFF00];
	[tilespmem:s1+$0xFFFFFE40] =	vst v10;
	v10 =	vadd.f32 v14, v1  }
0xde: {  	v11 =	vld [tilespmem:s1+$0xFFFFFEF0];
	[tilespmem:s1+$0xFFFFFE30] =	vst v8;
	v8 =	vadd.f32 v13, v2  }
0xdf: {  	v20 =	vld [tilespmem:s1+$0xFFFFFEC0];
	[tilespmem:s1+$0xFFFFFE60] =	vst v10;
	v10 =	vadd.f32 v17, v5  }
0xe0: {  	v18 =	vld [tilespmem:s1+$0xFFFFFEA0];
	v9 =	vadd.f32 v9, v1;
	[tilespmem:s1+$0xFFFFFE50] =	vst v8  }
0xe1: {  	v14 =	vld [tilespmem:s1+$0xFFFFFF20];
	v8 =	vadd.f32 v15, v7;
	[tilespmem:s1+$0xFFFFFE90] =	vst v10  }
0xe2: {  	v54 =	vld [tilespmem:s1+$0xFFFFFED0];
	v10 =	vadd.f32 v12, v0;
	[tilespmem:s1+$0xFFFFFEE0] =	vst v9  }
0xe3: {  	v13 =	vld [tilespmem:s1+$0xFFFFFF10];
	v11 =	vadd.f32 v11, v7;
	[tilespmem:s1+$0xFFFFFE70] =	vst v8  }
0xe4: {  	v55 =	vld [tilespmem:s1+$0xFFFFFF40];
	[tilespmem:s1+$0xFFFFFF00] =	vst v10;
	v10 =	vadd.f32 v20, v3  }
0xe5: {  	v15 =	vld [tilespmem:s1+$0xFFFFFF30];
	v8 =	vadd.f32 v18, v6;
	[tilespmem:s1+$0xFFFFFEF0] =	vst v11  }
0xe6: {  	v11 =	vadd.f32 v14, v6;
	[tilespmem:s1+$0xFFFFFEC0] =	vst v10;
	v10 =	vld [tilespmem:s1+$0xFFFFFF80]  }
0xe7: {  	v16 =	vadd.f32 v54, v2;
	[tilespmem:s1+$0xFFFFFEA0] =	vst v8;
	v8 =	vld [tilespmem:s1+$0xFFFFFF60]  }
0xe8: {  	v9 =	vadd.f32 v13, v5;
	[tilespmem:s1+$0xFFFFFF20] =	vst v11;
	v11 =	vld [tilespmem:s1+$0xFFFFFFD0]  }
0xe9: {  	[tilespmem:s1+$0xFFFFFED0] =	vst v16;
	v17 =	vadd.f32 v55, v3;
	v12 =	vld [tilespmem:s1+$0xFFFFFF50]  }
0xea: {  	v58 =	vld [tilespmem:s1+$0xFFFFFF90];
	[tilespmem:s1+$0xFFFFFF10] =	vst v9;
	v9 =	vadd.f32 v15, v4  }
0xeb: {  	v57 =	vld [tilespmem:s1+$0xFFFFFF70];
	[tilespmem:s1+$0xFFFFFF40] =	vst v17;
	v10 =	vadd.f32 v10, v0  }
0xec: {  	v14 =	vld [tilespmem:s1+$0xFFFFFFB0];
	[tilespmem:s1+$0xFFFFFF30] =	vst v9;
	v8 =	vadd.f32 v8, v1  }
0xed: {  	v13 =	vld [tilespmem:s1+$0xFFFFFFA0];
	v11 =	vadd.f32 v11, v2;
	[tilespmem:s1+$0xFFFFFF80] =	vst v10  }
0xee: {  	v59 =	vld [tilespmem:s1+$0x0];
	v10 =	vadd.f32 v12, v2;
	[tilespmem:s1+$0xFFFFFF60] =	vst v8  }
0xef: {  	v15 =	vld [tilespmem:s1+$0xFFFFFFC0];
	v8 =	vadd.f32 v58, v5;
	[tilespmem:s1+$0xFFFFFFD0] =	vst v11  }
0xf0: {  	v9 =	vld [tilespmem:s1+$0xFFFFFFE0];
	[tilespmem:s1+$0xFFFFFF50] =	vst v10;
	v10 =	vadd.f32 v57, v7  }
0xf1: {  	v12 =	vld [tilespmem:s1+$0xFFFFFFF0];
	[tilespmem:s1+$0xFFFFFF90] =	vst v8;
	v8 =	vadd.f32 v14, v4  }
0xf2: {  	v60 =	vld [tilespmem:s1+$0x10];
	[tilespmem:s1+$0xFFFFFF70] =	vst v10;
	v10 =	vadd.f32 v13, v6  }
0xf3: {  	v13 =	vld [tilespmem:s1+$0x20];
	[tilespmem:s1+$0xFFFFFFB0] =	vst v8;
	v8 =	vadd.f32 v59, v0  }
0xf4: {  	v14 =	vld [tilespmem:s1+$0x30];
	[tilespmem:s1+$0xFFFFFFA0] =	vst v10;
	v10 =	vadd.f32 v15, v3  }
0xf5: {  	v15 =	vld [tilespmem:s1+$0x40];
	[tilespmem:s1+$0x0] =	vst v8;
	v8 =	vadd.f32 v9, v1  }
0xf6: {  	v61 =	vld [tilespmem:s1+$0x50];
	v9 =	vadd.f32 v12, v7;
	[tilespmem:s1+$0xFFFFFFC0] =	vst v10  }
0xf7: {  	v12 =	vld [tilespmem:s1+$0x80];
	[tilespmem:s1+$0xFFFFFFE0] =	vst v8;
	v8 =	vadd.f32 v60, v5  }
0xf8: {  	v10 =	vld [tilespmem:s1+$0x60];
	[tilespmem:s1+$0xFFFFFFF0] =	vst v9;
	v9 =	vadd.f32 v13, v6  }
0xf9: {  	v11 =	vld [tilespmem:s1+$0x70];
	[tilespmem:s1+$0x10] =	vst v8;
	v8 =	vadd.f32 v14, v4  }
0xfa: {  	v13 =	vld [tilespmem:s1+$0x90];
	[tilespmem:s1+$0x20] =	vst v9;
	v9 =	vadd.f32 v15, v3  }
0xfb: {  	v14 =	vld [tilespmem:s1+$0xA0];
	[tilespmem:s1+$0x30] =	vst v8;
	v8 =	vadd.f32 v61, v2  }
0xfc: {  	v15 =	vld [tilespmem:s1+$0xB0];
	[tilespmem:s1+$0x40] =	vst v9;
	v9 =	vadd.f32 v12, v0  }
0xfd: {  	v62 =	vld [tilespmem:s1+$0xC0];
	v10 =	vadd.f32 v10, v1;
	[tilespmem:s1+$0x50] =	vst v8  }
0xfe: {  	v12 =	vld [tilespmem:s1+$0xD0];
	[tilespmem:s1+$0x80] =	vst v9;
	v9 =	vadd.f32 v11, v7  }
0xff: {  	v8 =	vld [tilespmem:s1+$0xE0];
	[tilespmem:s1+$0x60] =	vst v10;
	v10 =	vadd.f32 v13, v5  }
0x100: {  	v11 =	vld [tilespmem:s1+$0xF0];
	[tilespmem:s1+$0x70] =	vst v9;
	v9 =	vadd.f32 v14, v6  }
0x101: {  	v13 =	vld [tilespmem:s1+$0x100];
	[tilespmem:s1+$0x90] =	vst v10;
	v10 =	vadd.f32 v15, v4  }
0x102: {  	v14 =	vld [tilespmem:s1+$0x110];
	[tilespmem:s1+$0xA0] =	vst v9;
	v9 =	vadd.f32 v62, v3  }
0x103: {  	v15 =	vld [tilespmem:s1+$0x120];
	[tilespmem:s1+$0xB0] =	vst v10;
	v10 =	vadd.f32 v12, v2  }
0x104: {  	v12 =	vld [tilespmem:s1+$0x130];
	v8 =	vadd.f32 v8, v1;
	[tilespmem:s1+$0xC0] =	vst v9  }
0x105: {  	v11 =	vadd.f32 v11, v7;
	v9 =	vld [tilespmem:s1+$0x140];
	[tilespmem:s1+$0xD0] =	vst v10  }
0x106: {  	v10 =	vadd.f32 v13, v0;
	v13 =	vld [tilespmem:s1+$0x150];
	[tilespmem:s1+$0xE0] =	vst v8  }
0x107: {  	v8 =	vld [tilespmem:s1+$0x160];
	v14 =	vadd.f32 v14, v5;
	[tilespmem:s1+$0xF0] =	vst v11  }
0x108: {  	v11 =	vld [tilespmem:s1+$0x170];
	[tilespmem:s1+$0x100] =	vst v10;
	v10 =	vadd.f32 v15, v6  }
0x109: {  	[tilespmem:s1+$0x110] =	vst v14;
	v12 =	vadd.f32 v12, v4;
	v14 =	vld [tilespmem:s1+$0x180]  }
0x10a: {  	v15 =	vld [tilespmem:s1+$0x190];
	[tilespmem:s1+$0x120] =	vst v10;
	v9 =	vadd.f32 v9, v3  }
0x10b: {  	v63 =	vld [tilespmem:s1+$0x1A0];
	[tilespmem:s1+$0x130] =	vst v12;
	v10 =	vadd.f32 v13, v2  }
0x10c: {  	v8 =	vadd.f32 v8, v1;
	[tilespmem:s1+$0x140] =	vst v9;
	v9 =	vld [tilespmem:s1+$0x1B0]  }
0x10d: {  	v11 =	vadd.f32 v11, v7;
	[tilespmem:s1+$0x150] =	vst v10;
	v10 =	vld [tilespmem:s1+$0x1C0]  }
0x10e: {  	v12 =	vld [tilespmem:s1+$0x1D0];
	[tilespmem:s1+$0x160] =	vst v8;
	v14 =	vadd.f32 v14, v0  }
0x10f: {  	v13 =	vadd.f32 v15, v5;
	[tilespmem:s1+$0x170] =	vst v11;
	v11 =	vld [tilespmem:s1+$0x1E0]  }
0x110: {  	s17 =	simm.s32 $0xC600;
	s10 =	sshrl.u32 s31, $0x2;
	s15 =	simm.s32 $0x0;
	v8 =	vld [tilespmem:s1+$0xFFFFFE00];
	[tilespmem:s1+$0x180] =	vst v14;
	v14 =	vadd.f32 v63, v6  }
.LBB2_5:
0x111: {  	v15 =	vld [tilespmem:s17+$0x1F0];
	s15 =	sadd.s32 $0x8, s15;
	[tilespmem:s1+$0x190] =	vst v13;
	v9 =	vadd.f32 v9, v4  }
0x112: {  	v13 =	vld [tilespmem:s17+$0xFFFFFE10];
	p0 =	slt.u32 s15, $0xF8;
	[tilespmem:s1+$0x1A0] =	vst v14;
	v10 =	vadd.f32 v10, v3  }
0x113: {  	v14 =	vld [tilespmem:s17+$0xFFFFFE20];
	[tilespmem:s1+$0x1B0] =	vst v9;
	v9 =	vadd.f32 v12, v2  }
0x114: {  	v12 =	vld [tilespmem:s17+$0xFFFFFE30];
	[tilespmem:s1+$0x1C0] =	vst v10;
	v10 =	vadd.f32 v11, v1  }
0x115: {  	v11 =	vld [tilespmem:s17+$0xFFFFFE40];
	v8 =	vadd.f32 v8, v0;
	[tilespmem:s1+$0x1D0] =	vst v9  }
0x116: {  	v9 =	vld [tilespmem:s17+$0xFFFFFE50];
	v15 =	vadd.f32 v15, v7;
	[tilespmem:s1+$0x1E0] =	vst v10  }
0x117: {  	v10 =	vadd.f32 v13, v5;
	v13 =	vld [tilespmem:s17+$0xFFFFFE60];
	[tilespmem:s1+$0xFFFFFE00] =	vst v8;
	s1 =	smov.u32 s17  }
0x118: {  	v8 =	vadd.f32 v14, v6;
	v14 =	vld [tilespmem:s17+$0xFFFFFE70];
	[tilespmem:s17+$0x1F0] =	vst v15  }
0x119: {  	[tilespmem:s17+$0xFFFFFE10] =	vst v10;
	v10 =	vadd.f32 v12, v4;
	v12 =	vld [tilespmem:s17+$0xFFFFFE80]  }
0x11a: {  	[tilespmem:s17+$0xFFFFFE20] =	vst v8;
	v8 =	vadd.f32 v11, v3;
	v11 =	vld [tilespmem:s17+$0xFFFFFE90]  }
0x11b: {  	[tilespmem:s17+$0xFFFFFE30] =	vst v10;
	v9 =	vadd.f32 v9, v2;
	v10 =	vld [tilespmem:s17+$0xFFFFFEA0]  }
0x11c: {  	[tilespmem:s17+$0xFFFFFE40] =	vst v8;
	v8 =	vadd.f32 v13, v1;
	v13 =	vld [tilespmem:s17+$0xFFFFFEB0]  }
0x11d: {  	[tilespmem:s17+$0xFFFFFE50] =	vst v9;
	v9 =	vadd.f32 v14, v7;
	v14 =	vld [tilespmem:s17+$0xFFFFFEC0]  }
0x11e: {  	[tilespmem:s17+$0xFFFFFE60] =	vst v8;
	v8 =	vadd.f32 v12, v0;
	v12 =	vld [tilespmem:s17+$0xFFFFFED0]  }
0x11f: {  	[tilespmem:s17+$0xFFFFFE70] =	vst v9;
	v9 =	vadd.f32 v11, v5;
	v11 =	vld [tilespmem:s17+$0xFFFFFEE0]  }
0x120: {  	[tilespmem:s17+$0xFFFFFE80] =	vst v8;
	v8 =	vadd.f32 v10, v6;
	v10 =	vld [tilespmem:s17+$0xFFFFFEF0]  }
0x121: {  	[tilespmem:s17+$0xFFFFFE90] =	vst v9;
	v9 =	vadd.f32 v13, v4;
	v13 =	vld [tilespmem:s17+$0xFFFFFF00]  }
0x122: {  	[tilespmem:s17+$0xFFFFFEA0] =	vst v8;
	v8 =	vadd.f32 v14, v3;
	v14 =	vld [tilespmem:s17+$0xFFFFFF10]  }
0x123: {  	[tilespmem:s17+$0xFFFFFEB0] =	vst v9;
	v9 =	vadd.f32 v12, v2;
	v12 =	vld [tilespmem:s17+$0xFFFFFF20]  }
0x124: {  	[tilespmem:s17+$0xFFFFFEC0] =	vst v8;
	v8 =	vadd.f32 v11, v1;
	v11 =	vld [tilespmem:s17+$0xFFFFFF30]  }
0x125: {  	[tilespmem:s17+$0xFFFFFED0] =	vst v9;
	v9 =	vadd.f32 v10, v7;
	v10 =	vld [tilespmem:s17+$0xFFFFFF40]  }
0x126: {  	[tilespmem:s17+$0xFFFFFEE0] =	vst v8;
	v8 =	vadd.f32 v13, v0;
	v13 =	vld [tilespmem:s17+$0xFFFFFF50]  }
0x127: {  	[tilespmem:s17+$0xFFFFFEF0] =	vst v9;
	v9 =	vadd.f32 v14, v5;
	v14 =	vld [tilespmem:s17+$0xFFFFFF60]  }
0x128: {  	[tilespmem:s17+$0xFFFFFF00] =	vst v8;
	v8 =	vadd.f32 v12, v6;
	v12 =	vld [tilespmem:s17+$0xFFFFFF70]  }
0x129: {  	[tilespmem:s17+$0xFFFFFF10] =	vst v9;
	v9 =	vadd.f32 v11, v4;
	v11 =	vld [tilespmem:s17+$0xFFFFFF80]  }
0x12a: {  	[tilespmem:s17+$0xFFFFFF20] =	vst v8;
	v8 =	vadd.f32 v10, v3;
	v10 =	vld [tilespmem:s17+$0xFFFFFF90]  }
0x12b: {  	[tilespmem:s17+$0xFFFFFF30] =	vst v9;
	v9 =	vadd.f32 v13, v2;
	v13 =	vld [tilespmem:s17+$0xFFFFFFA0]  }
0x12c: {  	[tilespmem:s17+$0xFFFFFF40] =	vst v8;
	v8 =	vadd.f32 v14, v1;
	v14 =	vld [tilespmem:s17+$0xFFFFFFB0]  }
0x12d: {  	[tilespmem:s17+$0xFFFFFF50] =	vst v9;
	v9 =	vadd.f32 v12, v7;
	v12 =	vld [tilespmem:s17+$0xFFFFFFC0]  }
0x12e: {  	[tilespmem:s17+$0xFFFFFF60] =	vst v8;
	v8 =	vadd.f32 v11, v0;
	v11 =	vld [tilespmem:s17+$0xFFFFFFD0]  }
0x12f: {  	[tilespmem:s17+$0xFFFFFF70] =	vst v9;
	v9 =	vadd.f32 v10, v5;
	v10 =	vld [tilespmem:s17+$0xFFFFFFE0]  }
0x130: {  	[tilespmem:s17+$0xFFFFFF80] =	vst v8;
	v8 =	vadd.f32 v13, v6;
	v13 =	vld [tilespmem:s17+$0xFFFFFFF0]  }
0x131: {  	[tilespmem:s17+$0xFFFFFF90] =	vst v9;
	v9 =	vadd.f32 v14, v4;
	v14 =	vld [tilespmem:s17+$0x0]  }
0x132: {  	[tilespmem:s17+$0xFFFFFFA0] =	vst v8;
	v8 =	vadd.f32 v12, v3;
	v12 =	vld [tilespmem:s17+$0x10]  }
0x133: {  	[tilespmem:s17+$0xFFFFFFB0] =	vst v9;
	v9 =	vadd.f32 v11, v2;
	v11 =	vld [tilespmem:s17+$0x20]  }
0x134: {  	[tilespmem:s17+$0xFFFFFFC0] =	vst v8;
	v8 =	vadd.f32 v10, v1;
	v10 =	vld [tilespmem:s17+$0x30]  }
0x135: {  	[tilespmem:s17+$0xFFFFFFD0] =	vst v9;
	v9 =	vadd.f32 v13, v7;
	v13 =	vld [tilespmem:s17+$0x40]  }
0x136: {  	[tilespmem:s17+$0xFFFFFFE0] =	vst v8;
	v8 =	vadd.f32 v14, v0;
	v14 =	vld [tilespmem:s17+$0x50]  }
0x137: {  	[tilespmem:s17+$0xFFFFFFF0] =	vst v9;
	v9 =	vadd.f32 v12, v5;
	v12 =	vld [tilespmem:s17+$0x60]  }
0x138: {  	[tilespmem:s17+$0x0] =	vst v8;
	v8 =	vadd.f32 v11, v6;
	v11 =	vld [tilespmem:s17+$0x70]  }
0x139: {  	[tilespmem:s17+$0x10] =	vst v9;
	v9 =	vadd.f32 v10, v4;
	v10 =	vld [tilespmem:s17+$0x80]  }
0x13a: {  	[tilespmem:s17+$0x20] =	vst v8;
	v8 =	vadd.f32 v13, v3;
	v13 =	vld [tilespmem:s17+$0x90]  }
0x13b: {  	[tilespmem:s17+$0x30] =	vst v9;
	v9 =	vadd.f32 v14, v2;
	v14 =	vld [tilespmem:s17+$0xA0]  }
0x13c: {  	[tilespmem:s17+$0x40] =	vst v8;
	v8 =	vadd.f32 v12, v1;
	v12 =	vld [tilespmem:s17+$0xB0]  }
0x13d: {  	[tilespmem:s17+$0x50] =	vst v9;
	v9 =	vadd.f32 v11, v7;
	v11 =	vld [tilespmem:s17+$0xC0]  }
0x13e: {  	[tilespmem:s17+$0x60] =	vst v8;
	v8 =	vadd.f32 v10, v0;
	v10 =	vld [tilespmem:s17+$0xD0]  }
0x13f: {  	[tilespmem:s17+$0x70] =	vst v9;
	v9 =	vadd.f32 v13, v5;
	v13 =	vld [tilespmem:s17+$0xE0]  }
0x140: {  	[tilespmem:s17+$0x80] =	vst v8;
	v8 =	vadd.f32 v14, v6;
	v14 =	vld [tilespmem:s17+$0xF0]  }
0x141: {  	[tilespmem:s17+$0x90] =	vst v9;
	v9 =	vadd.f32 v12, v4;
	v12 =	vld [tilespmem:s17+$0x100]  }
0x142: {  	[tilespmem:s17+$0xA0] =	vst v8;
	v8 =	vadd.f32 v11, v3;
	v11 =	vld [tilespmem:s17+$0x110]  }
0x143: {  	[tilespmem:s17+$0xB0] =	vst v9;
	v9 =	vadd.f32 v10, v2;
	v10 =	vld [tilespmem:s17+$0x120]  }
0x144: {  	[tilespmem:s17+$0xC0] =	vst v8;
	v8 =	vadd.f32 v13, v1;
	v13 =	vld [tilespmem:s17+$0x130]  }
0x145: {  	[tilespmem:s17+$0xD0] =	vst v9;
	v9 =	vadd.f32 v14, v7;
	v14 =	vld [tilespmem:s17+$0x140]  }
0x146: {  	[tilespmem:s17+$0xE0] =	vst v8;
	v8 =	vadd.f32 v12, v0;
	v12 =	vld [tilespmem:s17+$0x150]  }
0x147: {  	[tilespmem:s17+$0xF0] =	vst v9;
	v9 =	vadd.f32 v11, v5;
	v11 =	vld [tilespmem:s17+$0x160]  }
0x148: {  	[tilespmem:s17+$0x100] =	vst v8;
	v8 =	vadd.f32 v10, v6;
	v10 =	vld [tilespmem:s17+$0x170]  }
0x149: {  	[tilespmem:s17+$0x110] =	vst v9;
	v9 =	vadd.f32 v13, v4;
	v13 =	vld [tilespmem:s17+$0x180]  }
0x14a: {  	[tilespmem:s17+$0x120] =	vst v8;
	v8 =	vadd.f32 v14, v3;
	v14 =	vld [tilespmem:s17+$0x190]  }
0x14b: {  	[tilespmem:s17+$0x130] =	vst v9;
	v12 =	vadd.f32 v12, v2;
	v15 =	vld [tilespmem:s17+$0x1A0]  }
.Ltmp1:
0x14c: {  	[tilespmem:s17+$0x140] =	vst v8;
	v8 =	vadd.f32 v11, v1;
	v9 =	vld [tilespmem:s17+$0x1B0];
	(pc) =	sbr.rel @p0 .LBB2_5-.Ltmp1, $4  }
0x14d: {  	[tilespmem:s17+$0x150] =	vst v12;
	v11 =	vadd.f32 v10, v7;
	v10 =	vld [tilespmem:s17+$0x1C0]  }
0x14e: {  	[tilespmem:s17+$0x160] =	vst v8;
	v16 =	vadd.f32 v13, v0;
	v12 =	vld [tilespmem:s17+$0x1D0]  }
0x14f: {  	[tilespmem:s17+$0x170] =	vst v11;
	v13 =	vadd.f32 v14, v5;
	v11 =	vld [tilespmem:s17+$0x1E0]  }
0x150: {  	s17 =	sadd.s32 $0x400, s17;
	v8 =	vld [tilespmem:s1+$0xFFFFFE00];
	[tilespmem:s1+$0x180] =	vst v16;
	v14 =	vadd.f32 v15, v6  }
0x151: {  	[tilespmem:s1+$0x190] =	vst v13;
	v4 =	vadd.f32 v9, v4  }
0x152: {  	[tilespmem:s1+$0x1A0] =	vst v14;
	v3 =	vadd.f32 v10, v3  }
0x153: {  	s15 =	sshll.u32 s31, $0x15;
	[tilespmem:s1+$0x1B0] =	vst v4;
	v2 =	vadd.f32 v12, v2  }
0x154: {  	s17 =	sadd.s32 s5, s10;
	s31 =	sshll.u32 s10, $0x4;
	s15 =	sand.u32 $0x600000, s15;
	[tilespmem:s1+$0x1C0] =	vst v3;
	v1 =	vadd.f32 v11, v1  }
0x155: {  	s17 =	sshll.u32 s17, $0x4;
	s10 =	sand.u32 $0x70, s31;
	s15 =	sadd.s32 s2, s15;
	v0 =	vadd.f32 v8, v0;
	[tilespmem:s1+$0x1D0] =	vst v2  }
0x156: {  	p0 =	seq.s32 s29, $0x14;
	s31 =	sand.u32 $0xFFFFF80, s17;
	s10 =	sadd.s32 s10, s15;
	[tilespmem:s1+$0x1E0] =	vst v1  }
0x157: {  	s17 =	sadd.s32 s31, s10;
	[tilespmem:s1+$0xFFFFFE00] =	vst v0;
	s1 =	simm.s32 @!p0 $0x5  }
0x158: {  	[hbm4b:s17+s12] =	stream.strided.scatter [tilespmem:s16], [sflag:$0x5], $0x8000, s18, s12, $0x38;
	[tilespmem:$0x1C800] =	vst v63  }
0x159: {  	_ =	swait.ge @!p0 [sflag:s1], $0x8000  }
0x15a: {  	s15 =	simm.s32 @!p0 $0xC000;
	[sflag:s1] =	ssyncset.done @!p0 $0x0  }
0x15b: {  	s10 =	simm.s32 @!p0 $0x80;
	[sflag:s1] =	ssyncadd.s32 @!p0 $0xFFFF8000;
	s1 =	sadd.s32 @!p0 $0x400, s0  }
0x15c: {  	[tilespmem:s15], [sflag:$0x2] =	stream.indirect.gather @!p0 [hbm4b:s4+s10], $0x80, s1, s10, $0xb8;
	[tilespmem:$0x1C800] =	vst v63  }
0x15d: {  	s0 =	sadd.s32 @!p0 $0x480, s0;
	s1 =	simm.s32 @!p0 $0x10000  }
0x15e: {  	[tilespmem:s1], [sflag:$0x2] =	stream.indirect.gather @!p0 [hbm4b:s4+s10], $0x80, s0, s10, $0xb8;
	[tilespmem:$0x1C800] =	vst v63  }
0x15f: {  	_ =	swait.ge [sflag:s24], $0x4000  }
0x160: {  	[sflag:s24] =	ssyncset.done $0x0  }
0x161: {  	[sflag:s24] =	ssyncadd.s32 $0xFFFFC000  }
0x162: {  	_ =	swait.ge [sflag:s24], $0x4000  }
0x163: {  	s31 =	sshll.u32 s30, $0x5;
	[sflag:s24] =	ssyncset.done $0x0  }
0x164: {  	s0 =	sand.u32 $0x3FFFFF80, s31;
	[sflag:s24] =	ssyncadd.s32 $0xFFFFC000  }
0x165: {  	v0 =	vld [tilespmem:s0+$0x1C000]  }
0x166: {  	v5 =	vld [tilespmem:s0+$0x1C010]  }
0x167: {  	v6 =	vld [tilespmem:s0+$0x1C020]  }
0x168: {  	v4 =	vld [tilespmem:s0+$0x1C030]  }
0x169: {  	v3 =	vld [tilespmem:s0+$0x1C040]  }
0x16a: {  	v2 =	vld [tilespmem:s0+$0x1C050]  }
0x16b: {  	v1 =	vld [tilespmem:s0+$0x1C060]  }
0x16c: {  	v7 =	vld [tilespmem:s0+$0x1C070];
	s0 =	simm.s32 $0x14200  }
0x16d: {  	v8 =	vld [tilespmem:s0+$0x1F0]  }
0x16e: {  	v9 =	vld [tilespmem:s0+$0xFFFFFE10]  }
0x16f: {  	v10 =	vld [tilespmem:s0+$0xFFFFFE20]  }
0x170: {  	v19 =	vld [tilespmem:s0+$0xFFFFFEB0]  }
0x171: {  	v16 =	vld [tilespmem:s0+$0xFFFFFE80]  }
0x172: {  	v12 =	vld [tilespmem:s0+$0xFFFFFE40];
	v8 =	vadd.f32 v8, v7  }
0x173: {  	v11 =	vld [tilespmem:s0+$0xFFFFFE30];
	v9 =	vadd.f32 v9, v5  }
0x174: {  	v14 =	vld [tilespmem:s0+$0xFFFFFE60];
	v10 =	vadd.f32 v10, v6;
	[tilespmem:s0+$0x1F0] =	vst v8  }
0x175: {  	v13 =	vld [tilespmem:s0+$0xFFFFFE50];
	v56 =	vadd.f32 v19, v4;
	[tilespmem:s0+$0xFFFFFE10] =	vst v9  }
0x176: {  	v17 =	vld [tilespmem:s0+$0xFFFFFE90];
	v8 =	vadd.f32 v16, v0;
	[tilespmem:s0+$0xFFFFFE20] =	vst v10  }
0x177: {  	v9 =	vld [tilespmem:s0+$0xFFFFFEE0];
	v10 =	vadd.f32 v12, v3;
	[tilespmem:s0+$0xFFFFFEB0] =	vst v56  }
0x178: {  	v15 =	vld [tilespmem:s0+$0xFFFFFE70];
	[tilespmem:s0+$0xFFFFFE80] =	vst v8;
	v8 =	vadd.f32 v11, v4  }
0x179: {  	v12 =	vld [tilespmem:s0+$0xFFFFFF00];
	[tilespmem:s0+$0xFFFFFE40] =	vst v10;
	v10 =	vadd.f32 v14, v1  }
0x17a: {  	v11 =	vld [tilespmem:s0+$0xFFFFFEF0];
	[tilespmem:s0+$0xFFFFFE30] =	vst v8;
	v8 =	vadd.f32 v13, v2  }
0x17b: {  	v20 =	vld [tilespmem:s0+$0xFFFFFEC0];
	[tilespmem:s0+$0xFFFFFE60] =	vst v10;
	v10 =	vadd.f32 v17, v5  }
0x17c: {  	v18 =	vld [tilespmem:s0+$0xFFFFFEA0];
	v9 =	vadd.f32 v9, v1;
	[tilespmem:s0+$0xFFFFFE50] =	vst v8  }
0x17d: {  	v14 =	vld [tilespmem:s0+$0xFFFFFF20];
	v8 =	vadd.f32 v15, v7;
	[tilespmem:s0+$0xFFFFFE90] =	vst v10  }
0x17e: {  	v54 =	vld [tilespmem:s0+$0xFFFFFED0];
	v10 =	vadd.f32 v12, v0;
	[tilespmem:s0+$0xFFFFFEE0] =	vst v9  }
0x17f: {  	v13 =	vld [tilespmem:s0+$0xFFFFFF10];
	v11 =	vadd.f32 v11, v7;
	[tilespmem:s0+$0xFFFFFE70] =	vst v8  }
0x180: {  	v55 =	vld [tilespmem:s0+$0xFFFFFF40];
	[tilespmem:s0+$0xFFFFFF00] =	vst v10;
	v10 =	vadd.f32 v20, v3  }
0x181: {  	v15 =	vld [tilespmem:s0+$0xFFFFFF30];
	v8 =	vadd.f32 v18, v6;
	[tilespmem:s0+$0xFFFFFEF0] =	vst v11  }
0x182: {  	v11 =	vadd.f32 v14, v6;
	[tilespmem:s0+$0xFFFFFEC0] =	vst v10;
	v10 =	vld [tilespmem:s0+$0xFFFFFF80]  }
0x183: {  	v16 =	vadd.f32 v54, v2;
	[tilespmem:s0+$0xFFFFFEA0] =	vst v8;
	v8 =	vld [tilespmem:s0+$0xFFFFFF60]  }
0x184: {  	v9 =	vadd.f32 v13, v5;
	[tilespmem:s0+$0xFFFFFF20] =	vst v11;
	v11 =	vld [tilespmem:s0+$0xFFFFFFD0]  }
0x185: {  	[tilespmem:s0+$0xFFFFFED0] =	vst v16;
	v17 =	vadd.f32 v55, v3;
	v12 =	vld [tilespmem:s0+$0xFFFFFF50]  }
0x186: {  	v58 =	vld [tilespmem:s0+$0xFFFFFF90];
	[tilespmem:s0+$0xFFFFFF10] =	vst v9;
	v9 =	vadd.f32 v15, v4  }
0x187: {  	v57 =	vld [tilespmem:s0+$0xFFFFFF70];
	[tilespmem:s0+$0xFFFFFF40] =	vst v17;
	v10 =	vadd.f32 v10, v0  }
0x188: {  	v14 =	vld [tilespmem:s0+$0xFFFFFFB0];
	[tilespmem:s0+$0xFFFFFF30] =	vst v9;
	v8 =	vadd.f32 v8, v1  }
0x189: {  	v13 =	vld [tilespmem:s0+$0xFFFFFFA0];
	v11 =	vadd.f32 v11, v2;
	[tilespmem:s0+$0xFFFFFF80] =	vst v10  }
0x18a: {  	v59 =	vld [tilespmem:s0+$0x0];
	v10 =	vadd.f32 v12, v2;
	[tilespmem:s0+$0xFFFFFF60] =	vst v8  }
0x18b: {  	v15 =	vld [tilespmem:s0+$0xFFFFFFC0];
	v8 =	vadd.f32 v58, v5;
	[tilespmem:s0+$0xFFFFFFD0] =	vst v11  }
0x18c: {  	v9 =	vld [tilespmem:s0+$0xFFFFFFE0];
	[tilespmem:s0+$0xFFFFFF50] =	vst v10;
	v10 =	vadd.f32 v57, v7  }
0x18d: {  	v12 =	vld [tilespmem:s0+$0xFFFFFFF0];
	[tilespmem:s0+$0xFFFFFF90] =	vst v8;
	v8 =	vadd.f32 v14, v4  }
0x18e: {  	v60 =	vld [tilespmem:s0+$0x10];
	[tilespmem:s0+$0xFFFFFF70] =	vst v10;
	v10 =	vadd.f32 v13, v6  }
0x18f: {  	v13 =	vld [tilespmem:s0+$0x20];
	[tilespmem:s0+$0xFFFFFFB0] =	vst v8;
	v8 =	vadd.f32 v59, v0  }
0x190: {  	v14 =	vld [tilespmem:s0+$0x30];
	[tilespmem:s0+$0xFFFFFFA0] =	vst v10;
	v10 =	vadd.f32 v15, v3  }
0x191: {  	v15 =	vld [tilespmem:s0+$0x40];
	[tilespmem:s0+$0x0] =	vst v8;
	v8 =	vadd.f32 v9, v1  }
0x192: {  	v61 =	vld [tilespmem:s0+$0x50];
	v9 =	vadd.f32 v12, v7;
	[tilespmem:s0+$0xFFFFFFC0] =	vst v10  }
0x193: {  	v12 =	vld [tilespmem:s0+$0x80];
	[tilespmem:s0+$0xFFFFFFE0] =	vst v8;
	v8 =	vadd.f32 v60, v5  }
0x194: {  	v10 =	vld [tilespmem:s0+$0x60];
	[tilespmem:s0+$0xFFFFFFF0] =	vst v9;
	v9 =	vadd.f32 v13, v6  }
0x195: {  	v11 =	vld [tilespmem:s0+$0x70];
	[tilespmem:s0+$0x10] =	vst v8;
	v8 =	vadd.f32 v14, v4  }
0x196: {  	v13 =	vld [tilespmem:s0+$0x90];
	[tilespmem:s0+$0x20] =	vst v9;
	v9 =	vadd.f32 v15, v3  }
0x197: {  	v14 =	vld [tilespmem:s0+$0xA0];
	[tilespmem:s0+$0x30] =	vst v8;
	v8 =	vadd.f32 v61, v2  }
0x198: {  	v15 =	vld [tilespmem:s0+$0xB0];
	[tilespmem:s0+$0x40] =	vst v9;
	v9 =	vadd.f32 v12, v0  }
0x199: {  	v62 =	vld [tilespmem:s0+$0xC0];
	v10 =	vadd.f32 v10, v1;
	[tilespmem:s0+$0x50] =	vst v8  }
0x19a: {  	v12 =	vld [tilespmem:s0+$0xD0];
	[tilespmem:s0+$0x80] =	vst v9;
	v9 =	vadd.f32 v11, v7  }
0x19b: {  	v8 =	vld [tilespmem:s0+$0xE0];
	[tilespmem:s0+$0x60] =	vst v10;
	v10 =	vadd.f32 v13, v5  }
0x19c: {  	v11 =	vld [tilespmem:s0+$0xF0];
	[tilespmem:s0+$0x70] =	vst v9;
	v9 =	vadd.f32 v14, v6  }
0x19d: {  	v13 =	vld [tilespmem:s0+$0x100];
	[tilespmem:s0+$0x90] =	vst v10;
	v10 =	vadd.f32 v15, v4  }
0x19e: {  	v14 =	vld [tilespmem:s0+$0x110];
	[tilespmem:s0+$0xA0] =	vst v9;
	v9 =	vadd.f32 v62, v3  }
0x19f: {  	v15 =	vld [tilespmem:s0+$0x120];
	[tilespmem:s0+$0xB0] =	vst v10;
	v10 =	vadd.f32 v12, v2  }
0x1a0: {  	v12 =	vld [tilespmem:s0+$0x130];
	v8 =	vadd.f32 v8, v1;
	[tilespmem:s0+$0xC0] =	vst v9  }
0x1a1: {  	v11 =	vadd.f32 v11, v7;
	v9 =	vld [tilespmem:s0+$0x140];
	[tilespmem:s0+$0xD0] =	vst v10  }
0x1a2: {  	v10 =	vadd.f32 v13, v0;
	v13 =	vld [tilespmem:s0+$0x150];
	[tilespmem:s0+$0xE0] =	vst v8  }
0x1a3: {  	v8 =	vld [tilespmem:s0+$0x160];
	v14 =	vadd.f32 v14, v5;
	[tilespmem:s0+$0xF0] =	vst v11  }
0x1a4: {  	v11 =	vld [tilespmem:s0+$0x170];
	[tilespmem:s0+$0x100] =	vst v10;
	v10 =	vadd.f32 v15, v6  }
0x1a5: {  	[tilespmem:s0+$0x110] =	vst v14;
	v12 =	vadd.f32 v12, v4;
	v14 =	vld [tilespmem:s0+$0x180]  }
0x1a6: {  	v15 =	vld [tilespmem:s0+$0x190];
	[tilespmem:s0+$0x120] =	vst v10;
	v9 =	vadd.f32 v9, v3  }
0x1a7: {  	v63 =	vld [tilespmem:s0+$0x1A0];
	[tilespmem:s0+$0x130] =	vst v12;
	v10 =	vadd.f32 v13, v2  }
0x1a8: {  	v8 =	vadd.f32 v8, v1;
	[tilespmem:s0+$0x140] =	vst v9;
	v9 =	vld [tilespmem:s0+$0x1B0]  }
0x1a9: {  	v11 =	vadd.f32 v11, v7;
	[tilespmem:s0+$0x150] =	vst v10;
	v10 =	vld [tilespmem:s0+$0x1C0]  }
0x1aa: {  	v12 =	vld [tilespmem:s0+$0x1D0];
	[tilespmem:s0+$0x160] =	vst v8;
	v14 =	vadd.f32 v14, v0  }
0x1ab: {  	v13 =	vadd.f32 v15, v5;
	[tilespmem:s0+$0x170] =	vst v11;
	v11 =	vld [tilespmem:s0+$0x1E0]  }
0x1ac: {  	s15 =	simm.s32 $0x14600;
	s1 =	sshrl.u32 s30, $0x2;
	s10 =	simm.s32 $0x0;
	v8 =	vld [tilespmem:s0+$0xFFFFFE00];
	[tilespmem:s0+$0x180] =	vst v14;
	v14 =	vadd.f32 v63, v6  }
.LBB2_7:
0x1ad: {  	v15 =	vld [tilespmem:s15+$0x1F0];
	s10 =	sadd.s32 $0x8, s10;
	[tilespmem:s0+$0x190] =	vst v13;
	v9 =	vadd.f32 v9, v4  }
0x1ae: {  	v13 =	vld [tilespmem:s15+$0xFFFFFE10];
	p0 =	slt.u32 s10, $0xF8;
	[tilespmem:s0+$0x1A0] =	vst v14;
	v10 =	vadd.f32 v10, v3  }
0x1af: {  	v14 =	vld [tilespmem:s15+$0xFFFFFE20];
	[tilespmem:s0+$0x1B0] =	vst v9;
	v9 =	vadd.f32 v12, v2  }
0x1b0: {  	v12 =	vld [tilespmem:s15+$0xFFFFFE30];
	[tilespmem:s0+$0x1C0] =	vst v10;
	v10 =	vadd.f32 v11, v1  }
0x1b1: {  	v11 =	vld [tilespmem:s15+$0xFFFFFE40];
	v8 =	vadd.f32 v8, v0;
	[tilespmem:s0+$0x1D0] =	vst v9  }
0x1b2: {  	v9 =	vld [tilespmem:s15+$0xFFFFFE50];
	v15 =	vadd.f32 v15, v7;
	[tilespmem:s0+$0x1E0] =	vst v10  }
0x1b3: {  	v10 =	vadd.f32 v13, v5;
	v13 =	vld [tilespmem:s15+$0xFFFFFE60];
	[tilespmem:s0+$0xFFFFFE00] =	vst v8;
	s0 =	smov.u32 s15  }
0x1b4: {  	v8 =	vadd.f32 v14, v6;
	v14 =	vld [tilespmem:s15+$0xFFFFFE70];
	[tilespmem:s15+$0x1F0] =	vst v15  }
0x1b5: {  	[tilespmem:s15+$0xFFFFFE10] =	vst v10;
	v10 =	vadd.f32 v12, v4;
	v12 =	vld [tilespmem:s15+$0xFFFFFE80]  }
0x1b6: {  	[tilespmem:s15+$0xFFFFFE20] =	vst v8;
	v8 =	vadd.f32 v11, v3;
	v11 =	vld [tilespmem:s15+$0xFFFFFE90]  }
0x1b7: {  	[tilespmem:s15+$0xFFFFFE30] =	vst v10;
	v9 =	vadd.f32 v9, v2;
	v10 =	vld [tilespmem:s15+$0xFFFFFEA0]  }
0x1b8: {  	[tilespmem:s15+$0xFFFFFE40] =	vst v8;
	v8 =	vadd.f32 v13, v1;
	v13 =	vld [tilespmem:s15+$0xFFFFFEB0]  }
0x1b9: {  	[tilespmem:s15+$0xFFFFFE50] =	vst v9;
	v9 =	vadd.f32 v14, v7;
	v14 =	vld [tilespmem:s15+$0xFFFFFEC0]  }
0x1ba: {  	[tilespmem:s15+$0xFFFFFE60] =	vst v8;
	v8 =	vadd.f32 v12, v0;
	v12 =	vld [tilespmem:s15+$0xFFFFFED0]  }
0x1bb: {  	[tilespmem:s15+$0xFFFFFE70] =	vst v9;
	v9 =	vadd.f32 v11, v5;
	v11 =	vld [tilespmem:s15+$0xFFFFFEE0]  }
0x1bc: {  	[tilespmem:s15+$0xFFFFFE80] =	vst v8;
	v8 =	vadd.f32 v10, v6;
	v10 =	vld [tilespmem:s15+$0xFFFFFEF0]  }
0x1bd: {  	[tilespmem:s15+$0xFFFFFE90] =	vst v9;
	v9 =	vadd.f32 v13, v4;
	v13 =	vld [tilespmem:s15+$0xFFFFFF00]  }
0x1be: {  	[tilespmem:s15+$0xFFFFFEA0] =	vst v8;
	v8 =	vadd.f32 v14, v3;
	v14 =	vld [tilespmem:s15+$0xFFFFFF10]  }
0x1bf: {  	[tilespmem:s15+$0xFFFFFEB0] =	vst v9;
	v9 =	vadd.f32 v12, v2;
	v12 =	vld [tilespmem:s15+$0xFFFFFF20]  }
0x1c0: {  	[tilespmem:s15+$0xFFFFFEC0] =	vst v8;
	v8 =	vadd.f32 v11, v1;
	v11 =	vld [tilespmem:s15+$0xFFFFFF30]  }
0x1c1: {  	[tilespmem:s15+$0xFFFFFED0] =	vst v9;
	v9 =	vadd.f32 v10, v7;
	v10 =	vld [tilespmem:s15+$0xFFFFFF40]  }
0x1c2: {  	[tilespmem:s15+$0xFFFFFEE0] =	vst v8;
	v8 =	vadd.f32 v13, v0;
	v13 =	vld [tilespmem:s15+$0xFFFFFF50]  }
0x1c3: {  	[tilespmem:s15+$0xFFFFFEF0] =	vst v9;
	v9 =	vadd.f32 v14, v5;
	v14 =	vld [tilespmem:s15+$0xFFFFFF60]  }
0x1c4: {  	[tilespmem:s15+$0xFFFFFF00] =	vst v8;
	v8 =	vadd.f32 v12, v6;
	v12 =	vld [tilespmem:s15+$0xFFFFFF70]  }
0x1c5: {  	[tilespmem:s15+$0xFFFFFF10] =	vst v9;
	v9 =	vadd.f32 v11, v4;
	v11 =	vld [tilespmem:s15+$0xFFFFFF80]  }
0x1c6: {  	[tilespmem:s15+$0xFFFFFF20] =	vst v8;
	v8 =	vadd.f32 v10, v3;
	v10 =	vld [tilespmem:s15+$0xFFFFFF90]  }
0x1c7: {  	[tilespmem:s15+$0xFFFFFF30] =	vst v9;
	v9 =	vadd.f32 v13, v2;
	v13 =	vld [tilespmem:s15+$0xFFFFFFA0]  }
0x1c8: {  	[tilespmem:s15+$0xFFFFFF40] =	vst v8;
	v8 =	vadd.f32 v14, v1;
	v14 =	vld [tilespmem:s15+$0xFFFFFFB0]  }
0x1c9: {  	[tilespmem:s15+$0xFFFFFF50] =	vst v9;
	v9 =	vadd.f32 v12, v7;
	v12 =	vld [tilespmem:s15+$0xFFFFFFC0]  }
0x1ca: {  	[tilespmem:s15+$0xFFFFFF60] =	vst v8;
	v8 =	vadd.f32 v11, v0;
	v11 =	vld [tilespmem:s15+$0xFFFFFFD0]  }
0x1cb: {  	[tilespmem:s15+$0xFFFFFF70] =	vst v9;
	v9 =	vadd.f32 v10, v5;
	v10 =	vld [tilespmem:s15+$0xFFFFFFE0]  }
0x1cc: {  	[tilespmem:s15+$0xFFFFFF80] =	vst v8;
	v8 =	vadd.f32 v13, v6;
	v13 =	vld [tilespmem:s15+$0xFFFFFFF0]  }
0x1cd: {  	[tilespmem:s15+$0xFFFFFF90] =	vst v9;
	v9 =	vadd.f32 v14, v4;
	v14 =	vld [tilespmem:s15+$0x0]  }
0x1ce: {  	[tilespmem:s15+$0xFFFFFFA0] =	vst v8;
	v8 =	vadd.f32 v12, v3;
	v12 =	vld [tilespmem:s15+$0x10]  }
0x1cf: {  	[tilespmem:s15+$0xFFFFFFB0] =	vst v9;
	v9 =	vadd.f32 v11, v2;
	v11 =	vld [tilespmem:s15+$0x20]  }
0x1d0: {  	[tilespmem:s15+$0xFFFFFFC0] =	vst v8;
	v8 =	vadd.f32 v10, v1;
	v10 =	vld [tilespmem:s15+$0x30]  }
0x1d1: {  	[tilespmem:s15+$0xFFFFFFD0] =	vst v9;
	v9 =	vadd.f32 v13, v7;
	v13 =	vld [tilespmem:s15+$0x40]  }
0x1d2: {  	[tilespmem:s15+$0xFFFFFFE0] =	vst v8;
	v8 =	vadd.f32 v14, v0;
	v14 =	vld [tilespmem:s15+$0x50]  }
0x1d3: {  	[tilespmem:s15+$0xFFFFFFF0] =	vst v9;
	v9 =	vadd.f32 v12, v5;
	v12 =	vld [tilespmem:s15+$0x60]  }
0x1d4: {  	[tilespmem:s15+$0x0] =	vst v8;
	v8 =	vadd.f32 v11, v6;
	v11 =	vld [tilespmem:s15+$0x70]  }
0x1d5: {  	[tilespmem:s15+$0x10] =	vst v9;
	v9 =	vadd.f32 v10, v4;
	v10 =	vld [tilespmem:s15+$0x80]  }
0x1d6: {  	[tilespmem:s15+$0x20] =	vst v8;
	v8 =	vadd.f32 v13, v3;
	v13 =	vld [tilespmem:s15+$0x90]  }
0x1d7: {  	[tilespmem:s15+$0x30] =	vst v9;
	v9 =	vadd.f32 v14, v2;
	v14 =	vld [tilespmem:s15+$0xA0]  }
0x1d8: {  	[tilespmem:s15+$0x40] =	vst v8;
	v8 =	vadd.f32 v12, v1;
	v12 =	vld [tilespmem:s15+$0xB0]  }
0x1d9: {  	[tilespmem:s15+$0x50] =	vst v9;
	v9 =	vadd.f32 v11, v7;
	v11 =	vld [tilespmem:s15+$0xC0]  }
0x1da: {  	[tilespmem:s15+$0x60] =	vst v8;
	v8 =	vadd.f32 v10, v0;
	v10 =	vld [tilespmem:s15+$0xD0]  }
0x1db: {  	[tilespmem:s15+$0x70] =	vst v9;
	v9 =	vadd.f32 v13, v5;
	v13 =	vld [tilespmem:s15+$0xE0]  }
0x1dc: {  	[tilespmem:s15+$0x80] =	vst v8;
	v8 =	vadd.f32 v14, v6;
	v14 =	vld [tilespmem:s15+$0xF0]  }
0x1dd: {  	[tilespmem:s15+$0x90] =	vst v9;
	v9 =	vadd.f32 v12, v4;
	v12 =	vld [tilespmem:s15+$0x100]  }
0x1de: {  	[tilespmem:s15+$0xA0] =	vst v8;
	v8 =	vadd.f32 v11, v3;
	v11 =	vld [tilespmem:s15+$0x110]  }
0x1df: {  	[tilespmem:s15+$0xB0] =	vst v9;
	v9 =	vadd.f32 v10, v2;
	v10 =	vld [tilespmem:s15+$0x120]  }
0x1e0: {  	[tilespmem:s15+$0xC0] =	vst v8;
	v8 =	vadd.f32 v13, v1;
	v13 =	vld [tilespmem:s15+$0x130]  }
0x1e1: {  	[tilespmem:s15+$0xD0] =	vst v9;
	v9 =	vadd.f32 v14, v7;
	v14 =	vld [tilespmem:s15+$0x140]  }
0x1e2: {  	[tilespmem:s15+$0xE0] =	vst v8;
	v8 =	vadd.f32 v12, v0;
	v12 =	vld [tilespmem:s15+$0x150]  }
0x1e3: {  	[tilespmem:s15+$0xF0] =	vst v9;
	v9 =	vadd.f32 v11, v5;
	v11 =	vld [tilespmem:s15+$0x160]  }
0x1e4: {  	[tilespmem:s15+$0x100] =	vst v8;
	v8 =	vadd.f32 v10, v6;
	v10 =	vld [tilespmem:s15+$0x170]  }
0x1e5: {  	[tilespmem:s15+$0x110] =	vst v9;
	v9 =	vadd.f32 v13, v4;
	v13 =	vld [tilespmem:s15+$0x180]  }
0x1e6: {  	[tilespmem:s15+$0x120] =	vst v8;
	v8 =	vadd.f32 v14, v3;
	v14 =	vld [tilespmem:s15+$0x190]  }
0x1e7: {  	[tilespmem:s15+$0x130] =	vst v9;
	v12 =	vadd.f32 v12, v2;
	v15 =	vld [tilespmem:s15+$0x1A0]  }
.Ltmp2:
0x1e8: {  	[tilespmem:s15+$0x140] =	vst v8;
	v8 =	vadd.f32 v11, v1;
	v9 =	vld [tilespmem:s15+$0x1B0];
	(pc) =	sbr.rel @p0 .LBB2_7-.Ltmp2, $4  }
0x1e9: {  	[tilespmem:s15+$0x150] =	vst v12;
	v11 =	vadd.f32 v10, v7;
	v10 =	vld [tilespmem:s15+$0x1C0]  }
0x1ea: {  	[tilespmem:s15+$0x160] =	vst v8;
	v16 =	vadd.f32 v13, v0;
	v12 =	vld [tilespmem:s15+$0x1D0]  }
0x1eb: {  	[tilespmem:s15+$0x170] =	vst v11;
	v13 =	vadd.f32 v14, v5;
	v11 =	vld [tilespmem:s15+$0x1E0]  }
0x1ec: {  	s15 =	sadd.s32 $0x400, s15;
	v8 =	vld [tilespmem:s0+$0xFFFFFE00];
	[tilespmem:s0+$0x180] =	vst v16;
	v14 =	vadd.f32 v15, v6  }
0x1ed: {  	[tilespmem:s0+$0x190] =	vst v13;
	v4 =	vadd.f32 v9, v4  }
0x1ee: {  	s29 =	sadd.s32 $0x1, s29;
	[tilespmem:s0+$0x1A0] =	vst v14;
	v3 =	vadd.f32 v10, v3  }
0x1ef: {  	s10 =	sshll.u32 s30, $0x15;
	s15 =	sadd.s32 s5, s1;
	p0 =	sne.s32 s29, $0x15;
	[tilespmem:s0+$0x1B0] =	vst v4;
	v2 =	vadd.f32 v12, v2  }
.Ltmp3:
0x1f0: {  	s17 =	sshll.u32 s1, $0x4;
	s10 =	sand.u32 $0x600000, s10;
	[tilespmem:s0+$0x1C0] =	vst v3;
	v1 =	vadd.f32 v11, v1;
	(pc) =	sbr.rel @p0 .LBB2_2-.Ltmp3, $4  }
0x1f1: {  	s15 =	sshll.u32 s15, $0x4;
	s1 =	sand.u32 $0x70, s17;
	s10 =	sadd.s32 s2, s10;
	v0 =	vadd.f32 v8, v0;
	[tilespmem:s0+$0x1D0] =	vst v2  }
0x1f2: {  	s30 =	sand.u32 $0xFFFFF80, s15;
	s1 =	sadd.s32 s1, s10;
	[tilespmem:s0+$0x1E0] =	vst v1  }
0x1f3: {  	s31 =	sadd.s32 s30, s1;
	[tilespmem:s0+$0xFFFFFE00] =	vst v0  }
0x1f4: {  	[hbm4b:s31+s12] =	stream.strided.scatter [tilespmem:s19], [sflag:$0x6], $0x8000, s18, s12, $0x38;
	[tilespmem:$0x1C800] =	vst v63  }
0x1f5: {  	_ =	swait.ge [sflag:s21], $0x4000  }
0x1f6: {  	[sflag:s21] =	ssyncset.done $0x0  }
0x1f7: {  	[sflag:s21] =	ssyncadd.s32 $0xFFFFC000  }
0x1f8: {  	_ =	swait.ge [sflag:s21], $0x4000  }
0x1f9: {  	[sflag:s21] =	ssyncset.done $0x0  }
0x1fa: {  	[sflag:s21] =	ssyncadd.s32 $0xFFFFC000  }
0x1fb: {  	v0 =	vld [tilespmem:$0x1C780]  }
0x1fc: {  	v5 =	vld [tilespmem:$0x1C790]  }
0x1fd: {  	v6 =	vld [tilespmem:$0x1C7A0]  }
0x1fe: {  	v4 =	vld [tilespmem:$0x1C7B0]  }
0x1ff: {  	v3 =	vld [tilespmem:$0x1C7C0]  }
0x200: {  	v2 =	vld [tilespmem:$0x1C7D0]  }
0x201: {  	v1 =	vld [tilespmem:$0x1C7E0]  }
0x202: {  	s0 =	simm.s32 $0x4200;
	v7 =	vld [tilespmem:$0x1C7F0]  }
0x203: {  	v8 =	vld [tilespmem:s0+$0x1F0]  }
0x204: {  	v9 =	vld [tilespmem:s0+$0xFFFFFE10]  }
0x205: {  	v10 =	vld [tilespmem:s0+$0xFFFFFE20]  }
0x206: {  	v19 =	vld [tilespmem:s0+$0xFFFFFEB0]  }
0x207: {  	v16 =	vld [tilespmem:s0+$0xFFFFFE80]  }
0x208: {  	v12 =	vld [tilespmem:s0+$0xFFFFFE40];
	v8 =	vadd.f32 v8, v7  }
0x209: {  	v11 =	vld [tilespmem:s0+$0xFFFFFE30];
	v9 =	vadd.f32 v9, v5  }
0x20a: {  	v14 =	vld [tilespmem:s0+$0xFFFFFE60];
	v10 =	vadd.f32 v10, v6;
	[tilespmem:s0+$0x1F0] =	vst v8  }
0x20b: {  	v13 =	vld [tilespmem:s0+$0xFFFFFE50];
	v56 =	vadd.f32 v19, v4;
	[tilespmem:s0+$0xFFFFFE10] =	vst v9  }
0x20c: {  	v17 =	vld [tilespmem:s0+$0xFFFFFE90];
	v8 =	vadd.f32 v16, v0;
	[tilespmem:s0+$0xFFFFFE20] =	vst v10  }
0x20d: {  	v9 =	vld [tilespmem:s0+$0xFFFFFEE0];
	v10 =	vadd.f32 v12, v3;
	[tilespmem:s0+$0xFFFFFEB0] =	vst v56  }
0x20e: {  	v15 =	vld [tilespmem:s0+$0xFFFFFE70];
	[tilespmem:s0+$0xFFFFFE80] =	vst v8;
	v8 =	vadd.f32 v11, v4  }
0x20f: {  	v12 =	vld [tilespmem:s0+$0xFFFFFF00];
	[tilespmem:s0+$0xFFFFFE40] =	vst v10;
	v10 =	vadd.f32 v14, v1  }
0x210: {  	v11 =	vld [tilespmem:s0+$0xFFFFFEF0];
	[tilespmem:s0+$0xFFFFFE30] =	vst v8;
	v8 =	vadd.f32 v13, v2  }
0x211: {  	v20 =	vld [tilespmem:s0+$0xFFFFFEC0];
	[tilespmem:s0+$0xFFFFFE60] =	vst v10;
	v10 =	vadd.f32 v17, v5  }
0x212: {  	v18 =	vld [tilespmem:s0+$0xFFFFFEA0];
	v9 =	vadd.f32 v9, v1;
	[tilespmem:s0+$0xFFFFFE50] =	vst v8  }
0x213: {  	v14 =	vld [tilespmem:s0+$0xFFFFFF20];
	v8 =	vadd.f32 v15, v7;
	[tilespmem:s0+$0xFFFFFE90] =	vst v10  }
0x214: {  	v54 =	vld [tilespmem:s0+$0xFFFFFED0];
	v10 =	vadd.f32 v12, v0;
	[tilespmem:s0+$0xFFFFFEE0] =	vst v9  }
0x215: {  	v13 =	vld [tilespmem:s0+$0xFFFFFF10];
	v11 =	vadd.f32 v11, v7;
	[tilespmem:s0+$0xFFFFFE70] =	vst v8  }
0x216: {  	v55 =	vld [tilespmem:s0+$0xFFFFFF40];
	[tilespmem:s0+$0xFFFFFF00] =	vst v10;
	v10 =	vadd.f32 v20, v3  }
0x217: {  	v15 =	vld [tilespmem:s0+$0xFFFFFF30];
	v8 =	vadd.f32 v18, v6;
	[tilespmem:s0+$0xFFFFFEF0] =	vst v11  }
0x218: {  	v11 =	vadd.f32 v14, v6;
	[tilespmem:s0+$0xFFFFFEC0] =	vst v10;
	v10 =	vld [tilespmem:s0+$0xFFFFFF80]  }
0x219: {  	v16 =	vadd.f32 v54, v2;
	[tilespmem:s0+$0xFFFFFEA0] =	vst v8;
	v8 =	vld [tilespmem:s0+$0xFFFFFF60]  }
0x21a: {  	v9 =	vadd.f32 v13, v5;
	[tilespmem:s0+$0xFFFFFF20] =	vst v11;
	v11 =	vld [tilespmem:s0+$0xFFFFFFD0]  }
0x21b: {  	[tilespmem:s0+$0xFFFFFED0] =	vst v16;
	v17 =	vadd.f32 v55, v3;
	v12 =	vld [tilespmem:s0+$0xFFFFFF50]  }
0x21c: {  	v58 =	vld [tilespmem:s0+$0xFFFFFF90];
	[tilespmem:s0+$0xFFFFFF10] =	vst v9;
	v9 =	vadd.f32 v15, v4  }
0x21d: {  	v57 =	vld [tilespmem:s0+$0xFFFFFF70];
	[tilespmem:s0+$0xFFFFFF40] =	vst v17;
	v10 =	vadd.f32 v10, v0  }
0x21e: {  	v14 =	vld [tilespmem:s0+$0xFFFFFFB0];
	[tilespmem:s0+$0xFFFFFF30] =	vst v9;
	v8 =	vadd.f32 v8, v1  }
0x21f: {  	v13 =	vld [tilespmem:s0+$0xFFFFFFA0];
	v11 =	vadd.f32 v11, v2;
	[tilespmem:s0+$0xFFFFFF80] =	vst v10  }
0x220: {  	v59 =	vld [tilespmem:s0+$0x0];
	v10 =	vadd.f32 v12, v2;
	[tilespmem:s0+$0xFFFFFF60] =	vst v8  }
0x221: {  	v15 =	vld [tilespmem:s0+$0xFFFFFFC0];
	v8 =	vadd.f32 v58, v5;
	[tilespmem:s0+$0xFFFFFFD0] =	vst v11  }
0x222: {  	v9 =	vld [tilespmem:s0+$0xFFFFFFE0];
	[tilespmem:s0+$0xFFFFFF50] =	vst v10;
	v10 =	vadd.f32 v57, v7  }
0x223: {  	v12 =	vld [tilespmem:s0+$0xFFFFFFF0];
	[tilespmem:s0+$0xFFFFFF90] =	vst v8;
	v8 =	vadd.f32 v14, v4  }
0x224: {  	v60 =	vld [tilespmem:s0+$0x10];
	[tilespmem:s0+$0xFFFFFF70] =	vst v10;
	v10 =	vadd.f32 v13, v6  }
0x225: {  	v13 =	vld [tilespmem:s0+$0x20];
	[tilespmem:s0+$0xFFFFFFB0] =	vst v8;
	v8 =	vadd.f32 v59, v0  }
0x226: {  	v14 =	vld [tilespmem:s0+$0x30];
	[tilespmem:s0+$0xFFFFFFA0] =	vst v10;
	v10 =	vadd.f32 v15, v3  }
0x227: {  	v15 =	vld [tilespmem:s0+$0x40];
	[tilespmem:s0+$0x0] =	vst v8;
	v8 =	vadd.f32 v9, v1  }
0x228: {  	v61 =	vld [tilespmem:s0+$0x50];
	v9 =	vadd.f32 v12, v7;
	[tilespmem:s0+$0xFFFFFFC0] =	vst v10  }
0x229: {  	v12 =	vld [tilespmem:s0+$0x80];
	[tilespmem:s0+$0xFFFFFFE0] =	vst v8;
	v8 =	vadd.f32 v60, v5  }
0x22a: {  	v10 =	vld [tilespmem:s0+$0x60];
	[tilespmem:s0+$0xFFFFFFF0] =	vst v9;
	v9 =	vadd.f32 v13, v6  }
0x22b: {  	v11 =	vld [tilespmem:s0+$0x70];
	[tilespmem:s0+$0x10] =	vst v8;
	v8 =	vadd.f32 v14, v4  }
0x22c: {  	v13 =	vld [tilespmem:s0+$0x90];
	[tilespmem:s0+$0x20] =	vst v9;
	v9 =	vadd.f32 v15, v3  }
0x22d: {  	v14 =	vld [tilespmem:s0+$0xA0];
	[tilespmem:s0+$0x30] =	vst v8;
	v8 =	vadd.f32 v61, v2  }
0x22e: {  	v15 =	vld [tilespmem:s0+$0xB0];
	[tilespmem:s0+$0x40] =	vst v9;
	v9 =	vadd.f32 v12, v0  }
0x22f: {  	v62 =	vld [tilespmem:s0+$0xC0];
	v10 =	vadd.f32 v10, v1;
	[tilespmem:s0+$0x50] =	vst v8  }
0x230: {  	v12 =	vld [tilespmem:s0+$0xD0];
	[tilespmem:s0+$0x80] =	vst v9;
	v9 =	vadd.f32 v11, v7  }
0x231: {  	v8 =	vld [tilespmem:s0+$0xE0];
	[tilespmem:s0+$0x60] =	vst v10;
	v10 =	vadd.f32 v13, v5  }
0x232: {  	v11 =	vld [tilespmem:s0+$0xF0];
	[tilespmem:s0+$0x70] =	vst v9;
	v9 =	vadd.f32 v14, v6  }
0x233: {  	v13 =	vld [tilespmem:s0+$0x100];
	[tilespmem:s0+$0x90] =	vst v10;
	v10 =	vadd.f32 v15, v4  }
0x234: {  	v14 =	vld [tilespmem:s0+$0x110];
	[tilespmem:s0+$0xA0] =	vst v9;
	v9 =	vadd.f32 v62, v3  }
0x235: {  	v15 =	vld [tilespmem:s0+$0x120];
	[tilespmem:s0+$0xB0] =	vst v10;
	v10 =	vadd.f32 v12, v2  }
0x236: {  	v12 =	vld [tilespmem:s0+$0x130];
	v8 =	vadd.f32 v8, v1;
	[tilespmem:s0+$0xC0] =	vst v9  }
0x237: {  	v11 =	vadd.f32 v11, v7;
	v9 =	vld [tilespmem:s0+$0x140];
	[tilespmem:s0+$0xD0] =	vst v10  }
0x238: {  	v10 =	vadd.f32 v13, v0;
	v13 =	vld [tilespmem:s0+$0x150];
	[tilespmem:s0+$0xE0] =	vst v8  }
0x239: {  	v8 =	vld [tilespmem:s0+$0x160];
	v14 =	vadd.f32 v14, v5;
	[tilespmem:s0+$0xF0] =	vst v11  }
0x23a: {  	v11 =	vld [tilespmem:s0+$0x170];
	[tilespmem:s0+$0x100] =	vst v10;
	v10 =	vadd.f32 v15, v6  }
0x23b: {  	[tilespmem:s0+$0x110] =	vst v14;
	v12 =	vadd.f32 v12, v4;
	v14 =	vld [tilespmem:s0+$0x180]  }
0x23c: {  	v15 =	vld [tilespmem:s0+$0x190];
	[tilespmem:s0+$0x120] =	vst v10;
	v9 =	vadd.f32 v9, v3  }
0x23d: {  	v63 =	vld [tilespmem:s0+$0x1A0];
	[tilespmem:s0+$0x130] =	vst v12;
	v10 =	vadd.f32 v13, v2  }
0x23e: {  	v12 =	vadd.f32 v8, v1;
	v8 =	vld [tilespmem:s0+$0x1B0];
	[tilespmem:s0+$0x140] =	vst v9  }
0x23f: {  	v11 =	vadd.f32 v11, v7;
	[tilespmem:s0+$0x150] =	vst v10;
	v9 =	vld [tilespmem:s0+$0x1C0]  }
0x240: {  	[tilespmem:s0+$0x160] =	vst v12;
	v10 =	vld [tilespmem:s0+$0x1D0];
	v14 =	vadd.f32 v14, v0  }
0x241: {  	v13 =	vadd.f32 v15, v5;
	[tilespmem:s0+$0x170] =	vst v11;
	v11 =	vld [tilespmem:s0+$0x1E0]  }
0x242: {  	s1 =	simm.s32 $0x0;
	s10 =	simm.s32 $0x4600;
	v12 =	vld [tilespmem:s0+$0xFFFFFE00];
	[tilespmem:s0+$0x180] =	vst v14;
	v14 =	vadd.f32 v63, v6  }
.LBB2_10:
0x243: {  	v15 =	vld [tilespmem:s10+$0x1F0];
	s1 =	sadd.s32 $0x8, s1;
	[tilespmem:s0+$0x190] =	vst v13;
	v8 =	vadd.f32 v8, v4  }
0x244: {  	v13 =	vld [tilespmem:s10+$0xFFFFFE10];
	p0 =	slt.u32 s1, $0xF8;
	[tilespmem:s0+$0x1A0] =	vst v14;
	v9 =	vadd.f32 v9, v3  }
0x245: {  	v14 =	vld [tilespmem:s10+$0xFFFFFE20];
	[tilespmem:s0+$0x1B0] =	vst v8;
	v8 =	vadd.f32 v10, v2  }
0x246: {  	v10 =	vld [tilespmem:s10+$0xFFFFFE30];
	[tilespmem:s0+$0x1C0] =	vst v9;
	v9 =	vadd.f32 v11, v1  }
0x247: {  	v11 =	vld [tilespmem:s10+$0xFFFFFE40];
	v12 =	vadd.f32 v12, v0;
	[tilespmem:s0+$0x1D0] =	vst v8  }
0x248: {  	v8 =	vld [tilespmem:s10+$0xFFFFFE50];
	v15 =	vadd.f32 v15, v7;
	[tilespmem:s0+$0x1E0] =	vst v9  }
0x249: {  	v9 =	vadd.f32 v13, v5;
	v13 =	vld [tilespmem:s10+$0xFFFFFE60];
	[tilespmem:s0+$0xFFFFFE00] =	vst v12;
	s0 =	smov.u32 s10  }
0x24a: {  	v12 =	vadd.f32 v14, v6;
	v14 =	vld [tilespmem:s10+$0xFFFFFE70];
	[tilespmem:s10+$0x1F0] =	vst v15  }
0x24b: {  	[tilespmem:s10+$0xFFFFFE10] =	vst v9;
	v9 =	vadd.f32 v10, v4;
	v10 =	vld [tilespmem:s10+$0xFFFFFE80]  }
0x24c: {  	[tilespmem:s10+$0xFFFFFE20] =	vst v12;
	v11 =	vadd.f32 v11, v3;
	v12 =	vld [tilespmem:s10+$0xFFFFFE90]  }
0x24d: {  	[tilespmem:s10+$0xFFFFFE30] =	vst v9;
	v8 =	vadd.f32 v8, v2;
	v9 =	vld [tilespmem:s10+$0xFFFFFEA0]  }
0x24e: {  	[tilespmem:s10+$0xFFFFFE40] =	vst v11;
	v11 =	vadd.f32 v13, v1;
	v13 =	vld [tilespmem:s10+$0xFFFFFEB0]  }
0x24f: {  	[tilespmem:s10+$0xFFFFFE50] =	vst v8;
	v8 =	vadd.f32 v14, v7;
	v14 =	vld [tilespmem:s10+$0xFFFFFEC0]  }
0x250: {  	[tilespmem:s10+$0xFFFFFE60] =	vst v11;
	v10 =	vadd.f32 v10, v0;
	v11 =	vld [tilespmem:s10+$0xFFFFFED0]  }
0x251: {  	[tilespmem:s10+$0xFFFFFE70] =	vst v8;
	v8 =	vadd.f32 v12, v5;
	v12 =	vld [tilespmem:s10+$0xFFFFFEE0]  }
0x252: {  	[tilespmem:s10+$0xFFFFFE80] =	vst v10;
	v9 =	vadd.f32 v9, v6;
	v10 =	vld [tilespmem:s10+$0xFFFFFEF0]  }
0x253: {  	[tilespmem:s10+$0xFFFFFE90] =	vst v8;
	v8 =	vadd.f32 v13, v4;
	v13 =	vld [tilespmem:s10+$0xFFFFFF00]  }
0x254: {  	[tilespmem:s10+$0xFFFFFEA0] =	vst v9;
	v9 =	vadd.f32 v14, v3;
	v14 =	vld [tilespmem:s10+$0xFFFFFF10]  }
0x255: {  	[tilespmem:s10+$0xFFFFFEB0] =	vst v8;
	v8 =	vadd.f32 v11, v2;
	v11 =	vld [tilespmem:s10+$0xFFFFFF20]  }
0x256: {  	[tilespmem:s10+$0xFFFFFEC0] =	vst v9;
	v9 =	vadd.f32 v12, v1;
	v12 =	vld [tilespmem:s10+$0xFFFFFF30]  }
0x257: {  	[tilespmem:s10+$0xFFFFFED0] =	vst v8;
	v8 =	vadd.f32 v10, v7;
	v10 =	vld [tilespmem:s10+$0xFFFFFF40]  }
0x258: {  	[tilespmem:s10+$0xFFFFFEE0] =	vst v9;
	v9 =	vadd.f32 v13, v0;
	v13 =	vld [tilespmem:s10+$0xFFFFFF50]  }
0x259: {  	[tilespmem:s10+$0xFFFFFEF0] =	vst v8;
	v8 =	vadd.f32 v14, v5;
	v14 =	vld [tilespmem:s10+$0xFFFFFF60]  }
0x25a: {  	[tilespmem:s10+$0xFFFFFF00] =	vst v9;
	v9 =	vadd.f32 v11, v6;
	v11 =	vld [tilespmem:s10+$0xFFFFFF70]  }
0x25b: {  	[tilespmem:s10+$0xFFFFFF10] =	vst v8;
	v8 =	vadd.f32 v12, v4;
	v12 =	vld [tilespmem:s10+$0xFFFFFF80]  }
0x25c: {  	[tilespmem:s10+$0xFFFFFF20] =	vst v9;
	v9 =	vadd.f32 v10, v3;
	v10 =	vld [tilespmem:s10+$0xFFFFFF90]  }
0x25d: {  	[tilespmem:s10+$0xFFFFFF30] =	vst v8;
	v8 =	vadd.f32 v13, v2;
	v13 =	vld [tilespmem:s10+$0xFFFFFFA0]  }
0x25e: {  	[tilespmem:s10+$0xFFFFFF40] =	vst v9;
	v9 =	vadd.f32 v14, v1;
	v14 =	vld [tilespmem:s10+$0xFFFFFFB0]  }
0x25f: {  	[tilespmem:s10+$0xFFFFFF50] =	vst v8;
	v8 =	vadd.f32 v11, v7;
	v11 =	vld [tilespmem:s10+$0xFFFFFFC0]  }
0x260: {  	[tilespmem:s10+$0xFFFFFF60] =	vst v9;
	v9 =	vadd.f32 v12, v0;
	v12 =	vld [tilespmem:s10+$0xFFFFFFD0]  }
0x261: {  	[tilespmem:s10+$0xFFFFFF70] =	vst v8;
	v8 =	vadd.f32 v10, v5;
	v10 =	vld [tilespmem:s10+$0xFFFFFFE0]  }
0x262: {  	[tilespmem:s10+$0xFFFFFF80] =	vst v9;
	v9 =	vadd.f32 v13, v6;
	v13 =	vld [tilespmem:s10+$0xFFFFFFF0]  }
0x263: {  	[tilespmem:s10+$0xFFFFFF90] =	vst v8;
	v8 =	vadd.f32 v14, v4;
	v14 =	vld [tilespmem:s10+$0x0]  }
0x264: {  	[tilespmem:s10+$0xFFFFFFA0] =	vst v9;
	v9 =	vadd.f32 v11, v3;
	v11 =	vld [tilespmem:s10+$0x10]  }
0x265: {  	[tilespmem:s10+$0xFFFFFFB0] =	vst v8;
	v8 =	vadd.f32 v12, v2;
	v12 =	vld [tilespmem:s10+$0x20]  }
0x266: {  	[tilespmem:s10+$0xFFFFFFC0] =	vst v9;
	v9 =	vadd.f32 v10, v1;
	v10 =	vld [tilespmem:s10+$0x30]  }
0x267: {  	[tilespmem:s10+$0xFFFFFFD0] =	vst v8;
	v8 =	vadd.f32 v13, v7;
	v13 =	vld [tilespmem:s10+$0x40]  }
0x268: {  	[tilespmem:s10+$0xFFFFFFE0] =	vst v9;
	v9 =	vadd.f32 v14, v0;
	v14 =	vld [tilespmem:s10+$0x50]  }
0x269: {  	[tilespmem:s10+$0xFFFFFFF0] =	vst v8;
	v8 =	vadd.f32 v11, v5;
	v11 =	vld [tilespmem:s10+$0x60]  }
0x26a: {  	[tilespmem:s10+$0x0] =	vst v9;
	v9 =	vadd.f32 v12, v6;
	v12 =	vld [tilespmem:s10+$0x70]  }
0x26b: {  	[tilespmem:s10+$0x10] =	vst v8;
	v8 =	vadd.f32 v10, v4;
	v10 =	vld [tilespmem:s10+$0x80]  }
0x26c: {  	[tilespmem:s10+$0x20] =	vst v9;
	v9 =	vadd.f32 v13, v3;
	v13 =	vld [tilespmem:s10+$0x90]  }
0x26d: {  	[tilespmem:s10+$0x30] =	vst v8;
	v8 =	vadd.f32 v14, v2;
	v14 =	vld [tilespmem:s10+$0xA0]  }
0x26e: {  	[tilespmem:s10+$0x40] =	vst v9;
	v9 =	vadd.f32 v11, v1;
	v11 =	vld [tilespmem:s10+$0xB0]  }
0x26f: {  	[tilespmem:s10+$0x50] =	vst v8;
	v8 =	vadd.f32 v12, v7;
	v12 =	vld [tilespmem:s10+$0xC0]  }
0x270: {  	[tilespmem:s10+$0x60] =	vst v9;
	v9 =	vadd.f32 v10, v0;
	v10 =	vld [tilespmem:s10+$0xD0]  }
0x271: {  	[tilespmem:s10+$0x70] =	vst v8;
	v8 =	vadd.f32 v13, v5;
	v13 =	vld [tilespmem:s10+$0xE0]  }
0x272: {  	[tilespmem:s10+$0x80] =	vst v9;
	v9 =	vadd.f32 v14, v6;
	v14 =	vld [tilespmem:s10+$0xF0]  }
0x273: {  	[tilespmem:s10+$0x90] =	vst v8;
	v8 =	vadd.f32 v11, v4;
	v11 =	vld [tilespmem:s10+$0x100]  }
0x274: {  	[tilespmem:s10+$0xA0] =	vst v9;
	v9 =	vadd.f32 v12, v3;
	v12 =	vld [tilespmem:s10+$0x110]  }
0x275: {  	[tilespmem:s10+$0xB0] =	vst v8;
	v8 =	vadd.f32 v10, v2;
	v10 =	vld [tilespmem:s10+$0x120]  }
0x276: {  	[tilespmem:s10+$0xC0] =	vst v9;
	v9 =	vadd.f32 v13, v1;
	v13 =	vld [tilespmem:s10+$0x130]  }
0x277: {  	[tilespmem:s10+$0xD0] =	vst v8;
	v8 =	vadd.f32 v14, v7;
	v14 =	vld [tilespmem:s10+$0x140]  }
0x278: {  	[tilespmem:s10+$0xE0] =	vst v9;
	v9 =	vadd.f32 v11, v0;
	v11 =	vld [tilespmem:s10+$0x150]  }
0x279: {  	[tilespmem:s10+$0xF0] =	vst v8;
	v8 =	vadd.f32 v12, v5;
	v12 =	vld [tilespmem:s10+$0x160]  }
0x27a: {  	[tilespmem:s10+$0x100] =	vst v9;
	v9 =	vadd.f32 v10, v6;
	v10 =	vld [tilespmem:s10+$0x170]  }
0x27b: {  	[tilespmem:s10+$0x110] =	vst v8;
	v8 =	vadd.f32 v13, v4;
	v13 =	vld [tilespmem:s10+$0x180]  }
0x27c: {  	[tilespmem:s10+$0x120] =	vst v9;
	v9 =	vadd.f32 v14, v3;
	v14 =	vld [tilespmem:s10+$0x190]  }
0x27d: {  	[tilespmem:s10+$0x130] =	vst v8;
	v11 =	vadd.f32 v11, v2;
	v15 =	vld [tilespmem:s10+$0x1A0]  }
.Ltmp4:
0x27e: {  	[tilespmem:s10+$0x140] =	vst v9;
	v12 =	vadd.f32 v12, v1;
	v8 =	vld [tilespmem:s10+$0x1B0];
	(pc) =	sbr.rel @p0 .LBB2_10-.Ltmp4, $4  }
0x27f: {  	[tilespmem:s10+$0x150] =	vst v11;
	v11 =	vadd.f32 v10, v7;
	v9 =	vld [tilespmem:s10+$0x1C0]  }
0x280: {  	[tilespmem:s10+$0x160] =	vst v12;
	v16 =	vadd.f32 v13, v0;
	v10 =	vld [tilespmem:s10+$0x1D0]  }
0x281: {  	[tilespmem:s10+$0x170] =	vst v11;
	v13 =	vadd.f32 v14, v5;
	v11 =	vld [tilespmem:s10+$0x1E0]  }
0x282: {  	s10 =	sadd.s32 $0x400, s10;
	v12 =	vld [tilespmem:s0+$0xFFFFFE00];
	[tilespmem:s0+$0x180] =	vst v16;
	v14 =	vadd.f32 v15, v6  }
0x283: {  	[tilespmem:s0+$0x190] =	vst v13;
	v4 =	vadd.f32 v8, v4  }
0x284: {  	[tilespmem:s0+$0x1A0] =	vst v14;
	v3 =	vadd.f32 v9, v3  }
0x285: {  	[tilespmem:s0+$0x1B0] =	vst v4;
	v2 =	vadd.f32 v10, v2  }
0x286: {  	[tilespmem:s0+$0x1C0] =	vst v3;
	v1 =	vadd.f32 v11, v1  }
0x287: {  	v0 =	vadd.f32 v12, v0;
	[tilespmem:s0+$0x1D0] =	vst v2  }
0x288: {  	[tilespmem:s0+$0x1E0] =	vst v1  }
0x289: {  	[tilespmem:s0+$0xFFFFFE00] =	vst v0  }
0x28a: {  	[hbm4b:s8+s12] =	stream.strided.scatter [tilespmem:s13], [sflag:$0x4], $0x8000, s18, s12, $0x38;
	[tilespmem:$0x1C800] =	vst v63  }
0x28b: {  	_ =	swait.ge [sflag:s22], $0x8000  }
0x28c: {  	[sflag:s22] =	ssyncset.done $0x0  }
0x28d: {  	s28 =	sadd.s32 $0x1, s28;
	[sflag:s22] =	ssyncadd.s32 $0xFFFF8000  }
0x28e: {  	p0 =	sne.s32 s28, s9;
	_ =	swait.ge [sflag:s25], $0x8000  }
.Ltmp5:
0x28f: {  	[sflag:s25] =	ssyncset.done $0x0;
	(pc) =	sbr.rel @p0 .LBB2_1-.Ltmp5, $4  }
0x290: {  	[sflag:s25] =	ssyncadd.s32 $0xFFFF8000  }
0x291: {  	_ =	swait.ge [sflag:s26], $0x8000  }
0x292: {  	[sflag:s26] =	ssyncset.done $0x0  }
0x293: {  	[sflag:s26] =	ssyncadd.s32 $0xFFFF8000  }
0x294: {  	_ =	sfence.sel $0x180000  }
0x295: {  	[bflag:$0x0] =	sbarrier.arrive $0xFFFF  }
0x296: {  	_ =	strace $0x90000047  }
0x297: {  	s0 =	stileid.u32;
	[bflag:$0x2] =	sbarrier.arrive $0xFFFF  }
0x298: {  	p0 =	sne.s32 s0, $0x0;
	s0 =	rddreg [dreg:$0x2]  }
0x299: {  	s0 =	sadd.s32 @!p0 $0x100000, s0  }
0x29a: {  	[sflag:s0] =	ssyncadd.tile.s32 @!p0 $0x1;
	_ =	shalt  }
.Lfunc_end2:
_tile_overlayer_lowered:
.L_overlay_start_2:
0x29b: {  	(tag) =	ssettag $0x2  }
0x29c: {  	s0 =	rddreg [dreg:$0x0];
	s2 =	stileid.u32  }
0x29d: {  	s1 =	rddreg [dreg:$0x1];
	p0 =	sne.s32 s2, $0x0  }
0x29e: {  	s3 =	rddreg [dreg:$0x2];
	[bflag:$0x3] =	sbarrier.arrive $0xFFFF;
	s2 =	simm.s32 @!p0 $0x1C07  }
0x29f: {  	[timem:s3], [sflag:s2] =	dma.local @!p0 [hbm:s0], s1  }
0x2a0: {  	s0 =	simm.s32 @!p0 $0x7  }
0x2a1: {  	_ =	swait.ge @!p0 [sflag:s0], s1  }
0x2a2: {  	s1 =	ssub.s32 @!p0 $0x0, s1;
	[sflag:s0] =	ssyncset.done @!p0 $0x0  }
0x2a3: {  	[sflag:s0] =	ssyncadd.s32 @!p0 s1  }
0x2a4: {  	[bflag:$0x3] =	sbarrier.arrive $0xFFFF  }
0x2a5: {  	_ =	shalt  }

</sc_bundles>
